<compile_context>
chip_gen: v7x
topology: tpu7x:2x2x1
jax: 0.10.2.dev20260603
libtpu: 0.0.44.dev20260713+nightly
codegen_flags: <defaults>
</compile_context>

<pallas_src>
import functools

import jax
import jax.numpy as jnp
from jax import lax
from jax.experimental import pallas as pl
from jax.experimental.pallas import tpu as pltpu
from jax.experimental.pallas import tpu_sc as plsc

_L = 8192
_DV = 1024
_STRIP = 128
_NSG = _STRIP // 16
_CH = 64
_RING = 512
_HALF = _L // 2
_NCH = _HALF // _CH


@functools.partial(
    pl.kernel,
    out_type=jax.ShapeDtypeStruct((2, _L, _DV), jnp.float32),
    mesh=plsc.VectorSubcoreMesh(core_axis_name="c", subcore_axis_name="s"),
    compiler_params=pltpu.CompilerParams(needs_layout_passes=False),
    scratch_types=[
        pltpu.VMEM((_RING, _STRIP), jnp.float32),
        pltpu.VMEM((_CH, _STRIP), jnp.float32),
        pltpu.VMEM((_CH, _STRIP), jnp.float32),
        pltpu.SemaphoreType.DMA,
        pltpu.SemaphoreType.DMA,
    ],
)
def _swd_sc(v_hbm, out_hbm, ring, ob0, ob1, isem, osem):
    wid = lax.axis_index("s") * 2 + lax.axis_index("c")
    b = wid >> 4
    t = (wid >> 1) & 7
    r0 = (wid & 1) * _HALF
    col0 = t * _STRIP
    u = lax.iota(jnp.int32, 16)

    s_hi = 2 * (t * _STRIP + 126)
    w0 = lax.shift_right_arithmetic(r0 - s_hi, 6)

    def issue_in(chunk_id):
        src = pl.multiple_of((chunk_id & ((_L >> 6) - 1)) * _CH, _CH)
        slot = pl.multiple_of((chunk_id & 7) * _CH, _CH)
        pltpu.async_copy(
            v_hbm.at[b, pl.ds(src, _CH), pl.ds(col0, _STRIP)],
            ring.at[pl.ds(slot, _CH), :],
            isem,
        )

    def wait_in():
        pltpu.make_async_copy(
            v_hbm.at[b, pl.ds(0, _CH), pl.ds(col0, _STRIP)],
            ring.at[pl.ds(0, _CH), :],
            isem,
        ).wait()

    def wait_out(ob):
        pltpu.make_async_copy(
            ob, out_hbm.at[b, pl.ds(0, _CH), pl.ds(col0, _STRIP)], osem
        ).wait()

    for d in range(7):
        issue_in(w0 + d)
    for d in range(6):
        wait_in()

    def chunk_pair_body(c2, _):
        for half, ob in ((0, ob0), (1, ob1)):
            c = 2 * c2 + half
            i0 = r0 + c * _CH

            @pl.when(c < _NCH - 2)
            def _prefetch():
                issue_in(w0 + 7 + c)

            @pl.when(c >= 1)
            def _drain_in():
                wait_in()

            @pl.when(c >= 2)
            def _drain_out():
                wait_out(ob)

            bases = []
            for sg in range(_NSG):
                s_sg = 2 * jnp.maximum(t * _STRIP + sg * 16 + u - 1, 0)
                bases.append(i0 - s_sg)

            @plsc.parallel_loop(0, _CH // 2, unroll=4)
            def pair_body(k, bases=bases, ob=ob):
                for sg in range(_NSG):
                    rowa = (bases[sg] + 2 * k) & (_RING - 1)
                    a = plsc.load_gather(ring, [rowa, sg * 16 + u])
                    bb = plsc.load_gather(ring, [rowa + 1, sg * 16 + u])
                    ob[2 * k, pl.ds(sg * 16, 16)] = jnp.minimum(a, bb)
                    ob[2 * k + 1, pl.ds(sg * 16, 16)] = jnp.maximum(a, bb)
            pltpu.async_copy(
                ob, out_hbm.at[b, pl.ds(i0, _CH), pl.ds(col0, _STRIP)], osem
            )
        return _

    lax.fori_loop(0, _NCH // 2, chunk_pair_body, None)
    wait_out(ob0)
    wait_out(ob1)


def kernel(v):
    return _swd_sc(v)

# --- scband reference (transcript-rebuilt; emitter-appended) ---
"""Pipeline reference for scband-swd-17205638988371 (READ-ONLY COPY).

The authoritative reference and input builder live on the scoring server;
editing this copy changes nothing except your own understanding.
"""

import jax, jax.numpy as jnp
import numpy as np


def _make_butterfly_matrix(v_len, d_v):
    # Faithful to SWD.get_butterfly_matrix: column 0 is arange; column j (j>=1)
    # is arange rotated right by shift = (2*(j-1)) % v_len, i.e. bm[i,j] = (i - shift_j) % v_len.
    # (The butterfly_factor_to_matrix call in the original is dead code: its output is unused.)
    j = jnp.arange(d_v)
    shifts = (2 * jnp.maximum(j - 1, 0)) % v_len
    i = jnp.arange(v_len)[:, None]
    bm = (i - shifts[None, :]) % v_len
    return bm.astype(jnp.int32)


def setup_inputs(seed: int = 0) -> dict:
    key = jax.random.key(seed)
    v = jax.random.normal(key, (2, 8192, 1024), dtype=jnp.float32)
    return {"v": v}


def reference(v):
    batch_size, v_len, d_v = v.shape
    len_sort_window = 2
    bm = _make_butterfly_matrix(v_len, d_v)
    # torch.gather(v, 1, bm): v_shifted[b, i, j] = v[b, bm[i, j], j]
    idx = jnp.broadcast_to(bm[None, :, :], v.shape)
    v_shifted = jnp.take_along_axis(v, idx, axis=1)
    v_shifted = v_shifted.reshape(batch_size, -1, len_sort_window, d_v)
    v_sorted = jnp.sort(v_shifted, axis=2)  # descending=False
    out = v_sorted.reshape(batch_size, v_len, d_v)
    return out

if __name__ == "__main__":
    import jax
    _d = setup_inputs()
    print(jax.jit(kernel)(*tuple(_d.values())))

</pallas_src>

<mosaic_0001>
#map = affine_map<(d0, d1) -> (0, 0, 0)>
module attributes {stable_mosaic.version = 14 : i64} {
  func.func @_swd_sc(%arg0: i32, %arg1: i32, %arg2: memref<2x8192x1024xf32, #tpu.memory_space<hbm>>, %arg3: memref<2x8192x1024xf32, #tpu.memory_space<hbm>>, %arg4: memref<512x128xf32, #tpu.memory_space<vmem>>, %arg5: memref<64x128xf32, #tpu.memory_space<vmem>>, %arg6: memref<64x128xf32, #tpu.memory_space<vmem>>, %arg7: memref<!tpu.dma_semaphore, #tpu.memory_space<semaphore_mem>>, %arg8: memref<!tpu.dma_semaphore, #tpu.memory_space<semaphore_mem>>) attributes {dimension_semantics = [#tpu.dimension_semantics<core_parallel>, #tpu.dimension_semantics<subcore_parallel>], iteration_bounds = array<i64: 2, 16>, scalar_prefetch = 0 : i64, scratch_operands = 5 : i64, tpu.core_type = #tpu.core_type<sc_vector_subcore>, window_params = [{transform_indices = #map}, {transform_indices = #map}]} {
    %mul3A = arith.constant 2 : i32
    %mul3A_0 = arith.muli %arg1, %mul3A : i32
    %add3A = arith.addi %mul3A_0, %arg0 : i32
    %shift_right_arithmetic3A = arith.constant 4 : i32
    %shift_right_arithmetic3A_1 = arith.shrsi %add3A, %shift_right_arithmetic3A : i32
    %shift_right_arithmetic3A_2 = arith.constant 1 : i32
    %shift_right_arithmetic3A_3 = arith.shrsi %add3A, %shift_right_arithmetic3A_2 : i32
    %and3A = arith.constant 7 : i32
    %and3A_4 = arith.andi %shift_right_arithmetic3A_3, %and3A : i32
    %and3A_5 = arith.constant 1 : i32
    %and3A_6 = arith.andi %add3A, %and3A_5 : i32
    %mul3A_7 = arith.constant 4096 : i32
    %mul3A_8 = arith.muli %and3A_6, %mul3A_7 : i32
    %mul3A_9 = arith.constant 128 : i32
    %mul3A_10 = arith.muli %and3A_4, %mul3A_9 : i32
    %iota3A = tpu.iota {dimensions = array<i32: 0>} : vector<16xi32>
    %mul3A_11 = arith.constant 128 : i32
    %mul3A_12 = arith.muli %and3A_4, %mul3A_11 : i32
    %add3A_13 = arith.constant 126 : i32
    %add3A_14 = arith.addi %mul3A_12, %add3A_13 : i32
    %mul3A_15 = arith.constant 2 : i32
    %mul3A_16 = arith.muli %mul3A_15, %add3A_14 : i32
    %sub3A = arith.subi %mul3A_8, %mul3A_16 : i32
    %shift_right_arithmetic3A_17 = arith.constant 6 : i32
    %shift_right_arithmetic3A_18 = arith.shrsi %sub3A, %shift_right_arithmetic3A_17 : i32
    %add3A_19 = arith.constant 0 : i32
    %add3A_20 = arith.addi %shift_right_arithmetic3A_18, %add3A_19 : i32
    %and3A_21 = arith.constant 127 : i32
    %and3A_22 = arith.andi %add3A_20, %and3A_21 : i32
    %mul3A_23 = arith.constant 64 : i32
    %mul3A_24 = arith.muli %and3A_22, %mul3A_23 : i32
    %multiple_of3A = tpu.assume_multiple %mul3A_24, 64 : i32
    %and3A_25 = arith.constant 7 : i32
    %and3A_26 = arith.andi %add3A_20, %and3A_25 : i32
    %mul3A_27 = arith.constant 64 : i32
    %mul3A_28 = arith.muli %and3A_26, %mul3A_27 : i32
    %multiple_of3A_29 = tpu.assume_multiple %mul3A_28, 64 : i32
    %dma_start3A = arith.constant 0 : i32
    %dma_start3A_30 = tpu.memref_slice %arg4[%multiple_of3A_29, %dma_start3A] : memref<512x128xf32, #tpu.memory_space<vmem>> -> memref<64x128xf32, #tpu.memory_space<vmem>>
    %dma_start3A_31 = tpu.memref_slice %arg2[%shift_right_arithmetic3A_1, %multiple_of3A, %mul3A_10] : memref<2x8192x1024xf32, #tpu.memory_space<hbm>> -> memref<1x64x128xf32, #tpu.memory_space<hbm>>
    %dma_start3A_32 = tpu.memref_squeeze %dma_start3A_31 : memref<1x64x128xf32, #tpu.memory_space<hbm>> -> memref<64x128xf32, #tpu.memory_space<hbm>>
    %dma_start3A_33 = arith.constant 0 : i32
    %dma_start3A_34 = tpu.memref_slice %arg4[%multiple_of3A_29, %dma_start3A_33] : memref<512x128xf32, #tpu.memory_space<vmem>> -> memref<64x128xf32, #tpu.memory_space<vmem>>
    %dma_start3A_35 = tpu.memref_slice %arg2[%shift_right_arithmetic3A_1, %multiple_of3A, %mul3A_10] : memref<2x8192x1024xf32, #tpu.memory_space<hbm>> -> memref<1x64x128xf32, #tpu.memory_space<hbm>>
    %dma_start3A_36 = tpu.memref_squeeze %dma_start3A_35 : memref<1x64x128xf32, #tpu.memory_space<hbm>> -> memref<64x128xf32, #tpu.memory_space<hbm>>
    tpu.enqueue_dma source(%dma_start3A_36 : memref<64x128xf32, #tpu.memory_space<hbm>>) target(%dma_start3A_34 : memref<64x128xf32, #tpu.memory_space<vmem>>) target_semaphore(%arg7 : memref<!tpu.dma_semaphore, #tpu.memory_space<semaphore_mem>>)
    %add3A_37 = arith.constant 1 : i32
    %add3A_38 = arith.addi %shift_right_arithmetic3A_18, %add3A_37 : i32
    %and3A_39 = arith.constant 127 : i32
    %and3A_40 = arith.andi %add3A_38, %and3A_39 : i32
    %mul3A_41 = arith.constant 64 : i32
    %mul3A_42 = arith.muli %and3A_40, %mul3A_41 : i32
    %multiple_of3A_43 = tpu.assume_multiple %mul3A_42, 64 : i32
    %and3A_44 = arith.constant 7 : i32
    %and3A_45 = arith.andi %add3A_38, %and3A_44 : i32
    %mul3A_46 = arith.constant 64 : i32
    %mul3A_47 = arith.muli %and3A_45, %mul3A_46 : i32
    %multiple_of3A_48 = tpu.assume_multiple %mul3A_47, 64 : i32
    %dma_start3A_49 = arith.constant 0 : i32
    %dma_start3A_50 = tpu.memref_slice %arg4[%multiple_of3A_48, %dma_start3A_49] : memref<512x128xf32, #tpu.memory_space<vmem>> -> memref<64x128xf32, #tpu.memory_space<vmem>>
    %dma_start3A_51 = tpu.memref_slice %arg2[%shift_right_arithmetic3A_1, %multiple_of3A_43, %mul3A_10] : memref<2x8192x1024xf32, #tpu.memory_space<hbm>> -> memref<1x64x128xf32, #tpu.memory_space<hbm>>
    %dma_start3A_52 = tpu.memref_squeeze %dma_start3A_51 : memref<1x64x128xf32, #tpu.memory_space<hbm>> -> memref<64x128xf32, #tpu.memory_space<hbm>>
    %dma_start3A_53 = arith.constant 0 : i32
    %dma_start3A_54 = tpu.memref_slice %arg4[%multiple_of3A_48, %dma_start3A_53] : memref<512x128xf32, #tpu.memory_space<vmem>> -> memref<64x128xf32, #tpu.memory_space<vmem>>
    %dma_start3A_55 = tpu.memref_slice %arg2[%shift_right_arithmetic3A_1, %multiple_of3A_43, %mul3A_10] : memref<2x8192x1024xf32, #tpu.memory_space<hbm>> -> memref<1x64x128xf32, #tpu.memory_space<hbm>>
    %dma_start3A_56 = tpu.memref_squeeze %dma_start3A_55 : memref<1x64x128xf32, #tpu.memory_space<hbm>> -> memref<64x128xf32, #tpu.memory_space<hbm>>
    tpu.enqueue_dma source(%dma_start3A_56 : memref<64x128xf32, #tpu.memory_space<hbm>>) target(%dma_start3A_54 : memref<64x128xf32, #tpu.memory_space<vmem>>) target_semaphore(%arg7 : memref<!tpu.dma_semaphore, #tpu.memory_space<semaphore_mem>>)
    %add3A_57 = arith.constant 2 : i32
    %add3A_58 = arith.addi %shift_right_arithmetic3A_18, %add3A_57 : i32
    %and3A_59 = arith.constant 127 : i32
    %and3A_60 = arith.andi %add3A_58, %and3A_59 : i32
    %mul3A_61 = arith.constant 64 : i32
    %mul3A_62 = arith.muli %and3A_60, %mul3A_61 : i32
    %multiple_of3A_63 = tpu.assume_multiple %mul3A_62, 64 : i32
    %and3A_64 = arith.constant 7 : i32
    %and3A_65 = arith.andi %add3A_58, %and3A_64 : i32
    %mul3A_66 = arith.constant 64 : i32
    %mul3A_67 = arith.muli %and3A_65, %mul3A_66 : i32
    %multiple_of3A_68 = tpu.assume_multiple %mul3A_67, 64 : i32
    %dma_start3A_69 = arith.constant 0 : i32
    %dma_start3A_70 = tpu.memref_slice %arg4[%multiple_of3A_68, %dma_start3A_69] : memref<512x128xf32, #tpu.memory_space<vmem>> -> memref<64x128xf32, #tpu.memory_space<vmem>>
    %dma_start3A_71 = tpu.memref_slice %arg2[%shift_right_arithmetic3A_1, %multiple_of3A_63, %mul3A_10] : memref<2x8192x1024xf32, #tpu.memory_space<hbm>> -> memref<1x64x128xf32, #tpu.memory_space<hbm>>
    %dma_start3A_72 = tpu.memref_squeeze %dma_start3A_71 : memref<1x64x128xf32, #tpu.memory_space<hbm>> -> memref<64x128xf32, #tpu.memory_space<hbm>>
    %dma_start3A_73 = arith.constant 0 : i32
    %dma_start3A_74 = tpu.memref_slice %arg4[%multiple_of3A_68, %dma_start3A_73] : memref<512x128xf32, #tpu.memory_space<vmem>> -> memref<64x128xf32, #tpu.memory_space<vmem>>
    %dma_start3A_75 = tpu.memref_slice %arg2[%shift_right_arithmetic3A_1, %multiple_of3A_63, %mul3A_10] : memref<2x8192x1024xf32, #tpu.memory_space<hbm>> -> memref<1x64x128xf32, #tpu.memory_space<hbm>>
    %dma_start3A_76 = tpu.memref_squeeze %dma_start3A_75 : memref<1x64x128xf32, #tpu.memory_space<hbm>> -> memref<64x128xf32, #tpu.memory_space<hbm>>
    tpu.enqueue_dma source(%dma_start3A_76 : memref<64x128xf32, #tpu.memory_space<hbm>>) target(%dma_start3A_74 : memref<64x128xf32, #tpu.memory_space<vmem>>) target_semaphore(%arg7 : memref<!tpu.dma_semaphore, #tpu.memory_space<semaphore_mem>>)
    %add3A_77 = arith.constant 3 : i32
    %add3A_78 = arith.addi %shift_right_arithmetic3A_18, %add3A_77 : i32
    %and3A_79 = arith.constant 127 : i32
    %and3A_80 = arith.andi %add3A_78, %and3A_79 : i32
    %mul3A_81 = arith.constant 64 : i32
    %mul3A_82 = arith.muli %and3A_80, %mul3A_81 : i32
    %multiple_of3A_83 = tpu.assume_multiple %mul3A_82, 64 : i32
    %and3A_84 = arith.constant 7 : i32
    %and3A_85 = arith.andi %add3A_78, %and3A_84 : i32
    %mul3A_86 = arith.constant 64 : i32
    %mul3A_87 = arith.muli %and3A_85, %mul3A_86 : i32
    %multiple_of3A_88 = tpu.assume_multiple %mul3A_87, 64 : i32
    %dma_start3A_89 = arith.constant 0 : i32
    %dma_start3A_90 = tpu.memref_slice %arg4[%multiple_of3A_88, %dma_start3A_89] : memref<512x128xf32, #tpu.memory_space<vmem>> -> memref<64x128xf32, #tpu.memory_space<vmem>>
    %dma_start3A_91 = tpu.memref_slice %arg2[%shift_right_arithmetic3A_1, %multiple_of3A_83, %mul3A_10] : memref<2x8192x1024xf32, #tpu.memory_space<hbm>> -> memref<1x64x128xf32, #tpu.memory_space<hbm>>
    %dma_start3A_92 = tpu.memref_squeeze %dma_start3A_91 : memref<1x64x128xf32, #tpu.memory_space<hbm>> -> memref<64x128xf32, #tpu.memory_space<hbm>>
    %dma_start3A_93 = arith.constant 0 : i32
    %dma_start3A_94 = tpu.memref_slice %arg4[%multiple_of3A_88, %dma_start3A_93] : memref<512x128xf32, #tpu.memory_space<vmem>> -> memref<64x128xf32, #tpu.memory_space<vmem>>
    %dma_start3A_95 = tpu.memref_slice %arg2[%shift_right_arithmetic3A_1, %multiple_of3A_83, %mul3A_10] : memref<2x8192x1024xf32, #tpu.memory_space<hbm>> -> memref<1x64x128xf32, #tpu.memory_space<hbm>>
    %dma_start3A_96 = tpu.memref_squeeze %dma_start3A_95 : memref<1x64x128xf32, #tpu.memory_space<hbm>> -> memref<64x128xf32, #tpu.memory_space<hbm>>
    tpu.enqueue_dma source(%dma_start3A_96 : memref<64x128xf32, #tpu.memory_space<hbm>>) target(%dma_start3A_94 : memref<64x128xf32, #tpu.memory_space<vmem>>) target_semaphore(%arg7 : memref<!tpu.dma_semaphore, #tpu.memory_space<semaphore_mem>>)
    %add3A_97 = arith.constant 4 : i32
    %add3A_98 = arith.addi %shift_right_arithmetic3A_18, %add3A_97 : i32
    %and3A_99 = arith.constant 127 : i32
    %and3A_100 = arith.andi %add3A_98, %and3A_99 : i32
    %mul3A_101 = arith.constant 64 : i32
    %mul3A_102 = arith.muli %and3A_100, %mul3A_101 : i32
    %multiple_of3A_103 = tpu.assume_multiple %mul3A_102, 64 : i32
    %and3A_104 = arith.constant 7 : i32
    %and3A_105 = arith.andi %add3A_98, %and3A_104 : i32
    %mul3A_106 = arith.constant 64 : i32
    %mul3A_107 = arith.muli %and3A_105, %mul3A_106 : i32
    %multiple_of3A_108 = tpu.assume_multiple %mul3A_107, 64 : i32
    %dma_start3A_109 = arith.constant 0 : i32
    %dma_start3A_110 = tpu.memref_slice %arg4[%multiple_of3A_108, %dma_start3A_109] : memref<512x128xf32, #tpu.memory_space<vmem>> -> memref<64x128xf32, #tpu.memory_space<vmem>>
    %dma_start3A_111 = tpu.memref_slice %arg2[%shift_right_arithmetic3A_1, %multiple_of3A_103, %mul3A_10] : memref<2x8192x1024xf32, #tpu.memory_space<hbm>> -> memref<1x64x128xf32, #tpu.memory_space<hbm>>
    %dma_start3A_112 = tpu.memref_squeeze %dma_start3A_111 : memref<1x64x128xf32, #tpu.memory_space<hbm>> -> memref<64x128xf32, #tpu.memory_space<hbm>>
    %dma_start3A_113 = arith.constant 0 : i32
    %dma_start3A_114 = tpu.memref_slice %arg4[%multiple_of3A_108, %dma_start3A_113] : memref<512x128xf32, #tpu.memory_space<vmem>> -> memref<64x128xf32, #tpu.memory_space<vmem>>
    %dma_start3A_115 = tpu.memref_slice %arg2[%shift_right_arithmetic3A_1, %multiple_of3A_103, %mul3A_10] : memref<2x8192x1024xf32, #tpu.memory_space<hbm>> -> memref<1x64x128xf32, #tpu.memory_space<hbm>>
    %dma_start3A_116 = tpu.memref_squeeze %dma_start3A_115 : memref<1x64x128xf32, #tpu.memory_space<hbm>> -> memref<64x128xf32, #tpu.memory_space<hbm>>
    tpu.enqueue_dma source(%dma_start3A_116 : memref<64x128xf32, #tpu.memory_space<hbm>>) target(%dma_start3A_114 : memref<64x128xf32, #tpu.memory_space<vmem>>) target_semaphore(%arg7 : memref<!tpu.dma_semaphore, #tpu.memory_space<semaphore_mem>>)
    %add3A_117 = arith.constant 5 : i32
    %add3A_118 = arith.addi %shift_right_arithmetic3A_18, %add3A_117 : i32
    %and3A_119 = arith.constant 127 : i32
    %and3A_120 = arith.andi %add3A_118, %and3A_119 : i32
    %mul3A_121 = arith.constant 64 : i32
    %mul3A_122 = arith.muli %and3A_120, %mul3A_121 : i32
    %multiple_of3A_123 = tpu.assume_multiple %mul3A_122, 64 : i32
    %and3A_124 = arith.constant 7 : i32
    %and3A_125 = arith.andi %add3A_118, %and3A_124 : i32
    %mul3A_126 = arith.constant 64 : i32
    %mul3A_127 = arith.muli %and3A_125, %mul3A_126 : i32
    %multiple_of3A_128 = tpu.assume_multiple %mul3A_127, 64 : i32
    %dma_start3A_129 = arith.constant 0 : i32
    %dma_start3A_130 = tpu.memref_slice %arg4[%multiple_of3A_128, %dma_start3A_129] : memref<512x128xf32, #tpu.memory_space<vmem>> -> memref<64x128xf32, #tpu.memory_space<vmem>>
    %dma_start3A_131 = tpu.memref_slice %arg2[%shift_right_arithmetic3A_1, %multiple_of3A_123, %mul3A_10] : memref<2x8192x1024xf32, #tpu.memory_space<hbm>> -> memref<1x64x128xf32, #tpu.memory_space<hbm>>
    %dma_start3A_132 = tpu.memref_squeeze %dma_start3A_131 : memref<1x64x128xf32, #tpu.memory_space<hbm>> -> memref<64x128xf32, #tpu.memory_space<hbm>>
    %dma_start3A_133 = arith.constant 0 : i32
    %dma_start3A_134 = tpu.memref_slice %arg4[%multiple_of3A_128, %dma_start3A_133] : memref<512x128xf32, #tpu.memory_space<vmem>> -> memref<64x128xf32, #tpu.memory_space<vmem>>
    %dma_start3A_135 = tpu.memref_slice %arg2[%shift_right_arithmetic3A_1, %multiple_of3A_123, %mul3A_10] : memref<2x8192x1024xf32, #tpu.memory_space<hbm>> -> memref<1x64x128xf32, #tpu.memory_space<hbm>>
    %dma_start3A_136 = tpu.memref_squeeze %dma_start3A_135 : memref<1x64x128xf32, #tpu.memory_space<hbm>> -> memref<64x128xf32, #tpu.memory_space<hbm>>
    tpu.enqueue_dma source(%dma_start3A_136 : memref<64x128xf32, #tpu.memory_space<hbm>>) target(%dma_start3A_134 : memref<64x128xf32, #tpu.memory_space<vmem>>) target_semaphore(%arg7 : memref<!tpu.dma_semaphore, #tpu.memory_space<semaphore_mem>>)
    %add3A_137 = arith.constant 6 : i32
    %add3A_138 = arith.addi %shift_right_arithmetic3A_18, %add3A_137 : i32
    %and3A_139 = arith.constant 127 : i32
    %and3A_140 = arith.andi %add3A_138, %and3A_139 : i32
    %mul3A_141 = arith.constant 64 : i32
    %mul3A_142 = arith.muli %and3A_140, %mul3A_141 : i32
    %multiple_of3A_143 = tpu.assume_multiple %mul3A_142, 64 : i32
    %and3A_144 = arith.constant 7 : i32
    %and3A_145 = arith.andi %add3A_138, %and3A_144 : i32
    %mul3A_146 = arith.constant 64 : i32
    %mul3A_147 = arith.muli %and3A_145, %mul3A_146 : i32
    %multiple_of3A_148 = tpu.assume_multiple %mul3A_147, 64 : i32
    %dma_start3A_149 = arith.constant 0 : i32
    %dma_start3A_150 = tpu.memref_slice %arg4[%multiple_of3A_148, %dma_start3A_149] : memref<512x128xf32, #tpu.memory_space<vmem>> -> memref<64x128xf32, #tpu.memory_space<vmem>>
    %dma_start3A_151 = tpu.memref_slice %arg2[%shift_right_arithmetic3A_1, %multiple_of3A_143, %mul3A_10] : memref<2x8192x1024xf32, #tpu.memory_space<hbm>> -> memref<1x64x128xf32, #tpu.memory_space<hbm>>
    %dma_start3A_152 = tpu.memref_squeeze %dma_start3A_151 : memref<1x64x128xf32, #tpu.memory_space<hbm>> -> memref<64x128xf32, #tpu.memory_space<hbm>>
    %dma_start3A_153 = arith.constant 0 : i32
    %dma_start3A_154 = tpu.memref_slice %arg4[%multiple_of3A_148, %dma_start3A_153] : memref<512x128xf32, #tpu.memory_space<vmem>> -> memref<64x128xf32, #tpu.memory_space<vmem>>
    %dma_start3A_155 = tpu.memref_slice %arg2[%shift_right_arithmetic3A_1, %multiple_of3A_143, %mul3A_10] : memref<2x8192x1024xf32, #tpu.memory_space<hbm>> -> memref<1x64x128xf32, #tpu.memory_space<hbm>>
    %dma_start3A_156 = tpu.memref_squeeze %dma_start3A_155 : memref<1x64x128xf32, #tpu.memory_space<hbm>> -> memref<64x128xf32, #tpu.memory_space<hbm>>
    tpu.enqueue_dma source(%dma_start3A_156 : memref<64x128xf32, #tpu.memory_space<hbm>>) target(%dma_start3A_154 : memref<64x128xf32, #tpu.memory_space<vmem>>) target_semaphore(%arg7 : memref<!tpu.dma_semaphore, #tpu.memory_space<semaphore_mem>>)
    %dma_wait3A = arith.constant 0 : i32
    %dma_wait3A_157 = arith.constant 0 : i32
    %dma_wait3A_158 = tpu.memref_slice %arg4[%dma_wait3A, %dma_wait3A_157] : memref<512x128xf32, #tpu.memory_space<vmem>> -> memref<64x128xf32, #tpu.memory_space<vmem>>
    %dma_wait3A_159 = arith.constant 0 : i32
    %dma_wait3A_160 = tpu.memref_slice %arg2[%shift_right_arithmetic3A_1, %dma_wait3A_159, %mul3A_10] : memref<2x8192x1024xf32, #tpu.memory_space<hbm>> -> memref<1x64x128xf32, #tpu.memory_space<hbm>>
    %dma_wait3A_161 = tpu.memref_squeeze %dma_wait3A_160 : memref<1x64x128xf32, #tpu.memory_space<hbm>> -> memref<64x128xf32, #tpu.memory_space<hbm>>
    %dma_wait3A_162 = arith.constant 0 : i32
    %dma_wait3A_163 = arith.constant 0 : i32
    %dma_wait3A_164 = tpu.memref_slice %arg4[%dma_wait3A_162, %dma_wait3A_163] : memref<512x128xf32, #tpu.memory_space<vmem>> -> memref<64x128xf32, #tpu.memory_space<vmem>>
    %dma_wait3A_165 = arith.constant 0 : i32
    %dma_wait3A_166 = tpu.memref_slice %arg2[%shift_right_arithmetic3A_1, %dma_wait3A_165, %mul3A_10] : memref<2x8192x1024xf32, #tpu.memory_space<hbm>> -> memref<1x64x128xf32, #tpu.memory_space<hbm>>
    %dma_wait3A_167 = tpu.memref_squeeze %dma_wait3A_166 : memref<1x64x128xf32, #tpu.memory_space<hbm>> -> memref<64x128xf32, #tpu.memory_space<hbm>>
    tpu.wait_dma2 semaphore(%arg7 : memref<!tpu.dma_semaphore, #tpu.memory_space<semaphore_mem>>) src(%dma_wait3A_167 : memref<64x128xf32, #tpu.memory_space<hbm>>) dst(%dma_wait3A_164 : memref<64x128xf32, #tpu.memory_space<vmem>>)
    %dma_wait3A_168 = arith.constant 0 : i32
    %dma_wait3A_169 = arith.constant 0 : i32
    %dma_wait3A_170 = tpu.memref_slice %arg4[%dma_wait3A_168, %dma_wait3A_169] : memref<512x128xf32, #tpu.memory_space<vmem>> -> memref<64x128xf32, #tpu.memory_space<vmem>>
    %dma_wait3A_171 = arith.constant 0 : i32
    %dma_wait3A_172 = tpu.memref_slice %arg2[%shift_right_arithmetic3A_1, %dma_wait3A_171, %mul3A_10] : memref<2x8192x1024xf32, #tpu.memory_space<hbm>> -> memref<1x64x128xf32, #tpu.memory_space<hbm>>
    %dma_wait3A_173 = tpu.memref_squeeze %dma_wait3A_172 : memref<1x64x128xf32, #tpu.memory_space<hbm>> -> memref<64x128xf32, #tpu.memory_space<hbm>>
    %dma_wait3A_174 = arith.constant 0 : i32
    %dma_wait3A_175 = arith.constant 0 : i32
    %dma_wait3A_176 = tpu.memref_slice %arg4[%dma_wait3A_174, %dma_wait3A_175] : memref<512x128xf32, #tpu.memory_space<vmem>> -> memref<64x128xf32, #tpu.memory_space<vmem>>
    %dma_wait3A_177 = arith.constant 0 : i32
    %dma_wait3A_178 = tpu.memref_slice %arg2[%shift_right_arithmetic3A_1, %dma_wait3A_177, %mul3A_10] : memref<2x8192x1024xf32, #tpu.memory_space<hbm>> -> memref<1x64x128xf32, #tpu.memory_space<hbm>>
    %dma_wait3A_179 = tpu.memref_squeeze %dma_wait3A_178 : memref<1x64x128xf32, #tpu.memory_space<hbm>> -> memref<64x128xf32, #tpu.memory_space<hbm>>
    tpu.wait_dma2 semaphore(%arg7 : memref<!tpu.dma_semaphore, #tpu.memory_space<semaphore_mem>>) src(%dma_wait3A_179 : memref<64x128xf32, #tpu.memory_space<hbm>>) dst(%dma_wait3A_176 : memref<64x128xf32, #tpu.memory_space<vmem>>)
    %dma_wait3A_180 = arith.constant 0 : i32
    %dma_wait3A_181 = arith.constant 0 : i32
    %dma_wait3A_182 = tpu.memref_slice %arg4[%dma_wait3A_180, %dma_wait3A_181] : memref<512x128xf32, #tpu.memory_space<vmem>> -> memref<64x128xf32, #tpu.memory_space<vmem>>
    %dma_wait3A_183 = arith.constant 0 : i32
    %dma_wait3A_184 = tpu.memref_slice %arg2[%shift_right_arithmetic3A_1, %dma_wait3A_183, %mul3A_10] : memref<2x8192x1024xf32, #tpu.memory_space<hbm>> -> memref<1x64x128xf32, #tpu.memory_space<hbm>>
    %dma_wait3A_185 = tpu.memref_squeeze %dma_wait3A_184 : memref<1x64x128xf32, #tpu.memory_space<hbm>> -> memref<64x128xf32, #tpu.memory_space<hbm>>
    %dma_wait3A_186 = arith.constant 0 : i32
    %dma_wait3A_187 = arith.constant 0 : i32
    %dma_wait3A_188 = tpu.memref_slice %arg4[%dma_wait3A_186, %dma_wait3A_187] : memref<512x128xf32, #tpu.memory_space<vmem>> -> memref<64x128xf32, #tpu.memory_space<vmem>>
    %dma_wait3A_189 = arith.constant 0 : i32
    %dma_wait3A_190 = tpu.memref_slice %arg2[%shift_right_arithmetic3A_1, %dma_wait3A_189, %mul3A_10] : memref<2x8192x1024xf32, #tpu.memory_space<hbm>> -> memref<1x64x128xf32, #tpu.memory_space<hbm>>
    %dma_wait3A_191 = tpu.memref_squeeze %dma_wait3A_190 : memref<1x64x128xf32, #tpu.memory_space<hbm>> -> memref<64x128xf32, #tpu.memory_space<hbm>>
    tpu.wait_dma2 semaphore(%arg7 : memref<!tpu.dma_semaphore, #tpu.memory_space<semaphore_mem>>) src(%dma_wait3A_191 : memref<64x128xf32, #tpu.memory_space<hbm>>) dst(%dma_wait3A_188 : memref<64x128xf32, #tpu.memory_space<vmem>>)
    %dma_wait3A_192 = arith.constant 0 : i32
    %dma_wait3A_193 = arith.constant 0 : i32
    %dma_wait3A_194 = tpu.memref_slice %arg4[%dma_wait3A_192, %dma_wait3A_193] : memref<512x128xf32, #tpu.memory_space<vmem>> -> memref<64x128xf32, #tpu.memory_space<vmem>>
    %dma_wait3A_195 = arith.constant 0 : i32
    %dma_wait3A_196 = tpu.memref_slice %arg2[%shift_right_arithmetic3A_1, %dma_wait3A_195, %mul3A_10] : memref<2x8192x1024xf32, #tpu.memory_space<hbm>> -> memref<1x64x128xf32, #tpu.memory_space<hbm>>
    %dma_wait3A_197 = tpu.memref_squeeze %dma_wait3A_196 : memref<1x64x128xf32, #tpu.memory_space<hbm>> -> memref<64x128xf32, #tpu.memory_space<hbm>>
    %dma_wait3A_198 = arith.constant 0 : i32
    %dma_wait3A_199 = arith.constant 0 : i32
    %dma_wait3A_200 = tpu.memref_slice %arg4[%dma_wait3A_198, %dma_wait3A_199] : memref<512x128xf32, #tpu.memory_space<vmem>> -> memref<64x128xf32, #tpu.memory_space<vmem>>
    %dma_wait3A_201 = arith.constant 0 : i32
    %dma_wait3A_202 = tpu.memref_slice %arg2[%shift_right_arithmetic3A_1, %dma_wait3A_201, %mul3A_10] : memref<2x8192x1024xf32, #tpu.memory_space<hbm>> -> memref<1x64x128xf32, #tpu.memory_space<hbm>>
    %dma_wait3A_203 = tpu.memref_squeeze %dma_wait3A_202 : memref<1x64x128xf32, #tpu.memory_space<hbm>> -> memref<64x128xf32, #tpu.memory_space<hbm>>
    tpu.wait_dma2 semaphore(%arg7 : memref<!tpu.dma_semaphore, #tpu.memory_space<semaphore_mem>>) src(%dma_wait3A_203 : memref<64x128xf32, #tpu.memory_space<hbm>>) dst(%dma_wait3A_200 : memref<64x128xf32, #tpu.memory_space<vmem>>)
    %dma_wait3A_204 = arith.constant 0 : i32
    %dma_wait3A_205 = arith.constant 0 : i32
    %dma_wait3A_206 = tpu.memref_slice %arg4[%dma_wait3A_204, %dma_wait3A_205] : memref<512x128xf32, #tpu.memory_space<vmem>> -> memref<64x128xf32, #tpu.memory_space<vmem>>
    %dma_wait3A_207 = arith.constant 0 : i32
    %dma_wait3A_208 = tpu.memref_slice %arg2[%shift_right_arithmetic3A_1, %dma_wait3A_207, %mul3A_10] : memref<2x8192x1024xf32, #tpu.memory_space<hbm>> -> memref<1x64x128xf32, #tpu.memory_space<hbm>>
    %dma_wait3A_209 = tpu.memref_squeeze %dma_wait3A_208 : memref<1x64x128xf32, #tpu.memory_space<hbm>> -> memref<64x128xf32, #tpu.memory_space<hbm>>
    %dma_wait3A_210 = arith.constant 0 : i32
    %dma_wait3A_211 = arith.constant 0 : i32
    %dma_wait3A_212 = tpu.memref_slice %arg4[%dma_wait3A_210, %dma_wait3A_211] : memref<512x128xf32, #tpu.memory_space<vmem>> -> memref<64x128xf32, #tpu.memory_space<vmem>>
    %dma_wait3A_213 = arith.constant 0 : i32
    %dma_wait3A_214 = tpu.memref_slice %arg2[%shift_right_arithmetic3A_1, %dma_wait3A_213, %mul3A_10] : memref<2x8192x1024xf32, #tpu.memory_space<hbm>> -> memref<1x64x128xf32, #tpu.memory_space<hbm>>
    %dma_wait3A_215 = tpu.memref_squeeze %dma_wait3A_214 : memref<1x64x128xf32, #tpu.memory_space<hbm>> -> memref<64x128xf32, #tpu.memory_space<hbm>>
    tpu.wait_dma2 semaphore(%arg7 : memref<!tpu.dma_semaphore, #tpu.memory_space<semaphore_mem>>) src(%dma_wait3A_215 : memref<64x128xf32, #tpu.memory_space<hbm>>) dst(%dma_wait3A_212 : memref<64x128xf32, #tpu.memory_space<vmem>>)
    %dma_wait3A_216 = arith.constant 0 : i32
    %dma_wait3A_217 = arith.constant 0 : i32
    %dma_wait3A_218 = tpu.memref_slice %arg4[%dma_wait3A_216, %dma_wait3A_217] : memref<512x128xf32, #tpu.memory_space<vmem>> -> memref<64x128xf32, #tpu.memory_space<vmem>>
    %dma_wait3A_219 = arith.constant 0 : i32
    %dma_wait3A_220 = tpu.memref_slice %arg2[%shift_right_arithmetic3A_1, %dma_wait3A_219, %mul3A_10] : memref<2x8192x1024xf32, #tpu.memory_space<hbm>> -> memref<1x64x128xf32, #tpu.memory_space<hbm>>
    %dma_wait3A_221 = tpu.memref_squeeze %dma_wait3A_220 : memref<1x64x128xf32, #tpu.memory_space<hbm>> -> memref<64x128xf32, #tpu.memory_space<hbm>>
    %dma_wait3A_222 = arith.constant 0 : i32
    %dma_wait3A_223 = arith.constant 0 : i32
    %dma_wait3A_224 = tpu.memref_slice %arg4[%dma_wait3A_222, %dma_wait3A_223] : memref<512x128xf32, #tpu.memory_space<vmem>> -> memref<64x128xf32, #tpu.memory_space<vmem>>
    %dma_wait3A_225 = arith.constant 0 : i32
    %dma_wait3A_226 = tpu.memref_slice %arg2[%shift_right_arithmetic3A_1, %dma_wait3A_225, %mul3A_10] : memref<2x8192x1024xf32, #tpu.memory_space<hbm>> -> memref<1x64x128xf32, #tpu.memory_space<hbm>>
    %dma_wait3A_227 = tpu.memref_squeeze %dma_wait3A_226 : memref<1x64x128xf32, #tpu.memory_space<hbm>> -> memref<64x128xf32, #tpu.memory_space<hbm>>
    tpu.wait_dma2 semaphore(%arg7 : memref<!tpu.dma_semaphore, #tpu.memory_space<semaphore_mem>>) src(%dma_wait3A_227 : memref<64x128xf32, #tpu.memory_space<hbm>>) dst(%dma_wait3A_224 : memref<64x128xf32, #tpu.memory_space<vmem>>)
    %scan3A = arith.constant 0 : i32
    %scan3A_228 = arith.constant 32 : i32
    %scan3A_229 = arith.addi %scan3A, %scan3A_228 : i32
    %scan3A_230 = arith.constant 1 : i32
    scf.for %scan3A_244 = %scan3A to %scan3A_229 step %scan3A_230  : i32 {
      %mul3A_245 = arith.constant 2 : i32
      %mul3A_246 = arith.muli %mul3A_245, %scan3A_244 : i32
      %add3A_247 = arith.constant 0 : i32
      %add3A_248 = arith.addi %mul3A_246, %add3A_247 : i32
      %mul3A_249 = arith.constant 64 : i32
      %mul3A_250 = arith.muli %add3A_248, %mul3A_249 : i32
      %add3A_251 = arith.addi %mul3A_8, %mul3A_250 : i32
      %lt3A = arith.constant 62 : i32
      %lt3A_252 = arith.cmpi slt, %add3A_248, %lt3A : i32
      %convert_element_type3A = arith.extui %lt3A_252 : i1 to i32
      %cond3A = arith.constant 0 : i32
      %cond3A_253 = arith.cmpi ne, %convert_element_type3A, %cond3A : i32
      scf.if %cond3A_253 {
        %add3A_569 = arith.constant 7 : i32
        %add3A_570 = arith.addi %shift_right_arithmetic3A_18, %add3A_569 : i32
        %add3A_571 = arith.addi %add3A_570, %add3A_248 : i32
        %and3A_572 = arith.constant 127 : i32
        %and3A_573 = arith.andi %add3A_571, %and3A_572 : i32
        %mul3A_574 = arith.constant 64 : i32
        %mul3A_575 = arith.muli %and3A_573, %mul3A_574 : i32
        %multiple_of3A_576 = tpu.assume_multiple %mul3A_575, 64 : i32
        %and3A_577 = arith.constant 7 : i32
        %and3A_578 = arith.andi %add3A_571, %and3A_577 : i32
        %mul3A_579 = arith.constant 64 : i32
        %mul3A_580 = arith.muli %and3A_578, %mul3A_579 : i32
        %multiple_of3A_581 = tpu.assume_multiple %mul3A_580, 64 : i32
        %dma_start3A_582 = arith.constant 0 : i32
        %dma_start3A_583 = tpu.memref_slice %arg4[%multiple_of3A_581, %dma_start3A_582] : memref<512x128xf32, #tpu.memory_space<vmem>> -> memref<64x128xf32, #tpu.memory_space<vmem>>
        %dma_start3A_584 = tpu.memref_slice %arg2[%shift_right_arithmetic3A_1, %multiple_of3A_576, %mul3A_10] : memref<2x8192x1024xf32, #tpu.memory_space<hbm>> -> memref<1x64x128xf32, #tpu.memory_space<hbm>>
        %dma_start3A_585 = tpu.memref_squeeze %dma_start3A_584 : memref<1x64x128xf32, #tpu.memory_space<hbm>> -> memref<64x128xf32, #tpu.memory_space<hbm>>
        %dma_start3A_586 = arith.constant 0 : i32
        %dma_start3A_587 = tpu.memref_slice %arg4[%multiple_of3A_581, %dma_start3A_586] : memref<512x128xf32, #tpu.memory_space<vmem>> -> memref<64x128xf32, #tpu.memory_space<vmem>>
        %dma_start3A_588 = tpu.memref_slice %arg2[%shift_right_arithmetic3A_1, %multiple_of3A_576, %mul3A_10] : memref<2x8192x1024xf32, #tpu.memory_space<hbm>> -> memref<1x64x128xf32, #tpu.memory_space<hbm>>
        %dma_start3A_589 = tpu.memref_squeeze %dma_start3A_588 : memref<1x64x128xf32, #tpu.memory_space<hbm>> -> memref<64x128xf32, #tpu.memory_space<hbm>>
        tpu.enqueue_dma source(%dma_start3A_589 : memref<64x128xf32, #tpu.memory_space<hbm>>) target(%dma_start3A_587 : memref<64x128xf32, #tpu.memory_space<vmem>>) target_semaphore(%arg7 : memref<!tpu.dma_semaphore, #tpu.memory_space<semaphore_mem>>)
      } else {
      }
      %ge3A = arith.constant 1 : i32
      %ge3A_254 = arith.cmpi sge, %add3A_248, %ge3A : i32
      %convert_element_type3A_255 = arith.extui %ge3A_254 : i1 to i32
      %cond3A_256 = arith.constant 0 : i32
      %cond3A_257 = arith.cmpi ne, %convert_element_type3A_255, %cond3A_256 : i32
      scf.if %cond3A_257 {
        %dma_wait3A_569 = arith.constant 0 : i32
        %dma_wait3A_570 = arith.constant 0 : i32
        %dma_wait3A_571 = tpu.memref_slice %arg4[%dma_wait3A_569, %dma_wait3A_570] : memref<512x128xf32, #tpu.memory_space<vmem>> -> memref<64x128xf32, #tpu.memory_space<vmem>>
        %dma_wait3A_572 = arith.constant 0 : i32
        %dma_wait3A_573 = tpu.memref_slice %arg2[%shift_right_arithmetic3A_1, %dma_wait3A_572, %mul3A_10] : memref<2x8192x1024xf32, #tpu.memory_space<hbm>> -> memref<1x64x128xf32, #tpu.memory_space<hbm>>
        %dma_wait3A_574 = tpu.memref_squeeze %dma_wait3A_573 : memref<1x64x128xf32, #tpu.memory_space<hbm>> -> memref<64x128xf32, #tpu.memory_space<hbm>>
        %dma_wait3A_575 = arith.constant 0 : i32
        %dma_wait3A_576 = arith.constant 0 : i32
        %dma_wait3A_577 = tpu.memref_slice %arg4[%dma_wait3A_575, %dma_wait3A_576] : memref<512x128xf32, #tpu.memory_space<vmem>> -> memref<64x128xf32, #tpu.memory_space<vmem>>
        %dma_wait3A_578 = arith.constant 0 : i32
        %dma_wait3A_579 = tpu.memref_slice %arg2[%shift_right_arithmetic3A_1, %dma_wait3A_578, %mul3A_10] : memref<2x8192x1024xf32, #tpu.memory_space<hbm>> -> memref<1x64x128xf32, #tpu.memory_space<hbm>>
        %dma_wait3A_580 = tpu.memref_squeeze %dma_wait3A_579 : memref<1x64x128xf32, #tpu.memory_space<hbm>> -> memref<64x128xf32, #tpu.memory_space<hbm>>
        tpu.wait_dma2 semaphore(%arg7 : memref<!tpu.dma_semaphore, #tpu.memory_space<semaphore_mem>>) src(%dma_wait3A_580 : memref<64x128xf32, #tpu.memory_space<hbm>>) dst(%dma_wait3A_577 : memref<64x128xf32, #tpu.memory_space<vmem>>)
      } else {
      }
      %ge3A_258 = arith.constant 2 : i32
      %ge3A_259 = arith.cmpi sge, %add3A_248, %ge3A_258 : i32
      %convert_element_type3A_260 = arith.extui %ge3A_259 : i1 to i32
      %cond3A_261 = arith.constant 0 : i32
      %cond3A_262 = arith.cmpi ne, %convert_element_type3A_260, %cond3A_261 : i32
      scf.if %cond3A_262 {
        %dma_wait3A_569 = arith.constant 0 : i32
        %dma_wait3A_570 = tpu.memref_slice %arg3[%shift_right_arithmetic3A_1, %dma_wait3A_569, %mul3A_10] : memref<2x8192x1024xf32, #tpu.memory_space<hbm>> -> memref<1x64x128xf32, #tpu.memory_space<hbm>>
        %dma_wait3A_571 = tpu.memref_squeeze %dma_wait3A_570 : memref<1x64x128xf32, #tpu.memory_space<hbm>> -> memref<64x128xf32, #tpu.memory_space<hbm>>
        %dma_wait3A_572 = arith.constant 0 : i32
        %dma_wait3A_573 = tpu.memref_slice %arg3[%shift_right_arithmetic3A_1, %dma_wait3A_572, %mul3A_10] : memref<2x8192x1024xf32, #tpu.memory_space<hbm>> -> memref<1x64x128xf32, #tpu.memory_space<hbm>>
        %dma_wait3A_574 = tpu.memref_squeeze %dma_wait3A_573 : memref<1x64x128xf32, #tpu.memory_space<hbm>> -> memref<64x128xf32, #tpu.memory_space<hbm>>
        tpu.wait_dma2 semaphore(%arg8 : memref<!tpu.dma_semaphore, #tpu.memory_space<semaphore_mem>>) src(%arg5 : memref<64x128xf32, #tpu.memory_space<vmem>>) dst(%dma_wait3A_574 : memref<64x128xf32, #tpu.memory_space<hbm>>)
      } else {
      }
      %mul3A_263 = arith.constant 128 : i32
      %mul3A_264 = arith.muli %and3A_4, %mul3A_263 : i32
      %add3A_265 = arith.constant 0 : i32
      %add3A_266 = arith.addi %mul3A_264, %add3A_265 : i32
      %add3A_267 = vector.broadcast %add3A_266 : i32 to vector<16xi32>
      %add3A_268 = arith.addi %add3A_267, %iota3A : vector<16xi32>
      %sub3A_269 = arith.constant 1 : i32
      %sub3A_270 = vector.broadcast %sub3A_269 : i32 to vector<16xi32>
      %sub3A_271 = arith.subi %add3A_268, %sub3A_270 : vector<16xi32>
      %max3A = arith.constant 0 : i32
      %max3A_272 = vector.broadcast %max3A : i32 to vector<16xi32>
      %max3A_273 = arith.maxsi %sub3A_271, %max3A_272 : vector<16xi32>
      %mul3A_274 = arith.constant 2 : i32
      %mul3A_275 = vector.broadcast %mul3A_274 : i32 to vector<16xi32>
      %mul3A_276 = arith.muli %mul3A_275, %max3A_273 : vector<16xi32>
      %sub3A_277 = vector.broadcast %add3A_251 : i32 to vector<16xi32>
      %sub3A_278 = arith.subi %sub3A_277, %mul3A_276 : vector<16xi32>
      %mul3A_279 = arith.constant 128 : i32
      %mul3A_280 = arith.muli %and3A_4, %mul3A_279 : i32
      %add3A_281 = arith.constant 16 : i32
      %add3A_282 = arith.addi %mul3A_280, %add3A_281 : i32
      %add3A_283 = vector.broadcast %add3A_282 : i32 to vector<16xi32>
      %add3A_284 = arith.addi %add3A_283, %iota3A : vector<16xi32>
      %sub3A_285 = arith.constant 1 : i32
      %sub3A_286 = vector.broadcast %sub3A_285 : i32 to vector<16xi32>
      %sub3A_287 = arith.subi %add3A_284, %sub3A_286 : vector<16xi32>
      %max3A_288 = arith.constant 0 : i32
      %max3A_289 = vector.broadcast %max3A_288 : i32 to vector<16xi32>
      %max3A_290 = arith.maxsi %sub3A_287, %max3A_289 : vector<16xi32>
      %mul3A_291 = arith.constant 2 : i32
      %mul3A_292 = vector.broadcast %mul3A_291 : i32 to vector<16xi32>
      %mul3A_293 = arith.muli %mul3A_292, %max3A_290 : vector<16xi32>
      %sub3A_294 = vector.broadcast %add3A_251 : i32 to vector<16xi32>
      %sub3A_295 = arith.subi %sub3A_294, %mul3A_293 : vector<16xi32>
      %mul3A_296 = arith.constant 128 : i32
      %mul3A_297 = arith.muli %and3A_4, %mul3A_296 : i32
      %add3A_298 = arith.constant 32 : i32
      %add3A_299 = arith.addi %mul3A_297, %add3A_298 : i32
      %add3A_300 = vector.broadcast %add3A_299 : i32 to vector<16xi32>
      %add3A_301 = arith.addi %add3A_300, %iota3A : vector<16xi32>
      %sub3A_302 = arith.constant 1 : i32
      %sub3A_303 = vector.broadcast %sub3A_302 : i32 to vector<16xi32>
      %sub3A_304 = arith.subi %add3A_301, %sub3A_303 : vector<16xi32>
      %max3A_305 = arith.constant 0 : i32
      %max3A_306 = vector.broadcast %max3A_305 : i32 to vector<16xi32>
      %max3A_307 = arith.maxsi %sub3A_304, %max3A_306 : vector<16xi32>
      %mul3A_308 = arith.constant 2 : i32
      %mul3A_309 = vector.broadcast %mul3A_308 : i32 to vector<16xi32>
      %mul3A_310 = arith.muli %mul3A_309, %max3A_307 : vector<16xi32>
      %sub3A_311 = vector.broadcast %add3A_251 : i32 to vector<16xi32>
      %sub3A_312 = arith.subi %sub3A_311, %mul3A_310 : vector<16xi32>
      %mul3A_313 = arith.constant 128 : i32
      %mul3A_314 = arith.muli %and3A_4, %mul3A_313 : i32
      %add3A_315 = arith.constant 48 : i32
      %add3A_316 = arith.addi %mul3A_314, %add3A_315 : i32
      %add3A_317 = vector.broadcast %add3A_316 : i32 to vector<16xi32>
      %add3A_318 = arith.addi %add3A_317, %iota3A : vector<16xi32>
      %sub3A_319 = arith.constant 1 : i32
      %sub3A_320 = vector.broadcast %sub3A_319 : i32 to vector<16xi32>
      %sub3A_321 = arith.subi %add3A_318, %sub3A_320 : vector<16xi32>
      %max3A_322 = arith.constant 0 : i32
      %max3A_323 = vector.broadcast %max3A_322 : i32 to vector<16xi32>
      %max3A_324 = arith.maxsi %sub3A_321, %max3A_323 : vector<16xi32>
      %mul3A_325 = arith.constant 2 : i32
      %mul3A_326 = vector.broadcast %mul3A_325 : i32 to vector<16xi32>
      %mul3A_327 = arith.muli %mul3A_326, %max3A_324 : vector<16xi32>
      %sub3A_328 = vector.broadcast %add3A_251 : i32 to vector<16xi32>
      %sub3A_329 = arith.subi %sub3A_328, %mul3A_327 : vector<16xi32>
      %mul3A_330 = arith.constant 128 : i32
      %mul3A_331 = arith.muli %and3A_4, %mul3A_330 : i32
      %add3A_332 = arith.constant 64 : i32
      %add3A_333 = arith.addi %mul3A_331, %add3A_332 : i32
      %add3A_334 = vector.broadcast %add3A_333 : i32 to vector<16xi32>
      %add3A_335 = arith.addi %add3A_334, %iota3A : vector<16xi32>
      %sub3A_336 = arith.constant 1 : i32
      %sub3A_337 = vector.broadcast %sub3A_336 : i32 to vector<16xi32>
      %sub3A_338 = arith.subi %add3A_335, %sub3A_337 : vector<16xi32>
      %max3A_339 = arith.constant 0 : i32
      %max3A_340 = vector.broadcast %max3A_339 : i32 to vector<16xi32>
      %max3A_341 = arith.maxsi %sub3A_338, %max3A_340 : vector<16xi32>
      %mul3A_342 = arith.constant 2 : i32
      %mul3A_343 = vector.broadcast %mul3A_342 : i32 to vector<16xi32>
      %mul3A_344 = arith.muli %mul3A_343, %max3A_341 : vector<16xi32>
      %sub3A_345 = vector.broadcast %add3A_251 : i32 to vector<16xi32>
      %sub3A_346 = arith.subi %sub3A_345, %mul3A_344 : vector<16xi32>
      %mul3A_347 = arith.constant 128 : i32
      %mul3A_348 = arith.muli %and3A_4, %mul3A_347 : i32
      %add3A_349 = arith.constant 80 : i32
      %add3A_350 = arith.addi %mul3A_348, %add3A_349 : i32
      %add3A_351 = vector.broadcast %add3A_350 : i32 to vector<16xi32>
      %add3A_352 = arith.addi %add3A_351, %iota3A : vector<16xi32>
      %sub3A_353 = arith.constant 1 : i32
      %sub3A_354 = vector.broadcast %sub3A_353 : i32 to vector<16xi32>
      %sub3A_355 = arith.subi %add3A_352, %sub3A_354 : vector<16xi32>
      %max3A_356 = arith.constant 0 : i32
      %max3A_357 = vector.broadcast %max3A_356 : i32 to vector<16xi32>
      %max3A_358 = arith.maxsi %sub3A_355, %max3A_357 : vector<16xi32>
      %mul3A_359 = arith.constant 2 : i32
      %mul3A_360 = vector.broadcast %mul3A_359 : i32 to vector<16xi32>
      %mul3A_361 = arith.muli %mul3A_360, %max3A_358 : vector<16xi32>
      %sub3A_362 = vector.broadcast %add3A_251 : i32 to vector<16xi32>
      %sub3A_363 = arith.subi %sub3A_362, %mul3A_361 : vector<16xi32>
      %mul3A_364 = arith.constant 128 : i32
      %mul3A_365 = arith.muli %and3A_4, %mul3A_364 : i32
      %add3A_366 = arith.constant 96 : i32
      %add3A_367 = arith.addi %mul3A_365, %add3A_366 : i32
      %add3A_368 = vector.broadcast %add3A_367 : i32 to vector<16xi32>
      %add3A_369 = arith.addi %add3A_368, %iota3A : vector<16xi32>
      %sub3A_370 = arith.constant 1 : i32
      %sub3A_371 = vector.broadcast %sub3A_370 : i32 to vector<16xi32>
      %sub3A_372 = arith.subi %add3A_369, %sub3A_371 : vector<16xi32>
      %max3A_373 = arith.constant 0 : i32
      %max3A_374 = vector.broadcast %max3A_373 : i32 to vector<16xi32>
      %max3A_375 = arith.maxsi %sub3A_372, %max3A_374 : vector<16xi32>
      %mul3A_376 = arith.constant 2 : i32
      %mul3A_377 = vector.broadcast %mul3A_376 : i32 to vector<16xi32>
      %mul3A_378 = arith.muli %mul3A_377, %max3A_375 : vector<16xi32>
      %sub3A_379 = vector.broadcast %add3A_251 : i32 to vector<16xi32>
      %sub3A_380 = arith.subi %sub3A_379, %mul3A_378 : vector<16xi32>
      %mul3A_381 = arith.constant 128 : i32
      %mul3A_382 = arith.muli %and3A_4, %mul3A_381 : i32
      %add3A_383 = arith.constant 112 : i32
      %add3A_384 = arith.addi %mul3A_382, %add3A_383 : i32
      %add3A_385 = vector.broadcast %add3A_384 : i32 to vector<16xi32>
      %add3A_386 = arith.addi %add3A_385, %iota3A : vector<16xi32>
      %sub3A_387 = arith.constant 1 : i32
      %sub3A_388 = vector.broadcast %sub3A_387 : i32 to vector<16xi32>
      %sub3A_389 = arith.subi %add3A_386, %sub3A_388 : vector<16xi32>
      %max3A_390 = arith.constant 0 : i32
      %max3A_391 = vector.broadcast %max3A_390 : i32 to vector<16xi32>
      %max3A_392 = arith.maxsi %sub3A_389, %max3A_391 : vector<16xi32>
      %mul3A_393 = arith.constant 2 : i32
      %mul3A_394 = vector.broadcast %mul3A_393 : i32 to vector<16xi32>
      %mul3A_395 = arith.muli %mul3A_394, %max3A_392 : vector<16xi32>
      %sub3A_396 = vector.broadcast %add3A_251 : i32 to vector<16xi32>
      %sub3A_397 = arith.subi %sub3A_396, %mul3A_395 : vector<16xi32>
      %parallel_loop3A = arith.constant 0 : i32
      %parallel_loop3A_398 = arith.constant 32 : i32
      %parallel_loop3A_399 = arith.constant 1 : i32
      scf.for %parallel_loop3A_569 = %parallel_loop3A to %parallel_loop3A_398 step %parallel_loop3A_399  : i32 {
        %parallel_loop3A_570 = arith.constant 2 : i32
        %parallel_loop3A_571 = arith.muli %parallel_loop3A_570, %parallel_loop3A_569 : i32
        %parallel_loop3A_572 = vector.broadcast %parallel_loop3A_571 : i32 to vector<16xi32>
        %parallel_loop3A_573 = arith.addi %sub3A_278, %parallel_loop3A_572 : vector<16xi32>
        %parallel_loop3A_574 = arith.constant 511 : i32
        %parallel_loop3A_575 = vector.broadcast %parallel_loop3A_574 : i32 to vector<16xi32>
        %parallel_loop3A_576 = arith.andi %parallel_loop3A_573, %parallel_loop3A_575 : vector<16xi32>
        %parallel_loop3A_577 = arith.constant 0 : i32
        %parallel_loop3A_578 = vector.broadcast %parallel_loop3A_577 : i32 to vector<16xi32>
        %parallel_loop3A_579 = arith.addi %parallel_loop3A_578, %iota3A : vector<16xi32>
        %parallel_loop3A_580 = tpu.vector_load_idx %arg4[%parallel_loop3A_576, %parallel_loop3A_579] : memref<512x128xf32, #tpu.memory_space<vmem>>[vector<16xi32>, vector<16xi32>], vector<16xf32>,
        %parallel_loop3A_581 = arith.constant 1 : i32
        %parallel_loop3A_582 = vector.broadcast %parallel_loop3A_581 : i32 to vector<16xi32>
        %parallel_loop3A_583 = arith.addi %parallel_loop3A_576, %parallel_loop3A_582 : vector<16xi32>
        %parallel_loop3A_584 = arith.constant 0 : i32
        %parallel_loop3A_585 = vector.broadcast %parallel_loop3A_584 : i32 to vector<16xi32>
        %parallel_loop3A_586 = arith.addi %parallel_loop3A_585, %iota3A : vector<16xi32>
        %parallel_loop3A_587 = tpu.vector_load_idx %arg4[%parallel_loop3A_583, %parallel_loop3A_586] : memref<512x128xf32, #tpu.memory_space<vmem>>[vector<16xi32>, vector<16xi32>], vector<16xf32>,
        %parallel_loop3A_588 = arith.minimumf %parallel_loop3A_580, %parallel_loop3A_587 : vector<16xf32>
        %parallel_loop3A_589 = arith.constant 2 : i32
        %parallel_loop3A_590 = arith.muli %parallel_loop3A_589, %parallel_loop3A_569 : i32
        %parallel_loop3A_591 = arith.index_cast %parallel_loop3A_590 : i32 to index
        %parallel_loop3A_592 = arith.constant 0 : index
        %parallel_loop3A_593 = tpu.vector_load %arg5[%parallel_loop3A_591, %parallel_loop3A_592] {strides = array<i32>} : memref<64x128xf32, #tpu.memory_space<vmem>>, vector<16xf32>,
        tpu.vector_store %arg5[%parallel_loop3A_591, %parallel_loop3A_592], %parallel_loop3A_588 {strides = array<i32>} : memref<64x128xf32, #tpu.memory_space<vmem>>, vector<16xf32>,
        %parallel_loop3A_594 = arith.maximumf %parallel_loop3A_580, %parallel_loop3A_587 : vector<16xf32>
        %parallel_loop3A_595 = arith.constant 2 : i32
        %parallel_loop3A_596 = arith.muli %parallel_loop3A_595, %parallel_loop3A_569 : i32
        %parallel_loop3A_597 = arith.constant 1 : i32
        %parallel_loop3A_598 = arith.addi %parallel_loop3A_596, %parallel_loop3A_597 : i32
        %parallel_loop3A_599 = arith.index_cast %parallel_loop3A_598 : i32 to index
        %parallel_loop3A_600 = arith.constant 0 : index
        %parallel_loop3A_601 = tpu.vector_load %arg5[%parallel_loop3A_599, %parallel_loop3A_600] {strides = array<i32>} : memref<64x128xf32, #tpu.memory_space<vmem>>, vector<16xf32>,
        tpu.vector_store %arg5[%parallel_loop3A_599, %parallel_loop3A_600], %parallel_loop3A_594 {strides = array<i32>} : memref<64x128xf32, #tpu.memory_space<vmem>>, vector<16xf32>,
        %parallel_loop3A_602 = arith.constant 2 : i32
        %parallel_loop3A_603 = arith.muli %parallel_loop3A_602, %parallel_loop3A_569 : i32
        %parallel_loop3A_604 = vector.broadcast %parallel_loop3A_603 : i32 to vector<16xi32>
        %parallel_loop3A_605 = arith.addi %sub3A_295, %parallel_loop3A_604 : vector<16xi32>
        %parallel_loop3A_606 = arith.constant 511 : i32
        %parallel_loop3A_607 = vector.broadcast %parallel_loop3A_606 : i32 to vector<16xi32>
        %parallel_loop3A_608 = arith.andi %parallel_loop3A_605, %parallel_loop3A_607 : vector<16xi32>
        %parallel_loop3A_609 = arith.constant 16 : i32
        %parallel_loop3A_610 = vector.broadcast %parallel_loop3A_609 : i32 to vector<16xi32>
        %parallel_loop3A_611 = arith.addi %parallel_loop3A_610, %iota3A : vector<16xi32>
        %parallel_loop3A_612 = tpu.vector_load_idx %arg4[%parallel_loop3A_608, %parallel_loop3A_611] : memref<512x128xf32, #tpu.memory_space<vmem>>[vector<16xi32>, vector<16xi32>], vector<16xf32>,
        %parallel_loop3A_613 = arith.constant 1 : i32
        %parallel_loop3A_614 = vector.broadcast %parallel_loop3A_613 : i32 to vector<16xi32>
        %parallel_loop3A_615 = arith.addi %parallel_loop3A_608, %parallel_loop3A_614 : vector<16xi32>
        %parallel_loop3A_616 = arith.constant 16 : i32
        %parallel_loop3A_617 = vector.broadcast %parallel_loop3A_616 : i32 to vector<16xi32>
        %parallel_loop3A_618 = arith.addi %parallel_loop3A_617, %iota3A : vector<16xi32>
        %parallel_loop3A_619 = tpu.vector_load_idx %arg4[%parallel_loop3A_615, %parallel_loop3A_618] : memref<512x128xf32, #tpu.memory_space<vmem>>[vector<16xi32>, vector<16xi32>], vector<16xf32>,
        %parallel_loop3A_620 = arith.minimumf %parallel_loop3A_612, %parallel_loop3A_619 : vector<16xf32>
        %parallel_loop3A_621 = arith.constant 2 : i32
        %parallel_loop3A_622 = arith.muli %parallel_loop3A_621, %parallel_loop3A_569 : i32
        %parallel_loop3A_623 = arith.index_cast %parallel_loop3A_622 : i32 to index
        %parallel_loop3A_624 = arith.constant 16 : index
        %parallel_loop3A_625 = tpu.vector_load %arg5[%parallel_loop3A_623, %parallel_loop3A_624] {strides = array<i32>} : memref<64x128xf32, #tpu.memory_space<vmem>>, vector<16xf32>,
        tpu.vector_store %arg5[%parallel_loop3A_623, %parallel_loop3A_624], %parallel_loop3A_620 {strides = array<i32>} : memref<64x128xf32, #tpu.memory_space<vmem>>, vector<16xf32>,
        %parallel_loop3A_626 = arith.maximumf %parallel_loop3A_612, %parallel_loop3A_619 : vector<16xf32>
        %parallel_loop3A_627 = arith.constant 2 : i32
        %parallel_loop3A_628 = arith.muli %parallel_loop3A_627, %parallel_loop3A_569 : i32
        %parallel_loop3A_629 = arith.constant 1 : i32
        %parallel_loop3A_630 = arith.addi %parallel_loop3A_628, %parallel_loop3A_629 : i32
        %parallel_loop3A_631 = arith.index_cast %parallel_loop3A_630 : i32 to index
        %parallel_loop3A_632 = arith.constant 16 : index
        %parallel_loop3A_633 = tpu.vector_load %arg5[%parallel_loop3A_631, %parallel_loop3A_632] {strides = array<i32>} : memref<64x128xf32, #tpu.memory_space<vmem>>, vector<16xf32>,
        tpu.vector_store %arg5[%parallel_loop3A_631, %parallel_loop3A_632], %parallel_loop3A_626 {strides = array<i32>} : memref<64x128xf32, #tpu.memory_space<vmem>>, vector<16xf32>,
        %parallel_loop3A_634 = arith.constant 2 : i32
        %parallel_loop3A_635 = arith.muli %parallel_loop3A_634, %parallel_loop3A_569 : i32
        %parallel_loop3A_636 = vector.broadcast %parallel_loop3A_635 : i32 to vector<16xi32>
        %parallel_loop3A_637 = arith.addi %sub3A_312, %parallel_loop3A_636 : vector<16xi32>
        %parallel_loop3A_638 = arith.constant 511 : i32
        %parallel_loop3A_639 = vector.broadcast %parallel_loop3A_638 : i32 to vector<16xi32>
        %parallel_loop3A_640 = arith.andi %parallel_loop3A_637, %parallel_loop3A_639 : vector<16xi32>
        %parallel_loop3A_641 = arith.constant 32 : i32
        %parallel_loop3A_642 = vector.broadcast %parallel_loop3A_641 : i32 to vector<16xi32>
        %parallel_loop3A_643 = arith.addi %parallel_loop3A_642, %iota3A : vector<16xi32>
        %parallel_loop3A_644 = tpu.vector_load_idx %arg4[%parallel_loop3A_640, %parallel_loop3A_643] : memref<512x128xf32, #tpu.memory_space<vmem>>[vector<16xi32>, vector<16xi32>], vector<16xf32>,
        %parallel_loop3A_645 = arith.constant 1 : i32
        %parallel_loop3A_646 = vector.broadcast %parallel_loop3A_645 : i32 to vector<16xi32>
        %parallel_loop3A_647 = arith.addi %parallel_loop3A_640, %parallel_loop3A_646 : vector<16xi32>
        %parallel_loop3A_648 = arith.constant 32 : i32
        %parallel_loop3A_649 = vector.broadcast %parallel_loop3A_648 : i32 to vector<16xi32>
        %parallel_loop3A_650 = arith.addi %parallel_loop3A_649, %iota3A : vector<16xi32>
        %parallel_loop3A_651 = tpu.vector_load_idx %arg4[%parallel_loop3A_647, %parallel_loop3A_650] : memref<512x128xf32, #tpu.memory_space<vmem>>[vector<16xi32>, vector<16xi32>], vector<16xf32>,
        %parallel_loop3A_652 = arith.minimumf %parallel_loop3A_644, %parallel_loop3A_651 : vector<16xf32>
        %parallel_loop3A_653 = arith.constant 2 : i32
        %parallel_loop3A_654 = arith.muli %parallel_loop3A_653, %parallel_loop3A_569 : i32
        %parallel_loop3A_655 = arith.index_cast %parallel_loop3A_654 : i32 to index
        %parallel_loop3A_656 = arith.constant 32 : index
        %parallel_loop3A_657 = tpu.vector_load %arg5[%parallel_loop3A_655, %parallel_loop3A_656] {strides = array<i32>} : memref<64x128xf32, #tpu.memory_space<vmem>>, vector<16xf32>,
        tpu.vector_store %arg5[%parallel_loop3A_655, %parallel_loop3A_656], %parallel_loop3A_652 {strides = array<i32>} : memref<64x128xf32, #tpu.memory_space<vmem>>, vector<16xf32>,
        %parallel_loop3A_658 = arith.maximumf %parallel_loop3A_644, %parallel_loop3A_651 : vector<16xf32>
        %parallel_loop3A_659 = arith.constant 2 : i32
        %parallel_loop3A_660 = arith.muli %parallel_loop3A_659, %parallel_loop3A_569 : i32
        %parallel_loop3A_661 = arith.constant 1 : i32
        %parallel_loop3A_662 = arith.addi %parallel_loop3A_660, %parallel_loop3A_661 : i32
        %parallel_loop3A_663 = arith.index_cast %parallel_loop3A_662 : i32 to index
        %parallel_loop3A_664 = arith.constant 32 : index
        %parallel_loop3A_665 = tpu.vector_load %arg5[%parallel_loop3A_663, %parallel_loop3A_664] {strides = array<i32>} : memref<64x128xf32, #tpu.memory_space<vmem>>, vector<16xf32>,
        tpu.vector_store %arg5[%parallel_loop3A_663, %parallel_loop3A_664], %parallel_loop3A_658 {strides = array<i32>} : memref<64x128xf32, #tpu.memory_space<vmem>>, vector<16xf32>,
        %parallel_loop3A_666 = arith.constant 2 : i32
        %parallel_loop3A_667 = arith.muli %parallel_loop3A_666, %parallel_loop3A_569 : i32
        %parallel_loop3A_668 = vector.broadcast %parallel_loop3A_667 : i32 to vector<16xi32>
        %parallel_loop3A_669 = arith.addi %sub3A_329, %parallel_loop3A_668 : vector<16xi32>
        %parallel_loop3A_670 = arith.constant 511 : i32
        %parallel_loop3A_671 = vector.broadcast %parallel_loop3A_670 : i32 to vector<16xi32>
        %parallel_loop3A_672 = arith.andi %parallel_loop3A_669, %parallel_loop3A_671 : vector<16xi32>
        %parallel_loop3A_673 = arith.constant 48 : i32
        %parallel_loop3A_674 = vector.broadcast %parallel_loop3A_673 : i32 to vector<16xi32>
        %parallel_loop3A_675 = arith.addi %parallel_loop3A_674, %iota3A : vector<16xi32>
        %parallel_loop3A_676 = tpu.vector_load_idx %arg4[%parallel_loop3A_672, %parallel_loop3A_675] : memref<512x128xf32, #tpu.memory_space<vmem>>[vector<16xi32>, vector<16xi32>], vector<16xf32>,
        %parallel_loop3A_677 = arith.constant 1 : i32
        %parallel_loop3A_678 = vector.broadcast %parallel_loop3A_677 : i32 to vector<16xi32>
        %parallel_loop3A_679 = arith.addi %parallel_loop3A_672, %parallel_loop3A_678 : vector<16xi32>
        %parallel_loop3A_680 = arith.constant 48 : i32
        %parallel_loop3A_681 = vector.broadcast %parallel_loop3A_680 : i32 to vector<16xi32>
        %parallel_loop3A_682 = arith.addi %parallel_loop3A_681, %iota3A : vector<16xi32>
        %parallel_loop3A_683 = tpu.vector_load_idx %arg4[%parallel_loop3A_679, %parallel_loop3A_682] : memref<512x128xf32, #tpu.memory_space<vmem>>[vector<16xi32>, vector<16xi32>], vector<16xf32>,
        %parallel_loop3A_684 = arith.minimumf %parallel_loop3A_676, %parallel_loop3A_683 : vector<16xf32>
        %parallel_loop3A_685 = arith.constant 2 : i32
        %parallel_loop3A_686 = arith.muli %parallel_loop3A_685, %parallel_loop3A_569 : i32
        %parallel_loop3A_687 = arith.index_cast %parallel_loop3A_686 : i32 to index
        %parallel_loop3A_688 = arith.constant 48 : index
        %parallel_loop3A_689 = tpu.vector_load %arg5[%parallel_loop3A_687, %parallel_loop3A_688] {strides = array<i32>} : memref<64x128xf32, #tpu.memory_space<vmem>>, vector<16xf32>,
        tpu.vector_store %arg5[%parallel_loop3A_687, %parallel_loop3A_688], %parallel_loop3A_684 {strides = array<i32>} : memref<64x128xf32, #tpu.memory_space<vmem>>, vector<16xf32>,
        %parallel_loop3A_690 = arith.maximumf %parallel_loop3A_676, %parallel_loop3A_683 : vector<16xf32>
        %parallel_loop3A_691 = arith.constant 2 : i32
        %parallel_loop3A_692 = arith.muli %parallel_loop3A_691, %parallel_loop3A_569 : i32
        %parallel_loop3A_693 = arith.constant 1 : i32
        %parallel_loop3A_694 = arith.addi %parallel_loop3A_692, %parallel_loop3A_693 : i32
        %parallel_loop3A_695 = arith.index_cast %parallel_loop3A_694 : i32 to index
        %parallel_loop3A_696 = arith.constant 48 : index
        %parallel_loop3A_697 = tpu.vector_load %arg5[%parallel_loop3A_695, %parallel_loop3A_696] {strides = array<i32>} : memref<64x128xf32, #tpu.memory_space<vmem>>, vector<16xf32>,
        tpu.vector_store %arg5[%parallel_loop3A_695, %parallel_loop3A_696], %parallel_loop3A_690 {strides = array<i32>} : memref<64x128xf32, #tpu.memory_space<vmem>>, vector<16xf32>,
        %parallel_loop3A_698 = arith.constant 2 : i32
        %parallel_loop3A_699 = arith.muli %parallel_loop3A_698, %parallel_loop3A_569 : i32
        %parallel_loop3A_700 = vector.broadcast %parallel_loop3A_699 : i32 to vector<16xi32>
        %parallel_loop3A_701 = arith.addi %sub3A_346, %parallel_loop3A_700 : vector<16xi32>
        %parallel_loop3A_702 = arith.constant 511 : i32
        %parallel_loop3A_703 = vector.broadcast %parallel_loop3A_702 : i32 to vector<16xi32>
        %parallel_loop3A_704 = arith.andi %parallel_loop3A_701, %parallel_loop3A_703 : vector<16xi32>
        %parallel_loop3A_705 = arith.constant 64 : i32
        %parallel_loop3A_706 = vector.broadcast %parallel_loop3A_705 : i32 to vector<16xi32>
        %parallel_loop3A_707 = arith.addi %parallel_loop3A_706, %iota3A : vector<16xi32>
        %parallel_loop3A_708 = tpu.vector_load_idx %arg4[%parallel_loop3A_704, %parallel_loop3A_707] : memref<512x128xf32, #tpu.memory_space<vmem>>[vector<16xi32>, vector<16xi32>], vector<16xf32>,
        %parallel_loop3A_709 = arith.constant 1 : i32
        %parallel_loop3A_710 = vector.broadcast %parallel_loop3A_709 : i32 to vector<16xi32>
        %parallel_loop3A_711 = arith.addi %parallel_loop3A_704, %parallel_loop3A_710 : vector<16xi32>
        %parallel_loop3A_712 = arith.constant 64 : i32
        %parallel_loop3A_713 = vector.broadcast %parallel_loop3A_712 : i32 to vector<16xi32>
        %parallel_loop3A_714 = arith.addi %parallel_loop3A_713, %iota3A : vector<16xi32>
        %parallel_loop3A_715 = tpu.vector_load_idx %arg4[%parallel_loop3A_711, %parallel_loop3A_714] : memref<512x128xf32, #tpu.memory_space<vmem>>[vector<16xi32>, vector<16xi32>], vector<16xf32>,
        %parallel_loop3A_716 = arith.minimumf %parallel_loop3A_708, %parallel_loop3A_715 : vector<16xf32>
        %parallel_loop3A_717 = arith.constant 2 : i32
        %parallel_loop3A_718 = arith.muli %parallel_loop3A_717, %parallel_loop3A_569 : i32
        %parallel_loop3A_719 = arith.index_cast %parallel_loop3A_718 : i32 to index
        %parallel_loop3A_720 = arith.constant 64 : index
        %parallel_loop3A_721 = tpu.vector_load %arg5[%parallel_loop3A_719, %parallel_loop3A_720] {strides = array<i32>} : memref<64x128xf32, #tpu.memory_space<vmem>>, vector<16xf32>,
        tpu.vector_store %arg5[%parallel_loop3A_719, %parallel_loop3A_720], %parallel_loop3A_716 {strides = array<i32>} : memref<64x128xf32, #tpu.memory_space<vmem>>, vector<16xf32>,
        %parallel_loop3A_722 = arith.maximumf %parallel_loop3A_708, %parallel_loop3A_715 : vector<16xf32>
        %parallel_loop3A_723 = arith.constant 2 : i32
        %parallel_loop3A_724 = arith.muli %parallel_loop3A_723, %parallel_loop3A_569 : i32
        %parallel_loop3A_725 = arith.constant 1 : i32
        %parallel_loop3A_726 = arith.addi %parallel_loop3A_724, %parallel_loop3A_725 : i32
        %parallel_loop3A_727 = arith.index_cast %parallel_loop3A_726 : i32 to index
        %parallel_loop3A_728 = arith.constant 64 : index
        %parallel_loop3A_729 = tpu.vector_load %arg5[%parallel_loop3A_727, %parallel_loop3A_728] {strides = array<i32>} : memref<64x128xf32, #tpu.memory_space<vmem>>, vector<16xf32>,
        tpu.vector_store %arg5[%parallel_loop3A_727, %parallel_loop3A_728], %parallel_loop3A_722 {strides = array<i32>} : memref<64x128xf32, #tpu.memory_space<vmem>>, vector<16xf32>,
        %parallel_loop3A_730 = arith.constant 2 : i32
        %parallel_loop3A_731 = arith.muli %parallel_loop3A_730, %parallel_loop3A_569 : i32
        %parallel_loop3A_732 = vector.broadcast %parallel_loop3A_731 : i32 to vector<16xi32>
        %parallel_loop3A_733 = arith.addi %sub3A_363, %parallel_loop3A_732 : vector<16xi32>
        %parallel_loop3A_734 = arith.constant 511 : i32
        %parallel_loop3A_735 = vector.broadcast %parallel_loop3A_734 : i32 to vector<16xi32>
        %parallel_loop3A_736 = arith.andi %parallel_loop3A_733, %parallel_loop3A_735 : vector<16xi32>
        %parallel_loop3A_737 = arith.constant 80 : i32
        %parallel_loop3A_738 = vector.broadcast %parallel_loop3A_737 : i32 to vector<16xi32>
        %parallel_loop3A_739 = arith.addi %parallel_loop3A_738, %iota3A : vector<16xi32>
        %parallel_loop3A_740 = tpu.vector_load_idx %arg4[%parallel_loop3A_736, %parallel_loop3A_739] : memref<512x128xf32, #tpu.memory_space<vmem>>[vector<16xi32>, vector<16xi32>], vector<16xf32>,
        %parallel_loop3A_741 = arith.constant 1 : i32
        %parallel_loop3A_742 = vector.broadcast %parallel_loop3A_741 : i32 to vector<16xi32>
        %parallel_loop3A_743 = arith.addi %parallel_loop3A_736, %parallel_loop3A_742 : vector<16xi32>
        %parallel_loop3A_744 = arith.constant 80 : i32
        %parallel_loop3A_745 = vector.broadcast %parallel_loop3A_744 : i32 to vector<16xi32>
        %parallel_loop3A_746 = arith.addi %parallel_loop3A_745, %iota3A : vector<16xi32>
        %parallel_loop3A_747 = tpu.vector_load_idx %arg4[%parallel_loop3A_743, %parallel_loop3A_746] : memref<512x128xf32, #tpu.memory_space<vmem>>[vector<16xi32>, vector<16xi32>], vector<16xf32>,
        %parallel_loop3A_748 = arith.minimumf %parallel_loop3A_740, %parallel_loop3A_747 : vector<16xf32>
        %parallel_loop3A_749 = arith.constant 2 : i32
        %parallel_loop3A_750 = arith.muli %parallel_loop3A_749, %parallel_loop3A_569 : i32
        %parallel_loop3A_751 = arith.index_cast %parallel_loop3A_750 : i32 to index
        %parallel_loop3A_752 = arith.constant 80 : index
        %parallel_loop3A_753 = tpu.vector_load %arg5[%parallel_loop3A_751, %parallel_loop3A_752] {strides = array<i32>} : memref<64x128xf32, #tpu.memory_space<vmem>>, vector<16xf32>,
        tpu.vector_store %arg5[%parallel_loop3A_751, %parallel_loop3A_752], %parallel_loop3A_748 {strides = array<i32>} : memref<64x128xf32, #tpu.memory_space<vmem>>, vector<16xf32>,
        %parallel_loop3A_754 = arith.maximumf %parallel_loop3A_740, %parallel_loop3A_747 : vector<16xf32>
        %parallel_loop3A_755 = arith.constant 2 : i32
        %parallel_loop3A_756 = arith.muli %parallel_loop3A_755, %parallel_loop3A_569 : i32
        %parallel_loop3A_757 = arith.constant 1 : i32
        %parallel_loop3A_758 = arith.addi %parallel_loop3A_756, %parallel_loop3A_757 : i32
        %parallel_loop3A_759 = arith.index_cast %parallel_loop3A_758 : i32 to index
        %parallel_loop3A_760 = arith.constant 80 : index
        %parallel_loop3A_761 = tpu.vector_load %arg5[%parallel_loop3A_759, %parallel_loop3A_760] {strides = array<i32>} : memref<64x128xf32, #tpu.memory_space<vmem>>, vector<16xf32>,
        tpu.vector_store %arg5[%parallel_loop3A_759, %parallel_loop3A_760], %parallel_loop3A_754 {strides = array<i32>} : memref<64x128xf32, #tpu.memory_space<vmem>>, vector<16xf32>,
        %parallel_loop3A_762 = arith.constant 2 : i32
        %parallel_loop3A_763 = arith.muli %parallel_loop3A_762, %parallel_loop3A_569 : i32
        %parallel_loop3A_764 = vector.broadcast %parallel_loop3A_763 : i32 to vector<16xi32>
        %parallel_loop3A_765 = arith.addi %sub3A_380, %parallel_loop3A_764 : vector<16xi32>
        %parallel_loop3A_766 = arith.constant 511 : i32
        %parallel_loop3A_767 = vector.broadcast %parallel_loop3A_766 : i32 to vector<16xi32>
        %parallel_loop3A_768 = arith.andi %parallel_loop3A_765, %parallel_loop3A_767 : vector<16xi32>
        %parallel_loop3A_769 = arith.constant 96 : i32
        %parallel_loop3A_770 = vector.broadcast %parallel_loop3A_769 : i32 to vector<16xi32>
        %parallel_loop3A_771 = arith.addi %parallel_loop3A_770, %iota3A : vector<16xi32>
        %parallel_loop3A_772 = tpu.vector_load_idx %arg4[%parallel_loop3A_768, %parallel_loop3A_771] : memref<512x128xf32, #tpu.memory_space<vmem>>[vector<16xi32>, vector<16xi32>], vector<16xf32>,
        %parallel_loop3A_773 = arith.constant 1 : i32
        %parallel_loop3A_774 = vector.broadcast %parallel_loop3A_773 : i32 to vector<16xi32>
        %parallel_loop3A_775 = arith.addi %parallel_loop3A_768, %parallel_loop3A_774 : vector<16xi32>
        %parallel_loop3A_776 = arith.constant 96 : i32
        %parallel_loop3A_777 = vector.broadcast %parallel_loop3A_776 : i32 to vector<16xi32>
        %parallel_loop3A_778 = arith.addi %parallel_loop3A_777, %iota3A : vector<16xi32>
        %parallel_loop3A_779 = tpu.vector_load_idx %arg4[%parallel_loop3A_775, %parallel_loop3A_778] : memref<512x128xf32, #tpu.memory_space<vmem>>[vector<16xi32>, vector<16xi32>], vector<16xf32>,
        %parallel_loop3A_780 = arith.minimumf %parallel_loop3A_772, %parallel_loop3A_779 : vector<16xf32>
        %parallel_loop3A_781 = arith.constant 2 : i32
        %parallel_loop3A_782 = arith.muli %parallel_loop3A_781, %parallel_loop3A_569 : i32
        %parallel_loop3A_783 = arith.index_cast %parallel_loop3A_782 : i32 to index
        %parallel_loop3A_784 = arith.constant 96 : index
        %parallel_loop3A_785 = tpu.vector_load %arg5[%parallel_loop3A_783, %parallel_loop3A_784] {strides = array<i32>} : memref<64x128xf32, #tpu.memory_space<vmem>>, vector<16xf32>,
        tpu.vector_store %arg5[%parallel_loop3A_783, %parallel_loop3A_784], %parallel_loop3A_780 {strides = array<i32>} : memref<64x128xf32, #tpu.memory_space<vmem>>, vector<16xf32>,
        %parallel_loop3A_786 = arith.maximumf %parallel_loop3A_772, %parallel_loop3A_779 : vector<16xf32>
        %parallel_loop3A_787 = arith.constant 2 : i32
        %parallel_loop3A_788 = arith.muli %parallel_loop3A_787, %parallel_loop3A_569 : i32
        %parallel_loop3A_789 = arith.constant 1 : i32
        %parallel_loop3A_790 = arith.addi %parallel_loop3A_788, %parallel_loop3A_789 : i32
        %parallel_loop3A_791 = arith.index_cast %parallel_loop3A_790 : i32 to index
        %parallel_loop3A_792 = arith.constant 96 : index
        %parallel_loop3A_793 = tpu.vector_load %arg5[%parallel_loop3A_791, %parallel_loop3A_792] {strides = array<i32>} : memref<64x128xf32, #tpu.memory_space<vmem>>, vector<16xf32>,
        tpu.vector_store %arg5[%parallel_loop3A_791, %parallel_loop3A_792], %parallel_loop3A_786 {strides = array<i32>} : memref<64x128xf32, #tpu.memory_space<vmem>>, vector<16xf32>,
        %parallel_loop3A_794 = arith.constant 2 : i32
        %parallel_loop3A_795 = arith.muli %parallel_loop3A_794, %parallel_loop3A_569 : i32
        %parallel_loop3A_796 = vector.broadcast %parallel_loop3A_795 : i32 to vector<16xi32>
        %parallel_loop3A_797 = arith.addi %sub3A_397, %parallel_loop3A_796 : vector<16xi32>
        %parallel_loop3A_798 = arith.constant 511 : i32
        %parallel_loop3A_799 = vector.broadcast %parallel_loop3A_798 : i32 to vector<16xi32>
        %parallel_loop3A_800 = arith.andi %parallel_loop3A_797, %parallel_loop3A_799 : vector<16xi32>
        %parallel_loop3A_801 = arith.constant 112 : i32
        %parallel_loop3A_802 = vector.broadcast %parallel_loop3A_801 : i32 to vector<16xi32>
        %parallel_loop3A_803 = arith.addi %parallel_loop3A_802, %iota3A : vector<16xi32>
        %parallel_loop3A_804 = tpu.vector_load_idx %arg4[%parallel_loop3A_800, %parallel_loop3A_803] : memref<512x128xf32, #tpu.memory_space<vmem>>[vector<16xi32>, vector<16xi32>], vector<16xf32>,
        %parallel_loop3A_805 = arith.constant 1 : i32
        %parallel_loop3A_806 = vector.broadcast %parallel_loop3A_805 : i32 to vector<16xi32>
        %parallel_loop3A_807 = arith.addi %parallel_loop3A_800, %parallel_loop3A_806 : vector<16xi32>
        %parallel_loop3A_808 = arith.constant 112 : i32
        %parallel_loop3A_809 = vector.broadcast %parallel_loop3A_808 : i32 to vector<16xi32>
        %parallel_loop3A_810 = arith.addi %parallel_loop3A_809, %iota3A : vector<16xi32>
        %parallel_loop3A_811 = tpu.vector_load_idx %arg4[%parallel_loop3A_807, %parallel_loop3A_810] : memref<512x128xf32, #tpu.memory_space<vmem>>[vector<16xi32>, vector<16xi32>], vector<16xf32>,
        %parallel_loop3A_812 = arith.minimumf %parallel_loop3A_804, %parallel_loop3A_811 : vector<16xf32>
        %parallel_loop3A_813 = arith.constant 2 : i32
        %parallel_loop3A_814 = arith.muli %parallel_loop3A_813, %parallel_loop3A_569 : i32
        %parallel_loop3A_815 = arith.index_cast %parallel_loop3A_814 : i32 to index
        %parallel_loop3A_816 = arith.constant 112 : index
        %parallel_loop3A_817 = tpu.vector_load %arg5[%parallel_loop3A_815, %parallel_loop3A_816] {strides = array<i32>} : memref<64x128xf32, #tpu.memory_space<vmem>>, vector<16xf32>,
        tpu.vector_store %arg5[%parallel_loop3A_815, %parallel_loop3A_816], %parallel_loop3A_812 {strides = array<i32>} : memref<64x128xf32, #tpu.memory_space<vmem>>, vector<16xf32>,
        %parallel_loop3A_818 = arith.maximumf %parallel_loop3A_804, %parallel_loop3A_811 : vector<16xf32>
        %parallel_loop3A_819 = arith.constant 2 : i32
        %parallel_loop3A_820 = arith.muli %parallel_loop3A_819, %parallel_loop3A_569 : i32
        %parallel_loop3A_821 = arith.constant 1 : i32
        %parallel_loop3A_822 = arith.addi %parallel_loop3A_820, %parallel_loop3A_821 : i32
        %parallel_loop3A_823 = arith.index_cast %parallel_loop3A_822 : i32 to index
        %parallel_loop3A_824 = arith.constant 112 : index
        %parallel_loop3A_825 = tpu.vector_load %arg5[%parallel_loop3A_823, %parallel_loop3A_824] {strides = array<i32>} : memref<64x128xf32, #tpu.memory_space<vmem>>, vector<16xf32>,
        tpu.vector_store %arg5[%parallel_loop3A_823, %parallel_loop3A_824], %parallel_loop3A_818 {strides = array<i32>} : memref<64x128xf32, #tpu.memory_space<vmem>>, vector<16xf32>,
      } {sc.loop_unroll_factor = 4 : i64, sc.parallel_access}
      %dma_start3A_400 = tpu.memref_slice %arg3[%shift_right_arithmetic3A_1, %add3A_251, %mul3A_10] : memref<2x8192x1024xf32, #tpu.memory_space<hbm>> -> memref<1x64x128xf32, #tpu.memory_space<hbm>>
      %dma_start3A_401 = tpu.memref_squeeze %dma_start3A_400 : memref<1x64x128xf32, #tpu.memory_space<hbm>> -> memref<64x128xf32, #tpu.memory_space<hbm>>
      %dma_start3A_402 = tpu.memref_slice %arg3[%shift_right_arithmetic3A_1, %add3A_251, %mul3A_10] : memref<2x8192x1024xf32, #tpu.memory_space<hbm>> -> memref<1x64x128xf32, #tpu.memory_space<hbm>>
      %dma_start3A_403 = tpu.memref_squeeze %dma_start3A_402 : memref<1x64x128xf32, #tpu.memory_space<hbm>> -> memref<64x128xf32, #tpu.memory_space<hbm>>
      tpu.enqueue_dma source(%arg5 : memref<64x128xf32, #tpu.memory_space<vmem>>) target(%dma_start3A_403 : memref<64x128xf32, #tpu.memory_space<hbm>>) target_semaphore(%arg8 : memref<!tpu.dma_semaphore, #tpu.memory_space<semaphore_mem>>)
      %mul3A_404 = arith.constant 2 : i32
      %mul3A_405 = arith.muli %mul3A_404, %scan3A_244 : i32
      %add3A_406 = arith.constant 1 : i32
      %add3A_407 = arith.addi %mul3A_405, %add3A_406 : i32
      %mul3A_408 = arith.constant 64 : i32
      %mul3A_409 = arith.muli %add3A_407, %mul3A_408 : i32
      %add3A_410 = arith.addi %mul3A_8, %mul3A_409 : i32
      %lt3A_411 = arith.constant 62 : i32
      %lt3A_412 = arith.cmpi slt, %add3A_407, %lt3A_411 : i32
      %convert_element_type3A_413 = arith.extui %lt3A_412 : i1 to i32
      %cond3A_414 = arith.constant 0 : i32
      %cond3A_415 = arith.cmpi ne, %convert_element_type3A_413, %cond3A_414 : i32
      scf.if %cond3A_415 {
        %add3A_569 = arith.constant 7 : i32
        %add3A_570 = arith.addi %shift_right_arithmetic3A_18, %add3A_569 : i32
        %add3A_571 = arith.addi %add3A_570, %add3A_407 : i32
        %and3A_572 = arith.constant 127 : i32
        %and3A_573 = arith.andi %add3A_571, %and3A_572 : i32
        %mul3A_574 = arith.constant 64 : i32
        %mul3A_575 = arith.muli %and3A_573, %mul3A_574 : i32
        %multiple_of3A_576 = tpu.assume_multiple %mul3A_575, 64 : i32
        %and3A_577 = arith.constant 7 : i32
        %and3A_578 = arith.andi %add3A_571, %and3A_577 : i32
        %mul3A_579 = arith.constant 64 : i32
        %mul3A_580 = arith.muli %and3A_578, %mul3A_579 : i32
        %multiple_of3A_581 = tpu.assume_multiple %mul3A_580, 64 : i32
        %dma_start3A_582 = arith.constant 0 : i32
        %dma_start3A_583 = tpu.memref_slice %arg4[%multiple_of3A_581, %dma_start3A_582] : memref<512x128xf32, #tpu.memory_space<vmem>> -> memref<64x128xf32, #tpu.memory_space<vmem>>
        %dma_start3A_584 = tpu.memref_slice %arg2[%shift_right_arithmetic3A_1, %multiple_of3A_576, %mul3A_10] : memref<2x8192x1024xf32, #tpu.memory_space<hbm>> -> memref<1x64x128xf32, #tpu.memory_space<hbm>>
        %dma_start3A_585 = tpu.memref_squeeze %dma_start3A_584 : memref<1x64x128xf32, #tpu.memory_space<hbm>> -> memref<64x128xf32, #tpu.memory_space<hbm>>
        %dma_start3A_586 = arith.constant 0 : i32
        %dma_start3A_587 = tpu.memref_slice %arg4[%multiple_of3A_581, %dma_start3A_586] : memref<512x128xf32, #tpu.memory_space<vmem>> -> memref<64x128xf32, #tpu.memory_space<vmem>>
        %dma_start3A_588 = tpu.memref_slice %arg2[%shift_right_arithmetic3A_1, %multiple_of3A_576, %mul3A_10] : memref<2x8192x1024xf32, #tpu.memory_space<hbm>> -> memref<1x64x128xf32, #tpu.memory_space<hbm>>
        %dma_start3A_589 = tpu.memref_squeeze %dma_start3A_588 : memref<1x64x128xf32, #tpu.memory_space<hbm>> -> memref<64x128xf32, #tpu.memory_space<hbm>>
        tpu.enqueue_dma source(%dma_start3A_589 : memref<64x128xf32, #tpu.memory_space<hbm>>) target(%dma_start3A_587 : memref<64x128xf32, #tpu.memory_space<vmem>>) target_semaphore(%arg7 : memref<!tpu.dma_semaphore, #tpu.memory_space<semaphore_mem>>)
      } else {
      }
      %ge3A_416 = arith.constant 1 : i32
      %ge3A_417 = arith.cmpi sge, %add3A_407, %ge3A_416 : i32
      %convert_element_type3A_418 = arith.extui %ge3A_417 : i1 to i32
      %cond3A_419 = arith.constant 0 : i32
      %cond3A_420 = arith.cmpi ne, %convert_element_type3A_418, %cond3A_419 : i32
      scf.if %cond3A_420 {
        %dma_wait3A_569 = arith.constant 0 : i32
        %dma_wait3A_570 = arith.constant 0 : i32
        %dma_wait3A_571 = tpu.memref_slice %arg4[%dma_wait3A_569, %dma_wait3A_570] : memref<512x128xf32, #tpu.memory_space<vmem>> -> memref<64x128xf32, #tpu.memory_space<vmem>>
        %dma_wait3A_572 = arith.constant 0 : i32
        %dma_wait3A_573 = tpu.memref_slice %arg2[%shift_right_arithmetic3A_1, %dma_wait3A_572, %mul3A_10] : memref<2x8192x1024xf32, #tpu.memory_space<hbm>> -> memref<1x64x128xf32, #tpu.memory_space<hbm>>
        %dma_wait3A_574 = tpu.memref_squeeze %dma_wait3A_573 : memref<1x64x128xf32, #tpu.memory_space<hbm>> -> memref<64x128xf32, #tpu.memory_space<hbm>>
        %dma_wait3A_575 = arith.constant 0 : i32
        %dma_wait3A_576 = arith.constant 0 : i32
        %dma_wait3A_577 = tpu.memref_slice %arg4[%dma_wait3A_575, %dma_wait3A_576] : memref<512x128xf32, #tpu.memory_space<vmem>> -> memref<64x128xf32, #tpu.memory_space<vmem>>
        %dma_wait3A_578 = arith.constant 0 : i32
        %dma_wait3A_579 = tpu.memref_slice %arg2[%shift_right_arithmetic3A_1, %dma_wait3A_578, %mul3A_10] : memref<2x8192x1024xf32, #tpu.memory_space<hbm>> -> memref<1x64x128xf32, #tpu.memory_space<hbm>>
        %dma_wait3A_580 = tpu.memref_squeeze %dma_wait3A_579 : memref<1x64x128xf32, #tpu.memory_space<hbm>> -> memref<64x128xf32, #tpu.memory_space<hbm>>
        tpu.wait_dma2 semaphore(%arg7 : memref<!tpu.dma_semaphore, #tpu.memory_space<semaphore_mem>>) src(%dma_wait3A_580 : memref<64x128xf32, #tpu.memory_space<hbm>>) dst(%dma_wait3A_577 : memref<64x128xf32, #tpu.memory_space<vmem>>)
      } else {
      }
      %ge3A_421 = arith.constant 2 : i32
      %ge3A_422 = arith.cmpi sge, %add3A_407, %ge3A_421 : i32
      %convert_element_type3A_423 = arith.extui %ge3A_422 : i1 to i32
      %cond3A_424 = arith.constant 0 : i32
      %cond3A_425 = arith.cmpi ne, %convert_element_type3A_423, %cond3A_424 : i32
      scf.if %cond3A_425 {
        %dma_wait3A_569 = arith.constant 0 : i32
        %dma_wait3A_570 = tpu.memref_slice %arg3[%shift_right_arithmetic3A_1, %dma_wait3A_569, %mul3A_10] : memref<2x8192x1024xf32, #tpu.memory_space<hbm>> -> memref<1x64x128xf32, #tpu.memory_space<hbm>>
        %dma_wait3A_571 = tpu.memref_squeeze %dma_wait3A_570 : memref<1x64x128xf32, #tpu.memory_space<hbm>> -> memref<64x128xf32, #tpu.memory_space<hbm>>
        %dma_wait3A_572 = arith.constant 0 : i32
        %dma_wait3A_573 = tpu.memref_slice %arg3[%shift_right_arithmetic3A_1, %dma_wait3A_572, %mul3A_10] : memref<2x8192x1024xf32, #tpu.memory_space<hbm>> -> memref<1x64x128xf32, #tpu.memory_space<hbm>>
        %dma_wait3A_574 = tpu.memref_squeeze %dma_wait3A_573 : memref<1x64x128xf32, #tpu.memory_space<hbm>> -> memref<64x128xf32, #tpu.memory_space<hbm>>
        tpu.wait_dma2 semaphore(%arg8 : memref<!tpu.dma_semaphore, #tpu.memory_space<semaphore_mem>>) src(%arg6 : memref<64x128xf32, #tpu.memory_space<vmem>>) dst(%dma_wait3A_574 : memref<64x128xf32, #tpu.memory_space<hbm>>)
      } else {
      }
      %mul3A_426 = arith.constant 128 : i32
      %mul3A_427 = arith.muli %and3A_4, %mul3A_426 : i32
      %add3A_428 = arith.constant 0 : i32
      %add3A_429 = arith.addi %mul3A_427, %add3A_428 : i32
      %add3A_430 = vector.broadcast %add3A_429 : i32 to vector<16xi32>
      %add3A_431 = arith.addi %add3A_430, %iota3A : vector<16xi32>
      %sub3A_432 = arith.constant 1 : i32
      %sub3A_433 = vector.broadcast %sub3A_432 : i32 to vector<16xi32>
      %sub3A_434 = arith.subi %add3A_431, %sub3A_433 : vector<16xi32>
      %max3A_435 = arith.constant 0 : i32
      %max3A_436 = vector.broadcast %max3A_435 : i32 to vector<16xi32>
      %max3A_437 = arith.maxsi %sub3A_434, %max3A_436 : vector<16xi32>
      %mul3A_438 = arith.constant 2 : i32
      %mul3A_439 = vector.broadcast %mul3A_438 : i32 to vector<16xi32>
      %mul3A_440 = arith.muli %mul3A_439, %max3A_437 : vector<16xi32>
      %sub3A_441 = vector.broadcast %add3A_410 : i32 to vector<16xi32>
      %sub3A_442 = arith.subi %sub3A_441, %mul3A_440 : vector<16xi32>
      %mul3A_443 = arith.constant 128 : i32
      %mul3A_444 = arith.muli %and3A_4, %mul3A_443 : i32
      %add3A_445 = arith.constant 16 : i32
      %add3A_446 = arith.addi %mul3A_444, %add3A_445 : i32
      %add3A_447 = vector.broadcast %add3A_446 : i32 to vector<16xi32>
      %add3A_448 = arith.addi %add3A_447, %iota3A : vector<16xi32>
      %sub3A_449 = arith.constant 1 : i32
      %sub3A_450 = vector.broadcast %sub3A_449 : i32 to vector<16xi32>
      %sub3A_451 = arith.subi %add3A_448, %sub3A_450 : vector<16xi32>
      %max3A_452 = arith.constant 0 : i32
      %max3A_453 = vector.broadcast %max3A_452 : i32 to vector<16xi32>
      %max3A_454 = arith.maxsi %sub3A_451, %max3A_453 : vector<16xi32>
      %mul3A_455 = arith.constant 2 : i32
      %mul3A_456 = vector.broadcast %mul3A_455 : i32 to vector<16xi32>
      %mul3A_457 = arith.muli %mul3A_456, %max3A_454 : vector<16xi32>
      %sub3A_458 = vector.broadcast %add3A_410 : i32 to vector<16xi32>
      %sub3A_459 = arith.subi %sub3A_458, %mul3A_457 : vector<16xi32>
      %mul3A_460 = arith.constant 128 : i32
      %mul3A_461 = arith.muli %and3A_4, %mul3A_460 : i32
      %add3A_462 = arith.constant 32 : i32
      %add3A_463 = arith.addi %mul3A_461, %add3A_462 : i32
      %add3A_464 = vector.broadcast %add3A_463 : i32 to vector<16xi32>
      %add3A_465 = arith.addi %add3A_464, %iota3A : vector<16xi32>
      %sub3A_466 = arith.constant 1 : i32
      %sub3A_467 = vector.broadcast %sub3A_466 : i32 to vector<16xi32>
      %sub3A_468 = arith.subi %add3A_465, %sub3A_467 : vector<16xi32>
      %max3A_469 = arith.constant 0 : i32
      %max3A_470 = vector.broadcast %max3A_469 : i32 to vector<16xi32>
      %max3A_471 = arith.maxsi %sub3A_468, %max3A_470 : vector<16xi32>
      %mul3A_472 = arith.constant 2 : i32
      %mul3A_473 = vector.broadcast %mul3A_472 : i32 to vector<16xi32>
      %mul3A_474 = arith.muli %mul3A_473, %max3A_471 : vector<16xi32>
      %sub3A_475 = vector.broadcast %add3A_410 : i32 to vector<16xi32>
      %sub3A_476 = arith.subi %sub3A_475, %mul3A_474 : vector<16xi32>
      %mul3A_477 = arith.constant 128 : i32
      %mul3A_478 = arith.muli %and3A_4, %mul3A_477 : i32
      %add3A_479 = arith.constant 48 : i32
      %add3A_480 = arith.addi %mul3A_478, %add3A_479 : i32
      %add3A_481 = vector.broadcast %add3A_480 : i32 to vector<16xi32>
      %add3A_482 = arith.addi %add3A_481, %iota3A : vector<16xi32>
      %sub3A_483 = arith.constant 1 : i32
      %sub3A_484 = vector.broadcast %sub3A_483 : i32 to vector<16xi32>
      %sub3A_485 = arith.subi %add3A_482, %sub3A_484 : vector<16xi32>
      %max3A_486 = arith.constant 0 : i32
      %max3A_487 = vector.broadcast %max3A_486 : i32 to vector<16xi32>
      %max3A_488 = arith.maxsi %sub3A_485, %max3A_487 : vector<16xi32>
      %mul3A_489 = arith.constant 2 : i32
      %mul3A_490 = vector.broadcast %mul3A_489 : i32 to vector<16xi32>
      %mul3A_491 = arith.muli %mul3A_490, %max3A_488 : vector<16xi32>
      %sub3A_492 = vector.broadcast %add3A_410 : i32 to vector<16xi32>
      %sub3A_493 = arith.subi %sub3A_492, %mul3A_491 : vector<16xi32>
      %mul3A_494 = arith.constant 128 : i32
      %mul3A_495 = arith.muli %and3A_4, %mul3A_494 : i32
      %add3A_496 = arith.constant 64 : i32
      %add3A_497 = arith.addi %mul3A_495, %add3A_496 : i32
      %add3A_498 = vector.broadcast %add3A_497 : i32 to vector<16xi32>
      %add3A_499 = arith.addi %add3A_498, %iota3A : vector<16xi32>
      %sub3A_500 = arith.constant 1 : i32
      %sub3A_501 = vector.broadcast %sub3A_500 : i32 to vector<16xi32>
      %sub3A_502 = arith.subi %add3A_499, %sub3A_501 : vector<16xi32>
      %max3A_503 = arith.constant 0 : i32
      %max3A_504 = vector.broadcast %max3A_503 : i32 to vector<16xi32>
      %max3A_505 = arith.maxsi %sub3A_502, %max3A_504 : vector<16xi32>
      %mul3A_506 = arith.constant 2 : i32
      %mul3A_507 = vector.broadcast %mul3A_506 : i32 to vector<16xi32>
      %mul3A_508 = arith.muli %mul3A_507, %max3A_505 : vector<16xi32>
      %sub3A_509 = vector.broadcast %add3A_410 : i32 to vector<16xi32>
      %sub3A_510 = arith.subi %sub3A_509, %mul3A_508 : vector<16xi32>
      %mul3A_511 = arith.constant 128 : i32
      %mul3A_512 = arith.muli %and3A_4, %mul3A_511 : i32
      %add3A_513 = arith.constant 80 : i32
      %add3A_514 = arith.addi %mul3A_512, %add3A_513 : i32
      %add3A_515 = vector.broadcast %add3A_514 : i32 to vector<16xi32>
      %add3A_516 = arith.addi %add3A_515, %iota3A : vector<16xi32>
      %sub3A_517 = arith.constant 1 : i32
      %sub3A_518 = vector.broadcast %sub3A_517 : i32 to vector<16xi32>
      %sub3A_519 = arith.subi %add3A_516, %sub3A_518 : vector<16xi32>
      %max3A_520 = arith.constant 0 : i32
      %max3A_521 = vector.broadcast %max3A_520 : i32 to vector<16xi32>
      %max3A_522 = arith.maxsi %sub3A_519, %max3A_521 : vector<16xi32>
      %mul3A_523 = arith.constant 2 : i32
      %mul3A_524 = vector.broadcast %mul3A_523 : i32 to vector<16xi32>
      %mul3A_525 = arith.muli %mul3A_524, %max3A_522 : vector<16xi32>
      %sub3A_526 = vector.broadcast %add3A_410 : i32 to vector<16xi32>
      %sub3A_527 = arith.subi %sub3A_526, %mul3A_525 : vector<16xi32>
      %mul3A_528 = arith.constant 128 : i32
      %mul3A_529 = arith.muli %and3A_4, %mul3A_528 : i32
      %add3A_530 = arith.constant 96 : i32
      %add3A_531 = arith.addi %mul3A_529, %add3A_530 : i32
      %add3A_532 = vector.broadcast %add3A_531 : i32 to vector<16xi32>
      %add3A_533 = arith.addi %add3A_532, %iota3A : vector<16xi32>
      %sub3A_534 = arith.constant 1 : i32
      %sub3A_535 = vector.broadcast %sub3A_534 : i32 to vector<16xi32>
      %sub3A_536 = arith.subi %add3A_533, %sub3A_535 : vector<16xi32>
      %max3A_537 = arith.constant 0 : i32
      %max3A_538 = vector.broadcast %max3A_537 : i32 to vector<16xi32>
      %max3A_539 = arith.maxsi %sub3A_536, %max3A_538 : vector<16xi32>
      %mul3A_540 = arith.constant 2 : i32
      %mul3A_541 = vector.broadcast %mul3A_540 : i32 to vector<16xi32>
      %mul3A_542 = arith.muli %mul3A_541, %max3A_539 : vector<16xi32>
      %sub3A_543 = vector.broadcast %add3A_410 : i32 to vector<16xi32>
      %sub3A_544 = arith.subi %sub3A_543, %mul3A_542 : vector<16xi32>
      %mul3A_545 = arith.constant 128 : i32
      %mul3A_546 = arith.muli %and3A_4, %mul3A_545 : i32
      %add3A_547 = arith.constant 112 : i32
      %add3A_548 = arith.addi %mul3A_546, %add3A_547 : i32
      %add3A_549 = vector.broadcast %add3A_548 : i32 to vector<16xi32>
      %add3A_550 = arith.addi %add3A_549, %iota3A : vector<16xi32>
      %sub3A_551 = arith.constant 1 : i32
      %sub3A_552 = vector.broadcast %sub3A_551 : i32 to vector<16xi32>
      %sub3A_553 = arith.subi %add3A_550, %sub3A_552 : vector<16xi32>
      %max3A_554 = arith.constant 0 : i32
      %max3A_555 = vector.broadcast %max3A_554 : i32 to vector<16xi32>
      %max3A_556 = arith.maxsi %sub3A_553, %max3A_555 : vector<16xi32>
      %mul3A_557 = arith.constant 2 : i32
      %mul3A_558 = vector.broadcast %mul3A_557 : i32 to vector<16xi32>
      %mul3A_559 = arith.muli %mul3A_558, %max3A_556 : vector<16xi32>
      %sub3A_560 = vector.broadcast %add3A_410 : i32 to vector<16xi32>
      %sub3A_561 = arith.subi %sub3A_560, %mul3A_559 : vector<16xi32>
      %parallel_loop3A_562 = arith.constant 0 : i32
      %parallel_loop3A_563 = arith.constant 32 : i32
      %parallel_loop3A_564 = arith.constant 1 : i32
      scf.for %parallel_loop3A_569 = %parallel_loop3A_562 to %parallel_loop3A_563 step %parallel_loop3A_564  : i32 {
        %parallel_loop3A_570 = arith.constant 2 : i32
        %parallel_loop3A_571 = arith.muli %parallel_loop3A_570, %parallel_loop3A_569 : i32
        %parallel_loop3A_572 = vector.broadcast %parallel_loop3A_571 : i32 to vector<16xi32>
        %parallel_loop3A_573 = arith.addi %sub3A_442, %parallel_loop3A_572 : vector<16xi32>
        %parallel_loop3A_574 = arith.constant 511 : i32
        %parallel_loop3A_575 = vector.broadcast %parallel_loop3A_574 : i32 to vector<16xi32>
        %parallel_loop3A_576 = arith.andi %parallel_loop3A_573, %parallel_loop3A_575 : vector<16xi32>
        %parallel_loop3A_577 = arith.constant 0 : i32
        %parallel_loop3A_578 = vector.broadcast %parallel_loop3A_577 : i32 to vector<16xi32>
        %parallel_loop3A_579 = arith.addi %parallel_loop3A_578, %iota3A : vector<16xi32>
        %parallel_loop3A_580 = tpu.vector_load_idx %arg4[%parallel_loop3A_576, %parallel_loop3A_579] : memref<512x128xf32, #tpu.memory_space<vmem>>[vector<16xi32>, vector<16xi32>], vector<16xf32>,
        %parallel_loop3A_581 = arith.constant 1 : i32
        %parallel_loop3A_582 = vector.broadcast %parallel_loop3A_581 : i32 to vector<16xi32>
        %parallel_loop3A_583 = arith.addi %parallel_loop3A_576, %parallel_loop3A_582 : vector<16xi32>
        %parallel_loop3A_584 = arith.constant 0 : i32
        %parallel_loop3A_585 = vector.broadcast %parallel_loop3A_584 : i32 to vector<16xi32>
        %parallel_loop3A_586 = arith.addi %parallel_loop3A_585, %iota3A : vector<16xi32>
        %parallel_loop3A_587 = tpu.vector_load_idx %arg4[%parallel_loop3A_583, %parallel_loop3A_586] : memref<512x128xf32, #tpu.memory_space<vmem>>[vector<16xi32>, vector<16xi32>], vector<16xf32>,
        %parallel_loop3A_588 = arith.minimumf %parallel_loop3A_580, %parallel_loop3A_587 : vector<16xf32>
        %parallel_loop3A_589 = arith.constant 2 : i32
        %parallel_loop3A_590 = arith.muli %parallel_loop3A_589, %parallel_loop3A_569 : i32
        %parallel_loop3A_591 = arith.index_cast %parallel_loop3A_590 : i32 to index
        %parallel_loop3A_592 = arith.constant 0 : index
        %parallel_loop3A_593 = tpu.vector_load %arg6[%parallel_loop3A_591, %parallel_loop3A_592] {strides = array<i32>} : memref<64x128xf32, #tpu.memory_space<vmem>>, vector<16xf32>,
        tpu.vector_store %arg6[%parallel_loop3A_591, %parallel_loop3A_592], %parallel_loop3A_588 {strides = array<i32>} : memref<64x128xf32, #tpu.memory_space<vmem>>, vector<16xf32>,
        %parallel_loop3A_594 = arith.maximumf %parallel_loop3A_580, %parallel_loop3A_587 : vector<16xf32>
        %parallel_loop3A_595 = arith.constant 2 : i32
        %parallel_loop3A_596 = arith.muli %parallel_loop3A_595, %parallel_loop3A_569 : i32
        %parallel_loop3A_597 = arith.constant 1 : i32
        %parallel_loop3A_598 = arith.addi %parallel_loop3A_596, %parallel_loop3A_597 : i32
        %parallel_loop3A_599 = arith.index_cast %parallel_loop3A_598 : i32 to index
        %parallel_loop3A_600 = arith.constant 0 : index
        %parallel_loop3A_601 = tpu.vector_load %arg6[%parallel_loop3A_599, %parallel_loop3A_600] {strides = array<i32>} : memref<64x128xf32, #tpu.memory_space<vmem>>, vector<16xf32>,
        tpu.vector_store %arg6[%parallel_loop3A_599, %parallel_loop3A_600], %parallel_loop3A_594 {strides = array<i32>} : memref<64x128xf32, #tpu.memory_space<vmem>>, vector<16xf32>,
        %parallel_loop3A_602 = arith.constant 2 : i32
        %parallel_loop3A_603 = arith.muli %parallel_loop3A_602, %parallel_loop3A_569 : i32
        %parallel_loop3A_604 = vector.broadcast %parallel_loop3A_603 : i32 to vector<16xi32>
        %parallel_loop3A_605 = arith.addi %sub3A_459, %parallel_loop3A_604 : vector<16xi32>
        %parallel_loop3A_606 = arith.constant 511 : i32
        %parallel_loop3A_607 = vector.broadcast %parallel_loop3A_606 : i32 to vector<16xi32>
        %parallel_loop3A_608 = arith.andi %parallel_loop3A_605, %parallel_loop3A_607 : vector<16xi32>
        %parallel_loop3A_609 = arith.constant 16 : i32
        %parallel_loop3A_610 = vector.broadcast %parallel_loop3A_609 : i32 to vector<16xi32>
        %parallel_loop3A_611 = arith.addi %parallel_loop3A_610, %iota3A : vector<16xi32>
        %parallel_loop3A_612 = tpu.vector_load_idx %arg4[%parallel_loop3A_608, %parallel_loop3A_611] : memref<512x128xf32, #tpu.memory_space<vmem>>[vector<16xi32>, vector<16xi32>], vector<16xf32>,
        %parallel_loop3A_613 = arith.constant 1 : i32
        %parallel_loop3A_614 = vector.broadcast %parallel_loop3A_613 : i32 to vector<16xi32>
        %parallel_loop3A_615 = arith.addi %parallel_loop3A_608, %parallel_loop3A_614 : vector<16xi32>
        %parallel_loop3A_616 = arith.constant 16 : i32
        %parallel_loop3A_617 = vector.broadcast %parallel_loop3A_616 : i32 to vector<16xi32>
        %parallel_loop3A_618 = arith.addi %parallel_loop3A_617, %iota3A : vector<16xi32>
        %parallel_loop3A_619 = tpu.vector_load_idx %arg4[%parallel_loop3A_615, %parallel_loop3A_618] : memref<512x128xf32, #tpu.memory_space<vmem>>[vector<16xi32>, vector<16xi32>], vector<16xf32>,
        %parallel_loop3A_620 = arith.minimumf %parallel_loop3A_612, %parallel_loop3A_619 : vector<16xf32>
        %parallel_loop3A_621 = arith.constant 2 : i32
        %parallel_loop3A_622 = arith.muli %parallel_loop3A_621, %parallel_loop3A_569 : i32
        %parallel_loop3A_623 = arith.index_cast %parallel_loop3A_622 : i32 to index
        %parallel_loop3A_624 = arith.constant 16 : index
        %parallel_loop3A_625 = tpu.vector_load %arg6[%parallel_loop3A_623, %parallel_loop3A_624] {strides = array<i32>} : memref<64x128xf32, #tpu.memory_space<vmem>>, vector<16xf32>,
        tpu.vector_store %arg6[%parallel_loop3A_623, %parallel_loop3A_624], %parallel_loop3A_620 {strides = array<i32>} : memref<64x128xf32, #tpu.memory_space<vmem>>, vector<16xf32>,
        %parallel_loop3A_626 = arith.maximumf %parallel_loop3A_612, %parallel_loop3A_619 : vector<16xf32>
        %parallel_loop3A_627 = arith.constant 2 : i32
        %parallel_loop3A_628 = arith.muli %parallel_loop3A_627, %parallel_loop3A_569 : i32
        %parallel_loop3A_629 = arith.constant 1 : i32
        %parallel_loop3A_630 = arith.addi %parallel_loop3A_628, %parallel_loop3A_629 : i32
        %parallel_loop3A_631 = arith.index_cast %parallel_loop3A_630 : i32 to index
        %parallel_loop3A_632 = arith.constant 16 : index
        %parallel_loop3A_633 = tpu.vector_load %arg6[%parallel_loop3A_631, %parallel_loop3A_632] {strides = array<i32>} : memref<64x128xf32, #tpu.memory_space<vmem>>, vector<16xf32>,
        tpu.vector_store %arg6[%parallel_loop3A_631, %parallel_loop3A_632], %parallel_loop3A_626 {strides = array<i32>} : memref<64x128xf32, #tpu.memory_space<vmem>>, vector<16xf32>,
        %parallel_loop3A_634 = arith.constant 2 : i32
        %parallel_loop3A_635 = arith.muli %parallel_loop3A_634, %parallel_loop3A_569 : i32
        %parallel_loop3A_636 = vector.broadcast %parallel_loop3A_635 : i32 to vector<16xi32>
        %parallel_loop3A_637 = arith.addi %sub3A_476, %parallel_loop3A_636 : vector<16xi32>
        %parallel_loop3A_638 = arith.constant 511 : i32
        %parallel_loop3A_639 = vector.broadcast %parallel_loop3A_638 : i32 to vector<16xi32>
        %parallel_loop3A_640 = arith.andi %parallel_loop3A_637, %parallel_loop3A_639 : vector<16xi32>
        %parallel_loop3A_641 = arith.constant 32 : i32
        %parallel_loop3A_642 = vector.broadcast %parallel_loop3A_641 : i32 to vector<16xi32>
        %parallel_loop3A_643 = arith.addi %parallel_loop3A_642, %iota3A : vector<16xi32>
        %parallel_loop3A_644 = tpu.vector_load_idx %arg4[%parallel_loop3A_640, %parallel_loop3A_643] : memref<512x128xf32, #tpu.memory_space<vmem>>[vector<16xi32>, vector<16xi32>], vector<16xf32>,
        %parallel_loop3A_645 = arith.constant 1 : i32
        %parallel_loop3A_646 = vector.broadcast %parallel_loop3A_645 : i32 to vector<16xi32>
        %parallel_loop3A_647 = arith.addi %parallel_loop3A_640, %parallel_loop3A_646 : vector<16xi32>
        %parallel_loop3A_648 = arith.constant 32 : i32
        %parallel_loop3A_649 = vector.broadcast %parallel_loop3A_648 : i32 to vector<16xi32>
        %parallel_loop3A_650 = arith.addi %parallel_loop3A_649, %iota3A : vector<16xi32>
        %parallel_loop3A_651 = tpu.vector_load_idx %arg4[%parallel_loop3A_647, %parallel_loop3A_650] : memref<512x128xf32, #tpu.memory_space<vmem>>[vector<16xi32>, vector<16xi32>], vector<16xf32>,
        %parallel_loop3A_652 = arith.minimumf %parallel_loop3A_644, %parallel_loop3A_651 : vector<16xf32>
        %parallel_loop3A_653 = arith.constant 2 : i32
        %parallel_loop3A_654 = arith.muli %parallel_loop3A_653, %parallel_loop3A_569 : i32
        %parallel_loop3A_655 = arith.index_cast %parallel_loop3A_654 : i32 to index
        %parallel_loop3A_656 = arith.constant 32 : index
        %parallel_loop3A_657 = tpu.vector_load %arg6[%parallel_loop3A_655, %parallel_loop3A_656] {strides = array<i32>} : memref<64x128xf32, #tpu.memory_space<vmem>>, vector<16xf32>,
        tpu.vector_store %arg6[%parallel_loop3A_655, %parallel_loop3A_656], %parallel_loop3A_652 {strides = array<i32>} : memref<64x128xf32, #tpu.memory_space<vmem>>, vector<16xf32>,
        %parallel_loop3A_658 = arith.maximumf %parallel_loop3A_644, %parallel_loop3A_651 : vector<16xf32>
        %parallel_loop3A_659 = arith.constant 2 : i32
        %parallel_loop3A_660 = arith.muli %parallel_loop3A_659, %parallel_loop3A_569 : i32
        %parallel_loop3A_661 = arith.constant 1 : i32
        %parallel_loop3A_662 = arith.addi %parallel_loop3A_660, %parallel_loop3A_661 : i32
        %parallel_loop3A_663 = arith.index_cast %parallel_loop3A_662 : i32 to index
        %parallel_loop3A_664 = arith.constant 32 : index
        %parallel_loop3A_665 = tpu.vector_load %arg6[%parallel_loop3A_663, %parallel_loop3A_664] {strides = array<i32>} : memref<64x128xf32, #tpu.memory_space<vmem>>, vector<16xf32>,
        tpu.vector_store %arg6[%parallel_loop3A_663, %parallel_loop3A_664], %parallel_loop3A_658 {strides = array<i32>} : memref<64x128xf32, #tpu.memory_space<vmem>>, vector<16xf32>,
        %parallel_loop3A_666 = arith.constant 2 : i32
        %parallel_loop3A_667 = arith.muli %parallel_loop3A_666, %parallel_loop3A_569 : i32
        %parallel_loop3A_668 = vector.broadcast %parallel_loop3A_667 : i32 to vector<16xi32>
        %parallel_loop3A_669 = arith.addi %sub3A_493, %parallel_loop3A_668 : vector<16xi32>
        %parallel_loop3A_670 = arith.constant 511 : i32
        %parallel_loop3A_671 = vector.broadcast %parallel_loop3A_670 : i32 to vector<16xi32>
        %parallel_loop3A_672 = arith.andi %parallel_loop3A_669, %parallel_loop3A_671 : vector<16xi32>
        %parallel_loop3A_673 = arith.constant 48 : i32
        %parallel_loop3A_674 = vector.broadcast %parallel_loop3A_673 : i32 to vector<16xi32>
        %parallel_loop3A_675 = arith.addi %parallel_loop3A_674, %iota3A : vector<16xi32>
        %parallel_loop3A_676 = tpu.vector_load_idx %arg4[%parallel_loop3A_672, %parallel_loop3A_675] : memref<512x128xf32, #tpu.memory_space<vmem>>[vector<16xi32>, vector<16xi32>], vector<16xf32>,
        %parallel_loop3A_677 = arith.constant 1 : i32
        %parallel_loop3A_678 = vector.broadcast %parallel_loop3A_677 : i32 to vector<16xi32>
        %parallel_loop3A_679 = arith.addi %parallel_loop3A_672, %parallel_loop3A_678 : vector<16xi32>
        %parallel_loop3A_680 = arith.constant 48 : i32
        %parallel_loop3A_681 = vector.broadcast %parallel_loop3A_680 : i32 to vector<16xi32>
        %parallel_loop3A_682 = arith.addi %parallel_loop3A_681, %iota3A : vector<16xi32>
        %parallel_loop3A_683 = tpu.vector_load_idx %arg4[%parallel_loop3A_679, %parallel_loop3A_682] : memref<512x128xf32, #tpu.memory_space<vmem>>[vector<16xi32>, vector<16xi32>], vector<16xf32>,
        %parallel_loop3A_684 = arith.minimumf %parallel_loop3A_676, %parallel_loop3A_683 : vector<16xf32>
        %parallel_loop3A_685 = arith.constant 2 : i32
        %parallel_loop3A_686 = arith.muli %parallel_loop3A_685, %parallel_loop3A_569 : i32
        %parallel_loop3A_687 = arith.index_cast %parallel_loop3A_686 : i32 to index
        %parallel_loop3A_688 = arith.constant 48 : index
        %parallel_loop3A_689 = tpu.vector_load %arg6[%parallel_loop3A_687, %parallel_loop3A_688] {strides = array<i32>} : memref<64x128xf32, #tpu.memory_space<vmem>>, vector<16xf32>,
        tpu.vector_store %arg6[%parallel_loop3A_687, %parallel_loop3A_688], %parallel_loop3A_684 {strides = array<i32>} : memref<64x128xf32, #tpu.memory_space<vmem>>, vector<16xf32>,
        %parallel_loop3A_690 = arith.maximumf %parallel_loop3A_676, %parallel_loop3A_683 : vector<16xf32>
        %parallel_loop3A_691 = arith.constant 2 : i32
        %parallel_loop3A_692 = arith.muli %parallel_loop3A_691, %parallel_loop3A_569 : i32
        %parallel_loop3A_693 = arith.constant 1 : i32
        %parallel_loop3A_694 = arith.addi %parallel_loop3A_692, %parallel_loop3A_693 : i32
        %parallel_loop3A_695 = arith.index_cast %parallel_loop3A_694 : i32 to index
        %parallel_loop3A_696 = arith.constant 48 : index
        %parallel_loop3A_697 = tpu.vector_load %arg6[%parallel_loop3A_695, %parallel_loop3A_696] {strides = array<i32>} : memref<64x128xf32, #tpu.memory_space<vmem>>, vector<16xf32>,
        tpu.vector_store %arg6[%parallel_loop3A_695, %parallel_loop3A_696], %parallel_loop3A_690 {strides = array<i32>} : memref<64x128xf32, #tpu.memory_space<vmem>>, vector<16xf32>,
        %parallel_loop3A_698 = arith.constant 2 : i32
        %parallel_loop3A_699 = arith.muli %parallel_loop3A_698, %parallel_loop3A_569 : i32
        %parallel_loop3A_700 = vector.broadcast %parallel_loop3A_699 : i32 to vector<16xi32>
        %parallel_loop3A_701 = arith.addi %sub3A_510, %parallel_loop3A_700 : vector<16xi32>
        %parallel_loop3A_702 = arith.constant 511 : i32
        %parallel_loop3A_703 = vector.broadcast %parallel_loop3A_702 : i32 to vector<16xi32>
        %parallel_loop3A_704 = arith.andi %parallel_loop3A_701, %parallel_loop3A_703 : vector<16xi32>
        %parallel_loop3A_705 = arith.constant 64 : i32
        %parallel_loop3A_706 = vector.broadcast %parallel_loop3A_705 : i32 to vector<16xi32>
        %parallel_loop3A_707 = arith.addi %parallel_loop3A_706, %iota3A : vector<16xi32>
        %parallel_loop3A_708 = tpu.vector_load_idx %arg4[%parallel_loop3A_704, %parallel_loop3A_707] : memref<512x128xf32, #tpu.memory_space<vmem>>[vector<16xi32>, vector<16xi32>], vector<16xf32>,
        %parallel_loop3A_709 = arith.constant 1 : i32
        %parallel_loop3A_710 = vector.broadcast %parallel_loop3A_709 : i32 to vector<16xi32>
        %parallel_loop3A_711 = arith.addi %parallel_loop3A_704, %parallel_loop3A_710 : vector<16xi32>
        %parallel_loop3A_712 = arith.constant 64 : i32
        %parallel_loop3A_713 = vector.broadcast %parallel_loop3A_712 : i32 to vector<16xi32>
        %parallel_loop3A_714 = arith.addi %parallel_loop3A_713, %iota3A : vector<16xi32>
        %parallel_loop3A_715 = tpu.vector_load_idx %arg4[%parallel_loop3A_711, %parallel_loop3A_714] : memref<512x128xf32, #tpu.memory_space<vmem>>[vector<16xi32>, vector<16xi32>], vector<16xf32>,
        %parallel_loop3A_716 = arith.minimumf %parallel_loop3A_708, %parallel_loop3A_715 : vector<16xf32>
        %parallel_loop3A_717 = arith.constant 2 : i32
        %parallel_loop3A_718 = arith.muli %parallel_loop3A_717, %parallel_loop3A_569 : i32
        %parallel_loop3A_719 = arith.index_cast %parallel_loop3A_718 : i32 to index
        %parallel_loop3A_720 = arith.constant 64 : index
        %parallel_loop3A_721 = tpu.vector_load %arg6[%parallel_loop3A_719, %parallel_loop3A_720] {strides = array<i32>} : memref<64x128xf32, #tpu.memory_space<vmem>>, vector<16xf32>,
        tpu.vector_store %arg6[%parallel_loop3A_719, %parallel_loop3A_720], %parallel_loop3A_716 {strides = array<i32>} : memref<64x128xf32, #tpu.memory_space<vmem>>, vector<16xf32>,
        %parallel_loop3A_722 = arith.maximumf %parallel_loop3A_708, %parallel_loop3A_715 : vector<16xf32>
        %parallel_loop3A_723 = arith.constant 2 : i32
        %parallel_loop3A_724 = arith.muli %parallel_loop3A_723, %parallel_loop3A_569 : i32
        %parallel_loop3A_725 = arith.constant 1 : i32
        %parallel_loop3A_726 = arith.addi %parallel_loop3A_724, %parallel_loop3A_725 : i32
        %parallel_loop3A_727 = arith.index_cast %parallel_loop3A_726 : i32 to index
        %parallel_loop3A_728 = arith.constant 64 : index
        %parallel_loop3A_729 = tpu.vector_load %arg6[%parallel_loop3A_727, %parallel_loop3A_728] {strides = array<i32>} : memref<64x128xf32, #tpu.memory_space<vmem>>, vector<16xf32>,
        tpu.vector_store %arg6[%parallel_loop3A_727, %parallel_loop3A_728], %parallel_loop3A_722 {strides = array<i32>} : memref<64x128xf32, #tpu.memory_space<vmem>>, vector<16xf32>,
        %parallel_loop3A_730 = arith.constant 2 : i32
        %parallel_loop3A_731 = arith.muli %parallel_loop3A_730, %parallel_loop3A_569 : i32
        %parallel_loop3A_732 = vector.broadcast %parallel_loop3A_731 : i32 to vector<16xi32>
        %parallel_loop3A_733 = arith.addi %sub3A_527, %parallel_loop3A_732 : vector<16xi32>
        %parallel_loop3A_734 = arith.constant 511 : i32
        %parallel_loop3A_735 = vector.broadcast %parallel_loop3A_734 : i32 to vector<16xi32>
        %parallel_loop3A_736 = arith.andi %parallel_loop3A_733, %parallel_loop3A_735 : vector<16xi32>
        %parallel_loop3A_737 = arith.constant 80 : i32
        %parallel_loop3A_738 = vector.broadcast %parallel_loop3A_737 : i32 to vector<16xi32>
        %parallel_loop3A_739 = arith.addi %parallel_loop3A_738, %iota3A : vector<16xi32>
        %parallel_loop3A_740 = tpu.vector_load_idx %arg4[%parallel_loop3A_736, %parallel_loop3A_739] : memref<512x128xf32, #tpu.memory_space<vmem>>[vector<16xi32>, vector<16xi32>], vector<16xf32>,
        %parallel_loop3A_741 = arith.constant 1 : i32
        %parallel_loop3A_742 = vector.broadcast %parallel_loop3A_741 : i32 to vector<16xi32>
        %parallel_loop3A_743 = arith.addi %parallel_loop3A_736, %parallel_loop3A_742 : vector<16xi32>
        %parallel_loop3A_744 = arith.constant 80 : i32
        %parallel_loop3A_745 = vector.broadcast %parallel_loop3A_744 : i32 to vector<16xi32>
        %parallel_loop3A_746 = arith.addi %parallel_loop3A_745, %iota3A : vector<16xi32>
        %parallel_loop3A_747 = tpu.vector_load_idx %arg4[%parallel_loop3A_743, %parallel_loop3A_746] : memref<512x128xf32, #tpu.memory_space<vmem>>[vector<16xi32>, vector<16xi32>], vector<16xf32>,
        %parallel_loop3A_748 = arith.minimumf %parallel_loop3A_740, %parallel_loop3A_747 : vector<16xf32>
        %parallel_loop3A_749 = arith.constant 2 : i32
        %parallel_loop3A_750 = arith.muli %parallel_loop3A_749, %parallel_loop3A_569 : i32
        %parallel_loop3A_751 = arith.index_cast %parallel_loop3A_750 : i32 to index
        %parallel_loop3A_752 = arith.constant 80 : index
        %parallel_loop3A_753 = tpu.vector_load %arg6[%parallel_loop3A_751, %parallel_loop3A_752] {strides = array<i32>} : memref<64x128xf32, #tpu.memory_space<vmem>>, vector<16xf32>,
        tpu.vector_store %arg6[%parallel_loop3A_751, %parallel_loop3A_752], %parallel_loop3A_748 {strides = array<i32>} : memref<64x128xf32, #tpu.memory_space<vmem>>, vector<16xf32>,
        %parallel_loop3A_754 = arith.maximumf %parallel_loop3A_740, %parallel_loop3A_747 : vector<16xf32>
        %parallel_loop3A_755 = arith.constant 2 : i32
        %parallel_loop3A_756 = arith.muli %parallel_loop3A_755, %parallel_loop3A_569 : i32
        %parallel_loop3A_757 = arith.constant 1 : i32
        %parallel_loop3A_758 = arith.addi %parallel_loop3A_756, %parallel_loop3A_757 : i32
        %parallel_loop3A_759 = arith.index_cast %parallel_loop3A_758 : i32 to index
        %parallel_loop3A_760 = arith.constant 80 : index
        %parallel_loop3A_761 = tpu.vector_load %arg6[%parallel_loop3A_759, %parallel_loop3A_760] {strides = array<i32>} : memref<64x128xf32, #tpu.memory_space<vmem>>, vector<16xf32>,
        tpu.vector_store %arg6[%parallel_loop3A_759, %parallel_loop3A_760], %parallel_loop3A_754 {strides = array<i32>} : memref<64x128xf32, #tpu.memory_space<vmem>>, vector<16xf32>,
        %parallel_loop3A_762 = arith.constant 2 : i32
        %parallel_loop3A_763 = arith.muli %parallel_loop3A_762, %parallel_loop3A_569 : i32
        %parallel_loop3A_764 = vector.broadcast %parallel_loop3A_763 : i32 to vector<16xi32>
        %parallel_loop3A_765 = arith.addi %sub3A_544, %parallel_loop3A_764 : vector<16xi32>
        %parallel_loop3A_766 = arith.constant 511 : i32
        %parallel_loop3A_767 = vector.broadcast %parallel_loop3A_766 : i32 to vector<16xi32>
        %parallel_loop3A_768 = arith.andi %parallel_loop3A_765, %parallel_loop3A_767 : vector<16xi32>
        %parallel_loop3A_769 = arith.constant 96 : i32
        %parallel_loop3A_770 = vector.broadcast %parallel_loop3A_769 : i32 to vector<16xi32>
        %parallel_loop3A_771 = arith.addi %parallel_loop3A_770, %iota3A : vector<16xi32>
        %parallel_loop3A_772 = tpu.vector_load_idx %arg4[%parallel_loop3A_768, %parallel_loop3A_771] : memref<512x128xf32, #tpu.memory_space<vmem>>[vector<16xi32>, vector<16xi32>], vector<16xf32>,
        %parallel_loop3A_773 = arith.constant 1 : i32
        %parallel_loop3A_774 = vector.broadcast %parallel_loop3A_773 : i32 to vector<16xi32>
        %parallel_loop3A_775 = arith.addi %parallel_loop3A_768, %parallel_loop3A_774 : vector<16xi32>
        %parallel_loop3A_776 = arith.constant 96 : i32
        %parallel_loop3A_777 = vector.broadcast %parallel_loop3A_776 : i32 to vector<16xi32>
        %parallel_loop3A_778 = arith.addi %parallel_loop3A_777, %iota3A : vector<16xi32>
        %parallel_loop3A_779 = tpu.vector_load_idx %arg4[%parallel_loop3A_775, %parallel_loop3A_778] : memref<512x128xf32, #tpu.memory_space<vmem>>[vector<16xi32>, vector<16xi32>], vector<16xf32>,
        %parallel_loop3A_780 = arith.minimumf %parallel_loop3A_772, %parallel_loop3A_779 : vector<16xf32>
        %parallel_loop3A_781 = arith.constant 2 : i32
        %parallel_loop3A_782 = arith.muli %parallel_loop3A_781, %parallel_loop3A_569 : i32
        %parallel_loop3A_783 = arith.index_cast %parallel_loop3A_782 : i32 to index
        %parallel_loop3A_784 = arith.constant 96 : index
        %parallel_loop3A_785 = tpu.vector_load %arg6[%parallel_loop3A_783, %parallel_loop3A_784] {strides = array<i32>} : memref<64x128xf32, #tpu.memory_space<vmem>>, vector<16xf32>,
        tpu.vector_store %arg6[%parallel_loop3A_783, %parallel_loop3A_784], %parallel_loop3A_780 {strides = array<i32>} : memref<64x128xf32, #tpu.memory_space<vmem>>, vector<16xf32>,
        %parallel_loop3A_786 = arith.maximumf %parallel_loop3A_772, %parallel_loop3A_779 : vector<16xf32>
        %parallel_loop3A_787 = arith.constant 2 : i32
        %parallel_loop3A_788 = arith.muli %parallel_loop3A_787, %parallel_loop3A_569 : i32
        %parallel_loop3A_789 = arith.constant 1 : i32
        %parallel_loop3A_790 = arith.addi %parallel_loop3A_788, %parallel_loop3A_789 : i32
        %parallel_loop3A_791 = arith.index_cast %parallel_loop3A_790 : i32 to index
        %parallel_loop3A_792 = arith.constant 96 : index
        %parallel_loop3A_793 = tpu.vector_load %arg6[%parallel_loop3A_791, %parallel_loop3A_792] {strides = array<i32>} : memref<64x128xf32, #tpu.memory_space<vmem>>, vector<16xf32>,
        tpu.vector_store %arg6[%parallel_loop3A_791, %parallel_loop3A_792], %parallel_loop3A_786 {strides = array<i32>} : memref<64x128xf32, #tpu.memory_space<vmem>>, vector<16xf32>,
        %parallel_loop3A_794 = arith.constant 2 : i32
        %parallel_loop3A_795 = arith.muli %parallel_loop3A_794, %parallel_loop3A_569 : i32
        %parallel_loop3A_796 = vector.broadcast %parallel_loop3A_795 : i32 to vector<16xi32>
        %parallel_loop3A_797 = arith.addi %sub3A_561, %parallel_loop3A_796 : vector<16xi32>
        %parallel_loop3A_798 = arith.constant 511 : i32
        %parallel_loop3A_799 = vector.broadcast %parallel_loop3A_798 : i32 to vector<16xi32>
        %parallel_loop3A_800 = arith.andi %parallel_loop3A_797, %parallel_loop3A_799 : vector<16xi32>
        %parallel_loop3A_801 = arith.constant 112 : i32
        %parallel_loop3A_802 = vector.broadcast %parallel_loop3A_801 : i32 to vector<16xi32>
        %parallel_loop3A_803 = arith.addi %parallel_loop3A_802, %iota3A : vector<16xi32>
        %parallel_loop3A_804 = tpu.vector_load_idx %arg4[%parallel_loop3A_800, %parallel_loop3A_803] : memref<512x128xf32, #tpu.memory_space<vmem>>[vector<16xi32>, vector<16xi32>], vector<16xf32>,
        %parallel_loop3A_805 = arith.constant 1 : i32
        %parallel_loop3A_806 = vector.broadcast %parallel_loop3A_805 : i32 to vector<16xi32>
        %parallel_loop3A_807 = arith.addi %parallel_loop3A_800, %parallel_loop3A_806 : vector<16xi32>
        %parallel_loop3A_808 = arith.constant 112 : i32
        %parallel_loop3A_809 = vector.broadcast %parallel_loop3A_808 : i32 to vector<16xi32>
        %parallel_loop3A_810 = arith.addi %parallel_loop3A_809, %iota3A : vector<16xi32>
        %parallel_loop3A_811 = tpu.vector_load_idx %arg4[%parallel_loop3A_807, %parallel_loop3A_810] : memref<512x128xf32, #tpu.memory_space<vmem>>[vector<16xi32>, vector<16xi32>], vector<16xf32>,
        %parallel_loop3A_812 = arith.minimumf %parallel_loop3A_804, %parallel_loop3A_811 : vector<16xf32>
        %parallel_loop3A_813 = arith.constant 2 : i32
        %parallel_loop3A_814 = arith.muli %parallel_loop3A_813, %parallel_loop3A_569 : i32
        %parallel_loop3A_815 = arith.index_cast %parallel_loop3A_814 : i32 to index
        %parallel_loop3A_816 = arith.constant 112 : index
        %parallel_loop3A_817 = tpu.vector_load %arg6[%parallel_loop3A_815, %parallel_loop3A_816] {strides = array<i32>} : memref<64x128xf32, #tpu.memory_space<vmem>>, vector<16xf32>,
        tpu.vector_store %arg6[%parallel_loop3A_815, %parallel_loop3A_816], %parallel_loop3A_812 {strides = array<i32>} : memref<64x128xf32, #tpu.memory_space<vmem>>, vector<16xf32>,
        %parallel_loop3A_818 = arith.maximumf %parallel_loop3A_804, %parallel_loop3A_811 : vector<16xf32>
        %parallel_loop3A_819 = arith.constant 2 : i32
        %parallel_loop3A_820 = arith.muli %parallel_loop3A_819, %parallel_loop3A_569 : i32
        %parallel_loop3A_821 = arith.constant 1 : i32
        %parallel_loop3A_822 = arith.addi %parallel_loop3A_820, %parallel_loop3A_821 : i32
        %parallel_loop3A_823 = arith.index_cast %parallel_loop3A_822 : i32 to index
        %parallel_loop3A_824 = arith.constant 112 : index
        %parallel_loop3A_825 = tpu.vector_load %arg6[%parallel_loop3A_823, %parallel_loop3A_824] {strides = array<i32>} : memref<64x128xf32, #tpu.memory_space<vmem>>, vector<16xf32>,
        tpu.vector_store %arg6[%parallel_loop3A_823, %parallel_loop3A_824], %parallel_loop3A_818 {strides = array<i32>} : memref<64x128xf32, #tpu.memory_space<vmem>>, vector<16xf32>,
      } {sc.loop_unroll_factor = 4 : i64, sc.parallel_access}
      %dma_start3A_565 = tpu.memref_slice %arg3[%shift_right_arithmetic3A_1, %add3A_410, %mul3A_10] : memref<2x8192x1024xf32, #tpu.memory_space<hbm>> -> memref<1x64x128xf32, #tpu.memory_space<hbm>>
      %dma_start3A_566 = tpu.memref_squeeze %dma_start3A_565 : memref<1x64x128xf32, #tpu.memory_space<hbm>> -> memref<64x128xf32, #tpu.memory_space<hbm>>
      %dma_start3A_567 = tpu.memref_slice %arg3[%shift_right_arithmetic3A_1, %add3A_410, %mul3A_10] : memref<2x8192x1024xf32, #tpu.memory_space<hbm>> -> memref<1x64x128xf32, #tpu.memory_space<hbm>>
      %dma_start3A_568 = tpu.memref_squeeze %dma_start3A_567 : memref<1x64x128xf32, #tpu.memory_space<hbm>> -> memref<64x128xf32, #tpu.memory_space<hbm>>
      tpu.enqueue_dma source(%arg6 : memref<64x128xf32, #tpu.memory_space<vmem>>) target(%dma_start3A_568 : memref<64x128xf32, #tpu.memory_space<hbm>>) target_semaphore(%arg8 : memref<!tpu.dma_semaphore, #tpu.memory_space<semaphore_mem>>)
    }
    %scan3A_231 = arith.constant 32 : i32
    %dma_wait3A_232 = arith.constant 0 : i32
    %dma_wait3A_233 = tpu.memref_slice %arg3[%shift_right_arithmetic3A_1, %dma_wait3A_232, %mul3A_10] : memref<2x8192x1024xf32, #tpu.memory_space<hbm>> -> memref<1x64x128xf32, #tpu.memory_space<hbm>>
    %dma_wait3A_234 = tpu.memref_squeeze %dma_wait3A_233 : memref<1x64x128xf32, #tpu.memory_space<hbm>> -> memref<64x128xf32, #tpu.memory_space<hbm>>
    %dma_wait3A_235 = arith.constant 0 : i32
    %dma_wait3A_236 = tpu.memref_slice %arg3[%shift_right_arithmetic3A_1, %dma_wait3A_235, %mul3A_10] : memref<2x8192x1024xf32, #tpu.memory_space<hbm>> -> memref<1x64x128xf32, #tpu.memory_space<hbm>>
    %dma_wait3A_237 = tpu.memref_squeeze %dma_wait3A_236 : memref<1x64x128xf32, #tpu.memory_space<hbm>> -> memref<64x128xf32, #tpu.memory_space<hbm>>
    tpu.wait_dma2 semaphore(%arg8 : memref<!tpu.dma_semaphore, #tpu.memory_space<semaphore_mem>>) src(%arg5 : memref<64x128xf32, #tpu.memory_space<vmem>>) dst(%dma_wait3A_237 : memref<64x128xf32, #tpu.memory_space<hbm>>)
    %dma_wait3A_238 = arith.constant 0 : i32
    %dma_wait3A_239 = tpu.memref_slice %arg3[%shift_right_arithmetic3A_1, %dma_wait3A_238, %mul3A_10] : memref<2x8192x1024xf32, #tpu.memory_space<hbm>> -> memref<1x64x128xf32, #tpu.memory_space<hbm>>
    %dma_wait3A_240 = tpu.memref_squeeze %dma_wait3A_239 : memref<1x64x128xf32, #tpu.memory_space<hbm>> -> memref<64x128xf32, #tpu.memory_space<hbm>>
    %dma_wait3A_241 = arith.constant 0 : i32
    %dma_wait3A_242 = tpu.memref_slice %arg3[%shift_right_arithmetic3A_1, %dma_wait3A_241, %mul3A_10] : memref<2x8192x1024xf32, #tpu.memory_space<hbm>> -> memref<1x64x128xf32, #tpu.memory_space<hbm>>
    %dma_wait3A_243 = tpu.memref_squeeze %dma_wait3A_242 : memref<1x64x128xf32, #tpu.memory_space<hbm>> -> memref<64x128xf32, #tpu.memory_space<hbm>>
    tpu.wait_dma2 semaphore(%arg8 : memref<!tpu.dma_semaphore, #tpu.memory_space<semaphore_mem>>) src(%arg6 : memref<64x128xf32, #tpu.memory_space<vmem>>) dst(%dma_wait3A_243 : memref<64x128xf32, #tpu.memory_space<hbm>>)
    return
  }
}

</mosaic_0001>

<sc_bundles>
// kernel: kernel.3.cloned.1.call-start
scs
__scs_entry_jumppad:
0x0: {  	(pc) =	sbr.rel $0x88, $3  }
0x1: {  	(tag) =	ssettag $0x0;
	lr =	simm.s32 $0x1  }
0x2: {  	[smem:$0x3FA0] =	sst lr;
	_ =	strace $0xD0000000  }
0x3: {  	_ = 	snop  }
0x4: {  	_ = 	snop  }
0x5: {  	_ = 	snop  }
0x6: {  	_ = 	snop  }
0x7: {  	_ = 	snop  }
__scs_overlays_trampoline_lowered:
0x8: {  	[smem:$0x3FAF] =	sst s0  }
0x9: {  	[smem:$0x3FB0] =	sst s1  }
0xa: {  	[smem:$0x3FB1] =	sst s2  }
0xb: {  	[smem:$0x3FB2] =	sst s3  }
0xc: {  	[smem:$0x3FB3] =	sst s4  }
0xd: {  	[smem:$0x3FB4] =	sst s5  }
0xe: {  	[smem:$0x3FB5] =	sst s6  }
0xf: {  	[smem:$0x3FB6] =	sst s7  }
0x10: {  	[smem:$0x3FB7] =	sst s8  }
0x11: {  	[smem:$0x3FB8] =	sst s9;
	s0 =	simm.s32 @!p0 $0x0  }
0x12: {  	s1 =	sld [smem:$0x3F9E];
	s0 =	simm.s32 @p0 $0x1  }
0x13: {  	[smem:$0x3FB9] =	sst s0;
	s0 =	simm.s32 @!p1 $0x0  }
0x14: {  	s2 =	sld [smem:$0x3F9D];
	s0 =	simm.s32 @p1 $0x1  }
0x15: {  	[smem:$0x3FBA] =	sst s0;
	s0 =	simm.s32 @!p2 $0x0  }
0x16: {  	s3 =	sld [smem:$0x3FDB];
	s0 =	simm.s32 @p2 $0x1  }
0x17: {  	s4 =	simm.s32 $0x1BF5;
	[smem:$0x3FBC] =	sst s0  }
0x18: {  	s0 =	sld [smem:$0x3F9F];
	_ =	swait.ge [sflag:s4], $0x0  }
0x19: {  	s7 =	sld [smem:$0x3FA0]  }
0x1a: {  	s8 =	sadd.s32 $0xFFFFE003, lr  }
0x1b: {  	s9 =	sadd.s32 $0xFFFFFEF7, lr;
	s5 =	simm.s32 $0xFFFFFFFF;
	p2 =	slt.u32 s8, $0xFFFFF086  }
0x1c: {  	p1 =	slt.u32 s9, $0xF7A;
	s5 =	simm.s32 @!p2 $0x0  }
0x1d: {  	s5 =	simm.s32 @p1 $0x1;
	p0 =	seq.s32 s7, s2  }
0x1e: {  	s7 =	smul.u32 @!p0 $0xF7A, s2;
	p2 =	seq.s32 @!p0 s5, $0x0  }
0x1f: {  	s9 =	smul.u32 $0xF7A, s1;
	s8 =	simm.s32 @!p0 $0x1BF5;
	p2 =	por !p2, p0  }
0x20: {  	[sflag:s8] =	ssyncset.s32 @!p0 $0xFFFFF086;
	s6 =	sadd.s32 @!p0 s3, s7;
	s7 =	simm.s32 @!p0 $0x108  }
0x21: {  	s3 =	sadd.s32 s3, s9;
	s6 =	sadd.s32 @!p0 $0x88, s6;
	s7 =	simm.s32 @p2 $0x1082  }
0x22: {  	[simem:s7], [sflag:s8] =	dma.local @!p0 [hbm:s6], $0xF7A  }
0x23: {  	s9 =	sor.u32 $0xD0000000, s2;
	s6 =	simm.s32 $0x108;
	_ =	swait.ge @!p0 [sflag:s8], $0x0  }
0x24: {  	s3 =	sadd.s32 $0x88, s3;
	s6 =	simm.s32 @!p1 $0x1082;
	[sflag:s4] =	ssyncset.s32 $0xFFFFF086  }
0x25: {  	[simem:s6], [sflag:s4] =	dma.local [hbm:s3], $0xF7A  }
0x26: {  	[smem:$0x3FA0] =	sst s1;
	(tag) =	ssettag s2;
	_ =	strace s9  }
0x27: {  	s1 =	sld [smem:$0x3FB0]  }
0x28: {  	s2 =	sld [smem:$0x3FB1]  }
0x29: {  	s4 =	sld [smem:$0x3FB3]  }
0x2a: {  	p0 =	seq.s32 s5, $0x0;
	s5 =	sld [smem:$0x3FB4]  }
0x2b: {  	s6 =	sld [smem:$0x3FB5]  }
0x2c: {  	s7 =	sld [smem:$0x3FB6]  }
0x2d: {  	s3 =	simm.s32 $0x108;
	s8 =	sld [smem:$0x3FB7]  }
0x2e: {  	s3 =	simm.s32 @!p0 $0x1082;
	s9 =	sld [smem:$0x3FB8]  }
0x2f: {  	lr =	sadd.s32 s0, s3;
	s0 =	sld [smem:$0x3FAF]  }
0x30: {  	s3 =	sld [smem:$0x3FB2]  }
0x31: {  	[smem:$0x3FBB] =	sst s10  }
0x32: {  	s10 =	sld [smem:$0x3FB9];
	_ =	sdelay $0x3  }
0x33: {  	p0 =	seq.s32 s10, $0x1;
	s10 =	sld [smem:$0x3FBB];
	_ =	sdelay $0x3  }
0x34: {  	[smem:$0x3FBB] =	sst s10  }
0x35: {  	s10 =	sld [smem:$0x3FBA];
	_ =	sdelay $0x3  }
0x36: {  	p1 =	seq.s32 s10, $0x1;
	s10 =	sld [smem:$0x3FBB];
	_ =	sdelay $0x3  }
0x37: {  	[smem:$0x3FBB] =	sst s10  }
0x38: {  	s10 =	sld [smem:$0x3FBC]  }
0x39: {  	_ = 	snop;
	(pc) =	sbr.ind lr, $3  }
0x3a: {  	_ = 	snop  }
0x3b: {  	_ = 	snop  }
0x3c: {  	p2 =	seq.s32 s10, $0x1;
	s10 =	sld [smem:$0x3FBB]  }
0x3d: {  	_ =	shalt  }
0x3e: {  	_ =	shalt  }
0x3f: {  	_ =	shalt  }
0x40: {  	_ =	shalt  }
0x41: {  	_ =	shalt  }
0x42: {  	_ =	shalt  }
0x43: {  	_ =	shalt  }
0x44: {  	_ =	shalt  }
0x45: {  	_ =	shalt  }
0x46: {  	_ =	shalt  }
0x47: {  	_ =	shalt  }
0x48: {  	_ =	shalt  }
0x49: {  	_ =	shalt  }
0x4a: {  	_ =	shalt  }
0x4b: {  	_ =	shalt  }
0x4c: {  	_ =	shalt  }
0x4d: {  	_ =	shalt  }
0x4e: {  	_ =	shalt  }
0x4f: {  	_ =	shalt  }
0x50: {  	_ =	shalt  }
0x51: {  	_ =	shalt  }
0x52: {  	_ =	shalt  }
0x53: {  	_ =	shalt  }
0x54: {  	_ =	shalt  }
0x55: {  	_ =	shalt  }
0x56: {  	_ =	shalt  }
0x57: {  	_ =	shalt  }
0x58: {  	_ =	shalt  }
0x59: {  	_ =	shalt  }
0x5a: {  	_ =	shalt  }
0x5b: {  	_ =	shalt  }
0x5c: {  	_ =	shalt  }
0x5d: {  	_ =	shalt  }
0x5e: {  	_ =	shalt  }
0x5f: {  	_ =	shalt  }
0x60: {  	_ =	shalt  }
0x61: {  	_ =	shalt  }
0x62: {  	_ =	shalt  }
0x63: {  	_ =	shalt  }
0x64: {  	_ =	shalt  }
0x65: {  	_ =	shalt  }
0x66: {  	_ =	shalt  }
0x67: {  	_ =	shalt  }
0x68: {  	_ =	shalt  }
0x69: {  	_ =	shalt  }
0x6a: {  	_ =	shalt  }
0x6b: {  	_ =	shalt  }
0x6c: {  	_ =	shalt  }
0x6d: {  	_ =	shalt  }
0x6e: {  	_ =	shalt  }
0x6f: {  	_ =	shalt  }
0x70: {  	_ =	shalt  }
0x71: {  	_ =	shalt  }
0x72: {  	_ =	shalt  }
0x73: {  	_ =	shalt  }
0x74: {  	_ =	shalt  }
0x75: {  	_ =	shalt  }
0x76: {  	_ =	shalt  }
0x77: {  	_ =	shalt  }
0x78: {  	_ =	shalt  }
0x79: {  	_ =	shalt  }
0x7a: {  	_ =	shalt  }
0x7b: {  	_ =	shalt  }
0x7c: {  	_ =	shalt  }
0x7d: {  	_ =	shalt  }
0x7e: {  	_ =	shalt  }
0x7f: {  	_ =	shalt  }
0x80: {  	_ =	shalt  }
0x81: {  	_ =	shalt  }
0x82: {  	_ =	shalt  }
0x83: {  	_ =	shalt  }
0x84: {  	_ =	shalt  }
0x85: {  	_ =	shalt  }
0x86: {  	_ =	shalt  }
0x87: {  	_ =	shalt  }
.Lfunc_end0:
.L_simem_size_0:
called_computation_lowered:
.L_overlay_start_0:
0x88: {  	s2 =	sld [smem:$0x3FD9]  }
0x89: {  	s3 =	sld [smem:$0x3FFE];
	_ =	sdelay $0x1  }
0x8a: {  	s1 =	srdreg.scid  }
0x8b: {  	s0 =	sand.u32 $0x1, s1  }
0x8c: {  	s18 =	sshll.u32 s0, $0xA;
	s2 =	sadd.s32 s3, s2  }
0x8d: {  	s2 =	sadd.s32 s2, s18  }
0x8e: {  	[smem:$0x3FC7] =	sst s2  }
0x8f: {  	_ = 	snop  }
0x90: {  	s2 =	sld [smem:$0x3FC9]  }
0x91: {  	s19 =	sld [smem:$0x3FD0];
	(tm) =	ssettm $0x1  }
0x92: {  	s4 =	sld [smem:$0x3FFB];
	_ =	sdelay $0x3  }
0x93: {  	_ =	strace s4  }
0x94: {  	s4 =	sld [smem:$0x3FFC];
	_ =	sdelay $0x3  }
0x95: {  	_ =	strace s4  }
0x96: {  	s4 =	sld [smem:$0x3FFD];
	_ =	sdelay $0x3  }
0x97: {  	_ =	strace s4  }
0x98: {  	_ =	strace $0x8FFFFFFF  }
0x99: {  	s20 =	sld [smem:$0x3FDB];
	_ =	sdelay $0x1  }
0x9a: {  	s5 =	simm.s32 $_scs_section_size  }
0x9b: {  	s6 =	simm.s32 $_size__tile_overlayer_lowered;
	s7 =	simm.s32 $_tile_overlayer_lowered  }
0x9c: {  	s23 =	simm.s32 $0x1BFF;
	s22 =	sshll.u32 s7, $0x1;
	s4 =	sadd.s32 s5, s20  }
0x9d: {  	s8 =	simm.s32 $0x0;
	s21 =	sshll.u32 s6, $0x1;
	s6 =	sadd.s32 s22, s4  }
0x9e: {  	[timem:s8], [sflag:s23] =	dma.local [hbm:s6], s21  }
0x9f: {  	_ =	swait.ge [sflag:s23], s21  }
0xa0: {  	s5 =	ssub.s32 $0x0, s21;
	[sflag:s23] =	ssyncset.done $0x0  }
0xa1: {  	[sflag:s23] =	ssyncadd.s32 s5;
	_ =	sdelay $0x1  }
0xa2: {  	s24 =	simm.s32 $0x1B8B  }
0xa3: {  	_ =	swait.ge [sflag:s24], $0x1  }
0xa4: {  	[sflag:s24] =	ssyncset.done $0x0  }
0xa5: {  	s25 =	simm.s32 $0x1B8E;
	[sflag:s24] =	ssyncadd.s32 $0xFFFFFFFF  }
0xa6: {  	s26 =	simm.s32 $execute0_lowered;
	[smem:$0x3FD2] =	sst s25  }
0xa7: {  	s5 =	sshll.u32 s26, $0x1;
	_ =	strace $0x80000046;
	[dreg:$0x1] =	wrdreg $0xFFFFFFFF  }
0xa8: {  	s28 =	simm.s32 $_size_execute0_lowered;
	s4 =	sadd.s32 s4, s5;
	[dreg:$0x0] =	wrdreg $0x0  }
0xa9: {  	s5 =	sshll.u32 s28, $0x1;
	[dreg:$0x2] =	wrdreg s4  }
0xaa: {  	[dreg:$0x3] =	wrdreg s5  }
0xab: {  	[dreg:$0x4] =	wrdreg $0xC0  }
0xac: {  	_ =	task [dreg:s8], $0x5FFFF  }
0xad: {  	[dreg:$0x1] =	wrdreg $0xFFFFFFFF  }
0xae: {  	[dreg:$0x0] =	wrdreg $0x60  }
0xaf: {  	[dreg:$0x2] =	wrdreg s2  }
0xb0: {  	[dreg:$0x3] =	wrdreg s19  }
0xb1: {  	[dreg:$0x4] =	wrdreg $0x9  }
0xb2: {  	_ =	task.clear_ibuf [dreg:s8], $0x5FFFF;
	_ =	strace $0x90000046  }
0xb3: {  	s29 =	simm.s32 $0x9;
	_ =	strace $0x80000048  }
0xb4: {  	_ =	swait.ge [sflag:s29], $0x1  }
0xb5: {  	[sflag:s29] =	ssyncadd.s32 $0xFFFFFFFF  }
0xb6: {  	_ =	strace $0x90000048  }
0xb7: {  	_ =	sfence  }
0xb8: {  	s30 =	sld [smem:$0x0];
	_ =	sdelay $0x2  }
0xb9: {  	s31 =	sshll.u32 s1, $0xD;
	s1 =	sshrl.u32 s1, $0x2  }
0xba: {  	s3 =	sand.u32 $0x4000, s31;
	s1 =	sadd.s32 s1, s30  }
0xbb: {  	s0 =	sor.u32 s3, s0;
	s1 =	sshll.u32 s1, $0x11  }
0xbc: {  	s0 =	sor.u32 s1, s0  }
0xbd: {  	s0 =	sadd.s32 $0x8F2B, s0  }
0xbe: {  	[sflag:s0] =	ssyncadd.remote.s32 $0x1  }
0xbf: {  	_ =	sfence.sel $0xFFFF  }
0xc0: {  	[dreg:$0x0] =	wrdreg $0xFFFFFFFF;
	(pc) =	sbr.abs _section_cstart, $3  }
0xc1: {  	[dreg:$0x1] =	wrdreg $0xFFFFFFFF  }
0xc2: {  	_ =	task.clear_ibuf [dreg:s8], $0x2FFFF;
	_ =	strace $0x9FFFFFFF  }
0xc3: {  	(tm) =	ssettm $0x7FFFFFFF  }
tec
execute0_lowered:
.L_overlay_start_1:
0x0: {  	(tag) =	ssettag $0x1  }
0x1: {  	s6 =	rddreg [dreg:$0x0]  }
0x2: {  	s0 =	rddreg [dreg:$0x1]  }
0x3: {  	s9 =	stileid.u32;
	s2 =	simm.s32 $0x0;
	s1 =	srdreg.scid  }
0x4: {  	s28 =	simm.s32 $0x12000;
	s29 =	simm.s32 $0x2;
	s30 =	simm.s32 $0x0  }
0x5: {  	s3 =	sshll.u32 s9, $0x7;
	[smem:$0x7FF] =	sst s2;
	s4 =	sand.u32 $0x1, s1  }
0x6: {  	s21 =	sshll.u32 s9, $0x14;
	s1 =	sand.u32 $0x380, s3;
	s5 =	ssub.s32 $0x2, s4  }
0x7: {  	s3 =	sshll.u32 s4, $0xC;
	_ =	strace $0x80000047;
	s20 =	sshll.u32 s1, $0x1  }
0x8: {  	s7 =	sshrl.u32 s5, $0x1;
	s6 =	sadd.s32 s6, s1;
	s14 =	sor.u32 $0x10, s1  }
0x9: {  	s16 =	sor.u32 $0x20, s1;
	s17 =	sor.u32 $0x30, s1;
	s4 =	ssub.s32 s3, s20  }
0xa: {  	s19 =	sor.u32 $0x40, s1;
	s5 =	ssub.s32 s5, s7;
	s8 =	sadd.s32 $0xFFFFFF04, s4  }
0xb: {  	s4 =	sand.u32 $0x800000, s21;
	s21 =	sor.u32 $0x50, s1;
	s22 =	sshll.u32 s8, $0xA  }
0xc: {  	v3 =	vmov s16;
	s7 =	sshra.s32 s8, $0x6;
	s8 =	sshll.u32 s8, $0x7;
	s9 =	sand.u32 $0x7C0000, s22  }
0xd: {  	v55 =	vshll.u32 v3, $0x1;
	v3 =	vmov s17;
	s10 =	sor.u32 $0x1, s7;
	s8 =	sand.u32 $0x8000, s8;
	s24 =	sor.u32 $0x2, s7  }
0xe: {  	v56 =	vshll.u32 v3, $0x1;
	v3 =	vmov s19;
	s26 =	sor.u32 $0x3, s7;
	s12 =	sadd.s32 $0x4, s7;
	s18 =	sadd.s32 $0x5, s7  }
0xf: {  	v58 =	vshll.u32 v3, $0x1;
	v3 =	vmov s21;
	s22 =	sor.u32 $0x60, s1;
	s21 =	sadd.s32 s0, s1;
	s9 =	sor.u32 s4, s9  }
0x10: {  	[dreg:$0x3] =	wrdreg s8;
	s23 =	sshll.u32 s10, $0x10;
	s10 =	sshll.u32 s10, $0xD  }
0x11: {  	s11 =	sshll.u32 s24, $0x10;
	s31 =	sshll.u32 s26, $0x10;
	s13 =	sshll.u32 s12, $0x10  }
0x12: {  	s20 =	sshll.u32 s18, $0x10;
	v60 =	vmov s22;
	s22 =	smax.u32 s5, $0x1;
	s9 =	sshrl.u32 s9, $0x3  }
0x13: {  	s8 =	sand.u32 $0x7D0000, s23;
	s10 =	sand.u32 $0xA000, s10;
	s25 =	sand.u32 $0x7E0000, s11  }
0x14: {  	v16 =	vlaneseq.u32;
	s11 =	sshll.u32 s26, $0xD;
	s15 =	sand.u32 $0x7C0000, s13;
	s8 =	sor.u32 s4, s8  }
0x15: {  	v7 =	vor.u32 $0xA0, v16;
	s13 =	sor.u32 $0x70, s1;
	s9 =	sadd.s32 s9, s6;
	s8 =	sshrl.u32 s8, $0x3  }
0x16: {  	v9 =	vor.u32 $0xE0, v16;
	[tilespmem:$0x1FFA0] =	vst v7;
	s23 =	sand.u32 $0x7D0000, s20;
	[dreg:$0x4] =	wrdreg s9;
	s8 =	sadd.s32 s8, s6  }
0x17: {  	v15 =	vor.u32 $0xF0, v16;
	[tilespmem:$0x1FFB0] =	vst v9;
	s9 =	sshll.u32 s24, $0xD;
	[dreg:$0x6] =	wrdreg s8;
	s8 =	sor.u32 s4, s25  }
0x18: {  	v1 =	vadd.s32 $0xFFFFFFFF, v16;
	v2 =	vmul.u32 $0x2, v16;
	v11 =	vor.u32 $0x10, v16;
	[tilespmem:$0x1FFC0] =	vst v15;
	[dreg:$0x5] =	wrdreg s10;
	s9 =	sand.u32 $0xC000, s9;
	s8 =	sshrl.u32 s8, $0x3  }
0x19: {  	v12 =	vor.u32 $0x80, v16;
	[tilespmem:$0x1FFD0] =	vst v11;
	v1 =	vadd.s32 s1, v1;
	[dreg:$0x7] =	wrdreg s9;
	s9 =	sand.u32 $0x7F0000, s31;
	s8 =	sadd.s32 s8, s6  }
0x1a: {  	v13 =	vor.u32 $0x90, v16;
	[tilespmem:$0x1FFE0] =	vst v12;
	v2 =	vadd.s32 $0xFFFFFFFE, v2;
	vm0 =	vgt.s32 v1, $0x0;
	[dreg:$0x8] =	wrdreg s8;
	s8 =	sor.u32 s4, s9;
	s9 =	sand.u32 $0xE000, s11  }
0x1b: {  	[tilespmem:$0x1FFF0] =	vst v13;
	v1 =	vnsel vm0, $0x0, v1;
	v0 =	vadd.s32 v2, v55;
	s20 =	sadd.s32 $0x7, s7;
	[dreg:$0x9] =	wrdreg s9;
	s8 =	sshrl.u32 s8, $0x3  }
0x1c: {  	v54 =	vmov s14;
	v5 =	vshll.u32 v1, $0x1;
	[tilespmem:$0x1FF20] =	vst v0;
	s9 =	sshll.u32 s12, $0xD;
	s12 =	sadd.s32 $0x6, s7;
	s8 =	sadd.s32 s8, s6  }
0x1d: {  	v1 =	vshll.u32 v54, $0x1;
	v57 =	vadd.s32 v2, v56;
	[tilespmem:$0x1FF80] =	vst v5;
	s14 =	sand.u32 $0x8000, s9;
	s24 =	sshll.u32 s12, $0x10;
	s9 =	sshll.u32 s18, $0xD  }
0x1e: {  	v22 =	vor.u32 $0x20, v16;
	v24 =	vor.u32 $0x30, v16;
	v6 =	vadd.s32 v2, v1;
	[tilespmem:$0x1FF30] =	vst v57;
	s31 =	sshll.u32 s12, $0xD;
	[dreg:$0xa] =	wrdreg s8;
	s8 =	sor.u32 s4, s15  }
0x1f: {  	v25 =	vor.u32 $0xB0, v16;
	v59 =	vadd.s32 v2, v58;
	v3 =	vshll.u32 v3, $0x1;
	[tilespmem:$0x1FF90] =	vst v6;
	s25 =	sand.u32 $0x7E0000, s24;
	s16 =	sand.u32 $0xA000, s9;
	s18 =	sand.u32 $0xC000, s31  }
0x20: {  	[tilespmem:$0x1FF40] =	vst v59;
	v1 =	vshll.u32 v60, $0x1;
	v61 =	vadd.s32 v2, v3;
	v4 =	vmov s13;
	s24 =	simm.s32 $0x2000;
	s8 =	sshrl.u32 s8, $0x3;
	s26 =	sor.u32 s4, s25  }
0x21: {  	v26 =	vor.u32 $0x40, v16;
	[tilespmem:$0x1FF50] =	vst v61;
	v62 =	vadd.s32 v2, v1;
	v4 =	vshll.u32 v4, $0x1;
	s25 =	simm.s32 $0x1;
	s15 =	sadd.s32 s8, s6;
	s8 =	sor.u32 s4, s23  }
0x22: {  	v27 =	vor.u32 $0xC0, v16;
	v28 =	vor.u32 $0x50, v16;
	[tilespmem:$0x1FF60] =	vst v62;
	v63 =	vadd.s32 v2, v4;
	s9 =	sshrl.u32 s26, $0x3;
	s23 =	simm.s32 $0x400;
	s8 =	sshrl.u32 s8, $0x3  }
0x23: {  	v29 =	vor.u32 $0xD0, v16;
	v30 =	vor.u32 $0x60, v16;
	v23 =	vor.u32 $0x70, v16;
	[tilespmem:$0x1FF70] =	vst v63;
	s26 =	simm.s32 $0x10000;
	s19 =	sadd.s32 s9, s6;
	s17 =	sadd.s32 s8, s6  }
.LBB2_1:
0x24: {  	s0 =	rddreg [dreg:$0x3]  }
0x25: {  	s1 =	rddreg [dreg:$0x4]  }
0x26: {  	s8 =	rddreg [dreg:$0x5]  }
0x27: {  	s9 =	rddreg [dreg:$0x6]  }
0x28: {  	s10 =	rddreg [dreg:$0x7]  }
0x29: {  	[tilespmem:s0], [sflag:$0x1] =	stream.strided.gather [hbm4b:s1+s23], $0x2000, s24, s23, $0x38;
	[tilespmem:$0x14000] =	vst v63  }
0x2a: {  	s11 =	rddreg [dreg:$0x8]  }
0x2b: {  	[tilespmem:s8], [sflag:$0x1] =	stream.strided.gather [hbm4b:s9+s23], $0x2000, s24, s23, $0x38;
	[tilespmem:$0x14000] =	vst v63  }
0x2c: {  	s12 =	rddreg [dreg:$0x9]  }
0x2d: {  	[tilespmem:s10], [sflag:$0x1] =	stream.strided.gather [hbm4b:s11+s23], $0x2000, s24, s23, $0x38;
	[tilespmem:$0x14000] =	vst v63  }
0x2e: {  	s13 =	rddreg [dreg:$0xa]  }
0x2f: {  	[tilespmem:s12], [sflag:$0x1] =	stream.strided.gather [hbm4b:s13+s23], $0x2000, s24, s23, $0x38;
	[tilespmem:$0x14000] =	vst v63  }
0x30: {  	_ = 	snop  }
0x31: {  	[tilespmem:s14], [sflag:$0x1] =	stream.strided.gather [hbm4b:s15+s23], $0x2000, s24, s23, $0x38;
	[tilespmem:$0x14000] =	vst v63  }
0x32: {  	_ = 	snop  }
0x33: {  	[tilespmem:s16], [sflag:$0x1] =	stream.strided.gather [hbm4b:s17+s23], $0x2000, s24, s23, $0x38;
	[tilespmem:$0x14000] =	vst v63  }
0x34: {  	_ = 	snop  }
0x35: {  	[tilespmem:s18], [sflag:$0x1] =	stream.strided.gather [hbm4b:s19+s23], $0x2000, s24, s23, $0x38;
	[tilespmem:$0x14000] =	vst v63  }
0x36: {  	_ =	swait.ge [sflag:s25], $0x2000  }
0x37: {  	[sflag:s25] =	ssyncset.done $0x0  }
0x38: {  	[sflag:s25] =	ssyncadd.s32 $0xFFFFE000  }
0x39: {  	_ =	swait.ge [sflag:s25], $0x2000  }
0x3a: {  	[sflag:s25] =	ssyncset.done $0x0  }
0x3b: {  	[sflag:s25] =	ssyncadd.s32 $0xFFFFE000  }
0x3c: {  	_ =	swait.ge [sflag:s25], $0x2000  }
0x3d: {  	[sflag:s25] =	ssyncset.done $0x0  }
0x3e: {  	[sflag:s25] =	ssyncadd.s32 $0xFFFFE000  }
0x3f: {  	_ =	swait.ge [sflag:s25], $0x2000  }
0x40: {  	[sflag:s25] =	ssyncset.done $0x0  }
0x41: {  	[sflag:s25] =	ssyncadd.s32 $0xFFFFE000  }
0x42: {  	_ =	swait.ge [sflag:s25], $0x2000  }
0x43: {  	[sflag:s25] =	ssyncset.done $0x0  }
0x44: {  	[sflag:s25] =	ssyncadd.s32 $0xFFFFE000  }
0x45: {  	_ =	swait.ge [sflag:s25], $0x2000  }
0x46: {  	[sflag:s25] =	ssyncset.done $0x0  }
0x47: {  	s31 =	simm.s32 $0x0;
	[sflag:s25] =	ssyncadd.s32 $0xFFFFE000  }
.LBB2_2:
0x48: {  	s0 =	sshll.u32 s31, $0x1;
	p0 =	seq.s32 s31, $0x1F  }
0x49: {  	s1 =	sadd.s32 @!p0 s0, s20  }
0x4a: {  	s5 =	sshll.u32 @!p0 s1, $0x10  }
0x4b: {  	s5 =	sand.u32 @!p0 $0x7F0000, s5  }
0x4c: {  	s7 =	simm.s32 @!p0 $0x400;
	s8 =	simm.s32 @!p0 $0x2000;
	s5 =	sor.u32 @!p0 s4, s5  }
0x4d: {  	p1 =	seq.s32 @!p0 s31, $0x0;
	s1 =	sshll.u32 @!p0 s1, $0xD;
	s5 =	sshrl.u32 @!p0 s5, $0x3  }
0x4e: {  	p1 =	por p0, !p1;
	s1 =	sand.u32 @!p0 $0xE000, s1;
	s5 =	sadd.s32 @!p0 s5, s6  }
0x4f: {  	[tilespmem:s1], [sflag:$0x1] =	stream.strided.gather @!p0 [hbm4b:s5+s7], $0x2000, s8, s7, $0x38;
	[tilespmem:$0x14000] =	vst v63  }
0x50: {  	_ =	swait.ge @p1 [sflag:s25], $0x2000  }
0x51: {  	[sflag:s25] =	ssyncset.done @p1 $0x0  }
0x52: {  	[sflag:s25] =	ssyncadd.s32 @p1 $0xFFFFE000  }
0x53: {  	_ =	swait.ge @p1 [sflag:s29], $0x2000  }
0x54: {  	s10 =	sshll.u32 s31, $0x7;
	v0 =	vld [tilespmem:$0x1FF20]  }
0x55: {  	s1 =	sadd.s32 s3, s10  }
0x56: {  	s12 =	simm.s32 $0x6;
	v14 =	vsub.s32 s1, v5  }
0x57: {  	v5 =	vadd.s32 s12, v14  }
0x58: {  	s10 =	simm.s32 $0x2;
	v5 =	vshll.u32 v5, $0x7  }
0x59: {  	v3 =	vadd.s32 s10, v14;
	v5 =	vand.u32 $0xFF00, v5;
	v19 =	vsub.s32 s1, v0;
	v0 =	vld [tilespmem:$0x1FF30]  }
0x5a: {  	s11 =	simm.s32 $0x0;
	v18 =	vsub.s32 s1, v6;
	v3 =	vshll.u32 v3, $0x7;
	v31 =	vor.u32 v16, v5  }
0x5b: {  	s9 =	simm.s32 $0x4;
	v1 =	vadd.s32 s11, v14;
	v3 =	vand.u32 $0xFF00, v3;
	v5 =	vor.u32 v12, v5  }
0x5c: {  	v2 =	vadd.s32 s11, v18;
	v4 =	vadd.s32 s9, v14;
	v32 =	vor.u32 v16, v3  }
0x5d: {  	v35 =	vadd.s32 s10, v18;
	v4 =	vshll.u32 v4, $0x7;
	[sflag:s29] =	ssyncset.done @p1 $0x0;
	v3 =	vor.u32 v12, v3  }
0x5e: {  	v36 =	vadd.s32 s9, v18;
	v4 =	vand.u32 $0xFF00, v4;
	[sflag:s29] =	ssyncadd.s32 @p1 $0xFFFFE000;
	v20 =	vsub.s32 s1, v0;
	v0 =	vld [tilespmem:$0x1FF40]  }
0x5f: {  	v39 =	vadd.s32 s12, v18;
	v1 =	vshll.u32 v1, $0x7;
	v34 =	vor.u32 v16, v4;
	v31 =	vld.idx.msk [tilespmem:v31+s2+$0x0], $0xffff  }
0x60: {  	v35 =	vshll.u32 v35, $0x7;
	v1 =	vand.u32 $0xFF00, v1;
	v4 =	vor.u32 v12, v4;
	v5 =	vld.idx.msk [tilespmem:v5+s2+$0x0], $0xffff  }
0x61: {  	v36 =	vshll.u32 v36, $0x7;
	v2 =	vshll.u32 v2, $0x7;
	v33 =	vor.u32 v16, v1;
	v32 =	vld.idx.msk [tilespmem:v32+s2+$0x0], $0xffff  }
0x62: {  	v39 =	vshll.u32 v39, $0x7;
	v35 =	vand.u32 $0xFF00, v35;
	v1 =	vor.u32 v12, v1;
	v3 =	vld.idx.msk [tilespmem:v3+s2+$0x0], $0xffff  }
0x63: {  	v36 =	vand.u32 $0xFF00, v36;
	v2 =	vand.u32 $0xFF00, v2;
	v21 =	vsub.s32 s1, v0;
	v0 =	vld [tilespmem:$0x1FF50]  }
0x64: {  	v39 =	vand.u32 $0xFF00, v39;
	v37 =	vor.u32 v11, v35;
	v35 =	vor.u32 v13, v35;
	v34 =	vld.idx.msk [tilespmem:v34+s2+$0x0], $0xffff  }
0x65: {  	v38 =	vor.u32 v11, v36;
	v36 =	vor.u32 v13, v36;
	v44 =	vor.u32 v11, v39;
	v4 =	vld.idx.msk [tilespmem:v4+s2+$0x0], $0xffff  }
0x66: {  	v40 =	vor.u32 v11, v2;
	v2 =	vor.u32 v13, v2;
	v39 =	vor.u32 v13, v39;
	v33 =	vld.idx.msk [tilespmem:v33+s2+$0x0], $0xffff  }
0x67: {  	s5 =	simm.s32 $0x10200;
	v1 =	vld.idx.msk [tilespmem:v1+s2+$0x0], $0xffff;
	v41 =	vadd.s32 s10, v19;
	v42 =	vadd.s32 s9, v19;
	v45 =	vmin.f32 v31, v5  }
0x68: {  	v43 =	vadd.s32 s11, v19;
	v5 =	vmax.f32 v31, v5;
	v10 =	vsub.s32 s1, v0;
	v0 =	vld [tilespmem:$0x1FF60];
	[tilespmem:s5+$0x100] =	vst v45  }
0x69: {  	v60 =	vadd.s32 s12, v19;
	v41 =	vshll.u32 v41, $0x7;
	v31 =	vmin.f32 v32, v3;
	[tilespmem:s5+$0x180] =	vst v5  }
0x6a: {  	v43 =	vshll.u32 v43, $0x7;
	v42 =	vshll.u32 v42, $0x7;
	v3 =	vmax.f32 v32, v3;
	[tilespmem:s5+$0xFFFFFF00] =	vst v31;
	v58 =	vld.idx.msk [tilespmem:v44+s2+$0x0], $0xffff  }
0x6b: {  	v41 =	vand.u32 $0xFF00, v41;
	v42 =	vand.u32 $0xFF00, v42;
	[tilespmem:s5+$0xFFFFFF80] =	vst v3;
	v3 =	vmin.f32 v34, v4;
	v59 =	vld.idx.msk [tilespmem:v39+s2+$0x0], $0xffff  }
0x6c: {  	v43 =	vand.u32 $0xFF00, v43;
	v4 =	vmax.f32 v34, v4;
	v37 =	vld.idx.msk [tilespmem:v37+s2+$0x0], $0xffff;
	[tilespmem:s5+$0x0] =	vst v3;
	v3 =	vshll.u32 v60, $0x7  }
0x6d: {  	v46 =	vor.u32 v22, v41;
	v47 =	vmin.f32 v33, v1;
	v35 =	vld.idx.msk [tilespmem:v35+s2+$0x0], $0xffff;
	[tilespmem:s5+$0x80] =	vst v4;
	v3 =	vand.u32 $0xFF00, v3  }
0x6e: {  	v1 =	vmax.f32 v33, v1;
	[tilespmem:s5+$0xFFFFFE00] =	vst v47;
	v4 =	vadd.s32 s11, v20;
	v48 =	vld.idx.msk [tilespmem:v38+s2+$0x0], $0xffff;
	v49 =	vor.u32 v22, v3  }
0x6f: {  	v62 =	vor.u32 v22, v43;
	[tilespmem:s5+$0xFFFFFE80] =	vst v1;
	v1 =	vshll.u32 v4, $0x7;
	v4 =	vld.idx.msk [tilespmem:v36+s2+$0x0], $0xffff;
	v3 =	vor.u32 v7, v3  }
0x70: {  	v63 =	vor.u32 v7, v43;
	v32 =	vor.u32 v7, v41;
	v40 =	vld.idx.msk [tilespmem:v40+s2+$0x0], $0xffff;
	v51 =	vmin.f32 v58, v59  }
0x71: {  	v41 =	vor.u32 v7, v42;
	v61 =	vadd.s32 s9, v20;
	v2 =	vld.idx.msk [tilespmem:v2+s2+$0x0], $0xffff;
	v34 =	vmax.f32 v58, v59;
	[tilespmem:s5+$0x110] =	vst v51  }
0x72: {  	v55 =	vadd.s32 s12, v20;
	v31 =	vor.u32 v22, v42;
	v53 =	vmin.f32 v37, v35;
	[tilespmem:s5+$0x190] =	vst v34  }
0x73: {  	v50 =	vshll.u32 v61, $0x7;
	v5 =	vadd.s32 s10, v20;
	v35 =	vmax.f32 v37, v35;
	[tilespmem:s5+$0xFFFFFF10] =	vst v53;
	v54 =	vld.idx.msk [tilespmem:v49+s2+$0x0], $0xffff  }
0x74: {  	v56 =	vadd.s32 s10, v21;
	v5 =	vshll.u32 v5, $0x7;
	[tilespmem:s5+$0xFFFFFF90] =	vst v35;
	v57 =	vmin.f32 v48, v4;
	v3 =	vld.idx.msk [tilespmem:v3+s2+$0x0], $0xffff  }
0x75: {  	v44 =	vshll.u32 v56, $0x7;
	v34 =	vshll.u32 v55, $0x7;
	v4 =	vmax.f32 v48, v4;
	v46 =	vld.idx.msk [tilespmem:v46+s2+$0x0], $0xffff;
	[tilespmem:s5+$0x10] =	vst v57  }
0x76: {  	v5 =	vand.u32 $0xFF00, v5;
	v47 =	vmin.f32 v40, v2;
	v34 =	vand.u32 $0xFF00, v34;
	v32 =	vld.idx.msk [tilespmem:v32+s2+$0x0], $0xffff;
	[tilespmem:s5+$0x90] =	vst v4  }
0x77: {  	v36 =	vand.u32 $0xFF00, v50;
	v2 =	vmax.f32 v40, v2;
	[tilespmem:s5+$0xFFFFFE10] =	vst v47;
	v4 =	vor.u32 v24, v34;
	v31 =	vld.idx.msk [tilespmem:v31+s2+$0x0], $0xffff  }
0x78: {  	v61 =	vand.u32 $0xFF00, v44;
	v50 =	vadd.s32 s10, v10;
	[tilespmem:s5+$0xFFFFFE90] =	vst v2;
	v34 =	vor.u32 v25, v34;
	v2 =	vld.idx.msk [tilespmem:v41+s2+$0x0], $0xffff  }
0x79: {  	v52 =	vor.u32 v24, v5;
	v5 =	vor.u32 v25, v5;
	v62 =	vld.idx.msk [tilespmem:v62+s2+$0x0], $0xffff;
	v60 =	vmin.f32 v54, v3  }
0x7a: {  	v1 =	vand.u32 $0xFF00, v1;
	v43 =	vor.u32 v24, v36;
	v39 =	vld.idx.msk [tilespmem:v63+s2+$0x0], $0xffff;
	v3 =	vmax.f32 v54, v3;
	[tilespmem:s5+$0x120] =	vst v60  }
0x7b: {  	v36 =	vor.u32 v25, v36;
	v38 =	vor.u32 v24, v1;
	v63 =	vmin.f32 v46, v32;
	[tilespmem:s5+$0x1A0] =	vst v3  }
0x7c: {  	v1 =	vor.u32 v25, v1;
	v17 =	vsub.s32 s1, v0;
	v32 =	vmax.f32 v46, v32;
	[tilespmem:s5+$0xFFFFFF20] =	vst v63;
	v4 =	vld.idx.msk [tilespmem:v4+s2+$0x0], $0xffff  }
0x7d: {  	v58 =	vadd.s32 s9, v21;
	v48 =	vadd.s32 s12, v21;
	[tilespmem:s5+$0xFFFFFFA0] =	vst v32;
	v49 =	vmin.f32 v31, v2;
	v34 =	vld.idx.msk [tilespmem:v34+s2+$0x0], $0xffff  }
0x7e: {  	v37 =	vor.u32 v26, v61;
	v45 =	vshll.u32 v48, $0x7;
	v2 =	vmax.f32 v31, v2;
	v31 =	vld.idx.msk [tilespmem:v52+s2+$0x0], $0xffff;
	[tilespmem:s5+$0x20] =	vst v49  }
0x7f: {  	v40 =	vor.u32 v27, v61;
	v51 =	vand.u32 $0xFF00, v45;
	v53 =	vmin.f32 v62, v39;
	v5 =	vld.idx.msk [tilespmem:v5+s2+$0x0], $0xffff;
	[tilespmem:s5+$0xA0] =	vst v2  }
0x80: {  	v59 =	vadd.s32 s11, v21;
	v39 =	vmax.f32 v62, v39;
	[tilespmem:s5+$0xFFFFFE20] =	vst v53;
	v2 =	vor.u32 v26, v51;
	v43 =	vld.idx.msk [tilespmem:v43+s2+$0x0], $0xffff  }
0x81: {  	v61 =	vadd.s32 s12, v10;
	v35 =	vshll.u32 v59, $0x7;
	v32 =	vor.u32 v27, v51;
	[tilespmem:s5+$0xFFFFFEA0] =	vst v39;
	v36 =	vld.idx.msk [tilespmem:v36+s2+$0x0], $0xffff  }
0x82: {  	v33 =	vshll.u32 v58, $0x7;
	v55 =	vshll.u32 v50, $0x7;
	v38 =	vld.idx.msk [tilespmem:v38+s2+$0x0], $0xffff;
	v56 =	vmin.f32 v4, v34  }
0x83: {  	v33 =	vand.u32 $0xFF00, v33;
	v35 =	vand.u32 $0xFF00, v35;
	v1 =	vld.idx.msk [tilespmem:v1+s2+$0x0], $0xffff;
	v4 =	vmax.f32 v4, v34;
	[tilespmem:s5+$0x130] =	vst v56  }
0x84: {  	v41 =	vor.u32 v26, v35;
	v3 =	vor.u32 v26, v33;
	v60 =	vmin.f32 v31, v5;
	[tilespmem:s5+$0x1B0] =	vst v4  }
0x85: {  	v44 =	vand.u32 $0xFF00, v55;
	v33 =	vor.u32 v27, v33;
	v5 =	vmax.f32 v31, v5;
	[tilespmem:s5+$0xFFFFFF30] =	vst v60;
	v2 =	vld.idx.msk [tilespmem:v2+s2+$0x0], $0xffff  }
0x86: {  	v35 =	vor.u32 v27, v35;
	v54 =	vadd.s32 s11, v10;
	[tilespmem:s5+$0xFFFFFFB0] =	vst v5;
	v5 =	vmin.f32 v43, v36;
	v31 =	vld.idx.msk [tilespmem:v32+s2+$0x0], $0xffff  }
0x87: {  	v52 =	vadd.s32 s9, v10;
	v62 =	vmax.f32 v43, v36;
	v32 =	vshll.u32 v61, $0x7;
	v63 =	vld.idx.msk [tilespmem:v37+s2+$0x0], $0xffff;
	[tilespmem:s5+$0x30] =	vst v5  }
0x88: {  	v42 =	vshll.u32 v52, $0x7;
	v52 =	vmin.f32 v38, v1;
	v40 =	vld.idx.msk [tilespmem:v40+s2+$0x0], $0xffff;
	[tilespmem:s5+$0xB0] =	vst v62;
	v5 =	vand.u32 $0xFF00, v32  }
0x89: {  	v51 =	vadd.s32 s10, v17;
	v1 =	vmax.f32 v38, v1;
	[tilespmem:s5+$0xFFFFFE30] =	vst v52;
	v3 =	vld.idx.msk [tilespmem:v3+s2+$0x0], $0xffff;
	v53 =	vor.u32 v28, v5  }
0x8a: {  	v59 =	vand.u32 $0xFF00, v42;
	v42 =	vor.u32 v28, v44;
	[tilespmem:s5+$0xFFFFFEB0] =	vst v1;
	v1 =	vld.idx.msk [tilespmem:v33+s2+$0x0], $0xffff;
	v5 =	vor.u32 v29, v5  }
0x8b: {  	v39 =	vor.u32 v29, v59;
	v41 =	vld.idx.msk [tilespmem:v41+s2+$0x0], $0xffff;
	v32 =	vshll.u32 v51, $0x7;
	v56 =	vmin.f32 v2, v31  }
0x8c: {  	v4 =	vor.u32 v29, v44;
	v35 =	vld.idx.msk [tilespmem:v35+s2+$0x0], $0xffff;
	v2 =	vmax.f32 v2, v31;
	v31 =	vand.u32 $0xFF00, v32;
	[tilespmem:s5+$0x140] =	vst v56  }
0x8d: {  	[tilespmem:s5+$0x1C0] =	vst v2;
	v2 =	vor.u32 v30, v31;
	v48 =	vor.u32 v9, v31;
	v31 =	vmin.f32 v63, v40  }
0x8e: {  	v57 =	vshll.u32 v54, $0x7;
	v44 =	vor.u32 v28, v59;
	v40 =	vmax.f32 v63, v40;
	v59 =	vld.idx.msk [tilespmem:v53+s2+$0x0], $0xffff;
	[tilespmem:s5+$0xFFFFFF40] =	vst v31  }
0x8f: {  	v58 =	vand.u32 $0xFF00, v57;
	v43 =	vmin.f32 v3, v1;
	v5 =	vld.idx.msk [tilespmem:v5+s2+$0x0], $0xffff;
	[tilespmem:s5+$0xFFFFFFC0] =	vst v40  }
0x90: {  	v45 =	vor.u32 v28, v58;
	v1 =	vmax.f32 v3, v1;
	[tilespmem:s5+$0x40] =	vst v43;
	v3 =	vld.idx.msk [tilespmem:v42+s2+$0x0], $0xffff  }
0x91: {  	v47 =	vor.u32 v29, v58;
	[tilespmem:s5+$0xC0] =	vst v1;
	v4 =	vld.idx.msk [tilespmem:v4+s2+$0x0], $0xffff  }
0x92: {  	v50 =	vmin.f32 v41, v35;
	v0 =	vld [tilespmem:$0x1FF70]  }
0x93: {  	v54 =	vadd.s32 s9, v17;
	v35 =	vmax.f32 v41, v35;
	[tilespmem:s5+$0xFFFFFE40] =	vst v50;
	v36 =	vld.idx.msk [tilespmem:v44+s2+$0x0], $0xffff  }
0x94: {  	v57 =	vshll.u32 v54, $0x7;
	v31 =	vadd.s32 s12, v17;
	[tilespmem:s5+$0xFFFFFEC0] =	vst v35;
	v53 =	vld.idx.msk [tilespmem:v39+s2+$0x0], $0xffff  }
0x95: {  	v55 =	vadd.s32 s11, v17;
	v58 =	vand.u32 $0xFF00, v57;
	v31 =	vshll.u32 v31, $0x7;
	v63 =	vld.idx.msk [tilespmem:v45+s2+$0x0], $0xffff  }
0x96: {  	v46 =	vor.u32 v30, v58;
	v37 =	vshll.u32 v55, $0x7;
	v49 =	vand.u32 $0xFF00, v31;
	v57 =	vld.idx.msk [tilespmem:v47+s2+$0x0], $0xffff  }
0x97: {  	v34 =	vor.u32 v9, v58;
	v37 =	vand.u32 $0xFF00, v37;
	v1 =	vor.u32 v30, v49  }
0x98: {  	v51 =	vor.u32 v9, v49;
	v60 =	vmin.f32 v59, v5;
	v5 =	vmax.f32 v59, v5  }
0x99: {  	v31 =	vsub.s32 s1, v0;
	v49 =	vmin.f32 v3, v4;
	v3 =	vmax.f32 v3, v4  }
0x9a: {  	v50 =	vmin.f32 v36, v53;
	v52 =	vadd.s32 s10, v31;
	v61 =	vadd.s32 s11, v31  }
0x9b: {  	[tilespmem:s5+$0x150] =	vst v60;
	v62 =	vadd.s32 s9, v31;
	v60 =	vadd.s32 s12, v31;
	v47 =	vmax.f32 v63, v57  }
0x9c: {  	s13 =	simm.s32 $0x8;
	v54 =	vshll.u32 v52, $0x7;
	v55 =	vshll.u32 v61, $0x7;
	v56 =	vshll.u32 v62, $0x7  }
0x9d: {  	v4 =	vshll.u32 v60, $0x7;
	v52 =	vmin.f32 v63, v57;
	v63 =	vadd.s32 s13, v14  }
0x9e: {  	s8 =	simm.s32 $0xC;
	[tilespmem:s5+$0x1D0] =	vst v5;
	s12 =	simm.s32 $0xE;
	v5 =	vand.u32 $0xFF00, v54;
	v58 =	vand.u32 $0xFF00, v56;
	v59 =	vand.u32 $0xFF00, v55  }
0x9f: {  	v1 =	vld.idx.msk [tilespmem:v1+s2+$0x0], $0xffff;
	v4 =	vand.u32 $0xFF00, v4;
	v55 =	vadd.s32 s8, v14;
	v56 =	vadd.s32 s12, v14  }
0xa0: {  	v43 =	vor.u32 v23, v5;
	v42 =	vor.u32 v15, v5;
	v41 =	vor.u32 v23, v58;
	v5 =	vld.idx.msk [tilespmem:v51+s2+$0x0], $0xffff  }
0xa1: {  	v40 =	vor.u32 v15, v58;
	v38 =	vor.u32 v23, v59;
	v39 =	vor.u32 v15, v59  }
0xa2: {  	v51 =	vmax.f32 v36, v53;
	v61 =	vor.u32 v23, v4;
	v4 =	vor.u32 v15, v4  }
0xa3: {  	v53 =	vadd.s32 s13, v18;
	v57 =	vshll.u32 v56, $0x7;
	v58 =	vshll.u32 v63, $0x7  }
0xa4: {  	s11 =	simm.s32 $0xA;
	[tilespmem:s5+$0xFFFFFF50] =	vst v49;
	v59 =	vadd.s32 s8, v18;
	v63 =	vadd.s32 s13, v19;
	v36 =	vand.u32 $0xFF00, v57  }
0xa5: {  	[tilespmem:s5+$0xFFFFFFD0] =	vst v3;
	v62 =	vmin.f32 v1, v5;
	v1 =	vmax.f32 v1, v5;
	v5 =	vadd.s32 s11, v14  }
0xa6: {  	v35 =	vld.idx.msk [tilespmem:v2+s2+$0x0], $0xffff;
	v2 =	vshll.u32 v53, $0x7;
	v54 =	vor.u32 v16, v36;
	[tilespmem:s5+$0x1E0] =	vst v1;
	v1 =	vshll.u32 v5, $0x7  }
0xa7: {  	v60 =	vshll.u32 v59, $0x7;
	v56 =	vor.u32 v12, v36;
	v1 =	vand.u32 $0xFF00, v1  }
0xa8: {  	v59 =	vadd.s32 s12, v18;
	v36 =	vld.idx.msk [tilespmem:v48+s2+$0x0], $0xffff;
	[tilespmem:s5+$0x160] =	vst v62;
	v5 =	vshll.u32 v55, $0x7;
	v55 =	vor.u32 v16, v1  }
0xa9: {  	v63 =	vshll.u32 v63, $0x7;
	v44 =	vld.idx.msk [tilespmem:v61+s2+$0x0], $0xffff;
	v5 =	vand.u32 $0xFF00, v5;
	v1 =	vor.u32 v12, v1  }
0xaa: {  	v2 =	vand.u32 $0xFF00, v2;
	v59 =	vshll.u32 v59, $0x7;
	v45 =	vld.idx.msk [tilespmem:v4+s2+$0x0], $0xffff;
	v57 =	vor.u32 v16, v5  }
0xab: {  	v59 =	vand.u32 $0xFF00, v59;
	v4 =	vand.u32 $0xFF00, v58;
	v53 =	vld.idx.msk [tilespmem:v54+s2+$0x0], $0xffff;
	v5 =	vor.u32 v12, v5  }
0xac: {  	v6 =	vor.u32 v11, v59;
	v59 =	vor.u32 v13, v59;
	v56 =	vld.idx.msk [tilespmem:v56+s2+$0x0], $0xffff;
	v49 =	vor.u32 v16, v4  }
0xad: {  	v62 =	vadd.s32 s8, v19;
	v61 =	vand.u32 $0xFF00, v60;
	v3 =	vor.u32 v12, v4;
	v55 =	vld.idx.msk [tilespmem:v55+s2+$0x0], $0xffff  }
0xae: {  	v60 =	vor.u32 v11, v2;
	v4 =	vadd.s32 s11, v18;
	v58 =	vor.u32 v11, v61;
	v1 =	vld.idx.msk [tilespmem:v1+s2+$0x0], $0xffff  }
0xaf: {  	v48 =	vor.u32 v13, v61;
	v61 =	vadd.s32 s11, v19;
	v4 =	vshll.u32 v4, $0x7;
	v57 =	vld.idx.msk [tilespmem:v57+s2+$0x0], $0xffff  }
0xb0: {  	v62 =	vshll.u32 v62, $0x7;
	v61 =	vshll.u32 v61, $0x7;
	v4 =	vand.u32 $0xFF00, v4;
	v5 =	vld.idx.msk [tilespmem:v5+s2+$0x0], $0xffff  }
0xb1: {  	s7 =	simm.s32 $0x10600;
	v0 =	vmovc v7;
	[tilespmem:s5+$0x50] =	vst v50;
	v50 =	vand.u32 $0xFF00, v61;
	v61 =	vand.u32 $0xFF00, v62;
	v62 =	vmin.f32 v53, v56;
	v49 =	vld.idx.msk [tilespmem:v49+s2+$0x0], $0xffff  }
0xb2: {  	v63 =	vand.u32 $0xFF00, v63;
	v54 =	vor.u32 v11, v4;
	v53 =	vmax.f32 v53, v56;
	v3 =	vld.idx.msk [tilespmem:v3+s2+$0x0], $0xffff;
	[tilespmem:s7+$0x100] =	vst v62  }
0xb3: {  	v2 =	vor.u32 v13, v2;
	v4 =	vor.u32 v13, v4;
	[tilespmem:s7+$0x180] =	vst v53;
	v62 =	vmin.f32 v55, v1  }
0xb4: {  	v56 =	vor.u32 v0, v61;
	v53 =	vadd.s32 s11, v20;
	v6 =	vld.idx.msk [tilespmem:v6+s2+$0x0], $0xffff;
	v1 =	vmax.f32 v55, v1;
	[tilespmem:s7+$0xFFFFFF00] =	vst v62  }
0xb5: {  	v55 =	vor.u32 v22, v61;
	v61 =	vor.u32 v22, v63;
	[tilespmem:s7+$0xFFFFFF80] =	vst v1;
	v1 =	vmin.f32 v57, v5  }
0xb6: {  	v59 =	vld.idx.msk [tilespmem:v59+s2+$0x0], $0xffff;
	v5 =	vmax.f32 v57, v5;
	v57 =	vadd.s32 s8, v20;
	[tilespmem:s7+$0x0] =	vst v1;
	v1 =	vadd.s32 s12, v19  }
0xb7: {  	[tilespmem:s5+$0xFFFFFE50] =	vst v52;
	v62 =	vor.u32 v0, v63;
	v63 =	vmin.f32 v49, v3;
	v54 =	vld.idx.msk [tilespmem:v54+s2+$0x0], $0xffff;
	v1 =	vshll.u32 v1, $0x7  }
0xb8: {  	v3 =	vmax.f32 v49, v3;
	v49 =	vshll.u32 v53, $0x7;
	v4 =	vld.idx.msk [tilespmem:v4+s2+$0x0], $0xffff;
	[tilespmem:s7+$0x80] =	vst v5;
	v1 =	vand.u32 $0xFF00, v1  }
0xb9: {  	[tilespmem:s7+$0xFFFFFE00] =	vst v63;
	v5 =	vadd.s32 s13, v20;
	v63 =	vshll.u32 v57, $0x7;
	v53 =	vld.idx.msk [tilespmem:v58+s2+$0x0], $0xffff;
	v57 =	vor.u32 v22, v1  }
0xba: {  	v33 =	vor.u32 v30, v37;
	[tilespmem:s7+$0xFFFFFE80] =	vst v3;
	v3 =	vshll.u32 v5, $0x7;
	v5 =	vld.idx.msk [tilespmem:v48+s2+$0x0], $0xffff;
	v1 =	vor.u32 v0, v1  }
0xbb: {  	v32 =	vor.u32 v9, v37;
	[tilespmem:s5+$0xD0] =	vst v51;
	v7 =	vor.u32 v22, v50;
	v58 =	vmin.f32 v6, v59  }
0xbc: {  	v50 =	vor.u32 v0, v50;
	v49 =	vand.u32 $0xFF00, v49;
	v51 =	vld.idx.msk [tilespmem:v60+s2+$0x0], $0xffff;
	v6 =	vmax.f32 v6, v59;
	[tilespmem:s7+$0x110] =	vst v58  }
0xbd: {  	v48 =	vand.u32 $0xFF00, v63;
	v2 =	vld.idx.msk [tilespmem:v2+s2+$0x0], $0xffff;
	v52 =	vor.u32 v24, v49;
	[tilespmem:s7+$0x190] =	vst v6;
	v63 =	vmin.f32 v54, v4  }
0xbe: {  	v49 =	vor.u32 v25, v49;
	v4 =	vmax.f32 v54, v4;
	[tilespmem:s7+$0xFFFFFF10] =	vst v63;
	v57 =	vld.idx.msk [tilespmem:v57+s2+$0x0], $0xffff  }
0xbf: {  	v59 =	vadd.s32 s13, v21;
	[tilespmem:s7+$0xFFFFFF90] =	vst v4;
	v4 =	vmin.f32 v53, v5;
	v63 =	vadd.s32 s12, v20;
	v1 =	vld.idx.msk [tilespmem:v1+s2+$0x0], $0xffff  }
0xc0: {  	v3 =	vand.u32 $0xFF00, v3;
	v60 =	vor.u32 v24, v48;
	[tilespmem:s7+$0x10] =	vst v4;
	v4 =	vshll.u32 v63, $0x7  }
0xc1: {  	[tilespmem:s5+$0xFFFFFED0] =	vst v47;
	v54 =	vadd.s32 s11, v21;
	v5 =	vmax.f32 v53, v5;
	v7 =	vld.idx.msk [tilespmem:v7+s2+$0x0], $0xffff;
	v4 =	vand.u32 $0xFF00, v4  }
0xc2: {  	v53 =	vshll.u32 v54, $0x7;
	v63 =	vmin.f32 v51, v2;
	v50 =	vld.idx.msk [tilespmem:v50+s2+$0x0], $0xffff;
	[tilespmem:s7+$0x90] =	vst v5;
	v54 =	vor.u32 v24, v4  }
0xc3: {  	v58 =	vadd.s32 s8, v21;
	v2 =	vmax.f32 v51, v2;
	[tilespmem:s7+$0xFFFFFE10] =	vst v63;
	v51 =	vld.idx.msk [tilespmem:v55+s2+$0x0], $0xffff;
	v4 =	vor.u32 v25, v4  }
0xc4: {  	v5 =	vshll.u32 v59, $0x7;
	[tilespmem:s7+$0xFFFFFE90] =	vst v2;
	v2 =	vand.u32 $0xFF00, v53;
	v53 =	vld.idx.msk [tilespmem:v56+s2+$0x0], $0xffff;
	v63 =	vmin.f32 v57, v1  }
0xc5: {  	v59 =	vshll.u32 v58, $0x7;
	v5 =	vand.u32 $0xFF00, v5;
	v55 =	vld.idx.msk [tilespmem:v61+s2+$0x0], $0xffff;
	v1 =	vmax.f32 v57, v1;
	[tilespmem:s7+$0x120] =	vst v63  }
0xc6: {  	v48 =	vor.u32 v25, v48;
	v47 =	vand.u32 $0xFF00, v59;
	v59 =	vld.idx.msk [tilespmem:v62+s2+$0x0], $0xffff;
	v58 =	vor.u32 v26, v5;
	[tilespmem:s7+$0x1A0] =	vst v1  }
0xc7: {  	v1 =	vor.u32 v27, v5;
	v5 =	vmin.f32 v7, v50;
	v7 =	vmax.f32 v7, v50;
	v50 =	vld.idx.msk [tilespmem:v54+s2+$0x0], $0xffff  }
0xc8: {  	v6 =	vor.u32 v24, v3;
	v3 =	vor.u32 v25, v3;
	v61 =	vadd.s32 s12, v21;
	[tilespmem:s7+$0xFFFFFF20] =	vst v5;
	v4 =	vld.idx.msk [tilespmem:v4+s2+$0x0], $0xffff  }
0xc9: {  	v56 =	vor.u32 v26, v2;
	v61 =	vshll.u32 v61, $0x7;
	[tilespmem:s7+$0xFFFFFFA0] =	vst v7;
	v7 =	vmin.f32 v51, v53  }
0xca: {  	v2 =	vor.u32 v27, v2;
	v51 =	vmax.f32 v51, v53;
	v52 =	vld.idx.msk [tilespmem:v52+s2+$0x0], $0xffff;
	[tilespmem:s7+$0x20] =	vst v7;
	v7 =	vand.u32 $0xFF00, v61  }
0xcb: {  	v53 =	vmin.f32 v55, v59;
	v49 =	vld.idx.msk [tilespmem:v49+s2+$0x0], $0xffff;
	[tilespmem:s7+$0xA0] =	vst v51;
	v51 =	vor.u32 v26, v7  }
0xcc: {  	v55 =	vmax.f32 v55, v59;
	[tilespmem:s7+$0xFFFFFE20] =	vst v53;
	v53 =	vld.idx.msk [tilespmem:v60+s2+$0x0], $0xffff;
	v7 =	vor.u32 v27, v7  }
0xcd: {  	v62 =	vadd.s32 s8, v10;
	v63 =	vadd.s32 s13, v10;
	[tilespmem:s7+$0xFFFFFEA0] =	vst v55;
	v48 =	vld.idx.msk [tilespmem:v48+s2+$0x0], $0xffff;
	v55 =	vmin.f32 v50, v4  }
0xce: {  	v59 =	vshll.u32 v63, $0x7;
	v61 =	vshll.u32 v62, $0x7;
	v6 =	vld.idx.msk [tilespmem:v6+s2+$0x0], $0xffff;
	v4 =	vmax.f32 v50, v4;
	[tilespmem:s7+$0x130] =	vst v55  }
0xcf: {  	v57 =	vor.u32 v26, v47;
	v60 =	vand.u32 $0xFF00, v61;
	v3 =	vld.idx.msk [tilespmem:v3+s2+$0x0], $0xffff;
	v50 =	vand.u32 $0xFF00, v59;
	[tilespmem:s7+$0x1B0] =	vst v4  }
0xd0: {  	v55 =	vor.u32 v28, v60;
	v4 =	vor.u32 v29, v60;
	v60 =	vmin.f32 v52, v49;
	v51 =	vld.idx.msk [tilespmem:v51+s2+$0x0], $0xffff  }
0xd1: {  	v59 =	vor.u32 v28, v50;
	v49 =	vmax.f32 v52, v49;
	[tilespmem:s7+$0xFFFFFF30] =	vst v60;
	v7 =	vld.idx.msk [tilespmem:v7+s2+$0x0], $0xffff;
	v60 =	vadd.s32 s12, v10  }
0xd2: {  	v62 =	vor.u32 v29, v50;
	[tilespmem:s7+$0xFFFFFFB0] =	vst v49;
	v49 =	vmin.f32 v53, v48;
	v50 =	vshll.u32 v60, $0x7  }
0xd3: {  	v47 =	vor.u32 v27, v47;
	v48 =	vmax.f32 v53, v48;
	[tilespmem:s7+$0x30] =	vst v49;
	v49 =	vand.u32 $0xFF00, v50  }
0xd4: {  	v46 =	vld.idx.msk [tilespmem:v46+s2+$0x0], $0xffff;
	v63 =	vmin.f32 v6, v3;
	[tilespmem:s7+$0xB0] =	vst v48;
	v48 =	vor.u32 v28, v49  }
0xd5: {  	v5 =	vadd.s32 s11, v10;
	v3 =	vmax.f32 v6, v3;
	v53 =	vld.idx.msk [tilespmem:v56+s2+$0x0], $0xffff;
	[tilespmem:s7+$0xFFFFFE30] =	vst v63;
	v6 =	vor.u32 v29, v49  }
0xd6: {  	v37 =	vmax.f32 v44, v45;
	v5 =	vshll.u32 v5, $0x7;
	v2 =	vld.idx.msk [tilespmem:v2+s2+$0x0], $0xffff;
	[tilespmem:s7+$0xFFFFFEB0] =	vst v3;
	v3 =	vmin.f32 v51, v7  }
0xd7: {  	v52 =	vadd.s32 s8, v17;
	v60 =	vadd.s32 s13, v17;
	v56 =	vld.idx.msk [tilespmem:v57+s2+$0x0], $0xffff;
	[tilespmem:s7+$0x140] =	vst v3;
	v3 =	vmax.f32 v51, v7  }
0xd8: {  	v5 =	vand.u32 $0xFF00, v5;
	v52 =	vshll.u32 v52, $0x7;
	v63 =	vshll.u32 v60, $0x7;
	v47 =	vld.idx.msk [tilespmem:v47+s2+$0x0], $0xffff;
	[tilespmem:s7+$0x1C0] =	vst v3  }
0xd9: {  	v61 =	vor.u32 v28, v5;
	v57 =	vand.u32 $0xFF00, v52;
	v49 =	vand.u32 $0xFF00, v63;
	v3 =	vld.idx.msk [tilespmem:v48+s2+$0x0], $0xffff  }
0xda: {  	v52 =	vor.u32 v30, v57;
	v51 =	vor.u32 v9, v57;
	v57 =	vadd.s32 s12, v17;
	v6 =	vld.idx.msk [tilespmem:v6+s2+$0x0], $0xffff  }
0xdb: {  	v34 =	vld.idx.msk [tilespmem:v34+s2+$0x0], $0xffff;
	v63 =	vmin.f32 v53, v2;
	v2 =	vmax.f32 v53, v2;
	v53 =	vshll.u32 v57, $0x7  }
0xdc: {  	[tilespmem:s5+$0x1F0] =	vst v37;
	v54 =	vadd.s32 s11, v17;
	v5 =	vor.u32 v29, v5;
	v58 =	vld.idx.msk [tilespmem:v58+s2+$0x0], $0xffff;
	v53 =	vand.u32 $0xFF00, v53  }
0xdd: {  	v8 =	vmax.f32 v35, v36;
	v50 =	vshll.u32 v54, $0x7;
	v1 =	vld.idx.msk [tilespmem:v1+s2+$0x0], $0xffff;
	[tilespmem:s7+$0xFFFFFF40] =	vst v63;
	v63 =	vor.u32 v30, v53  }
0xde: {  	v60 =	vadd.s32 s11, v31;
	[tilespmem:s7+$0xFFFFFFC0] =	vst v2;
	v2 =	vmin.f32 v56, v47;
	v53 =	vor.u32 v9, v53  }
0xdf: {  	v47 =	vmax.f32 v56, v47;
	v56 =	vmin.f32 v35, v36;
	[tilespmem:s7+$0x40] =	vst v2;
	v36 =	vmin.f32 v3, v6  }
0xe0: {  	v60 =	vshll.u32 v60, $0x7;
	v48 =	vadd.s32 s13, v31;
	v61 =	vld.idx.msk [tilespmem:v61+s2+$0x0], $0xffff;
	v3 =	vmax.f32 v3, v6;
	[tilespmem:s7+$0x150] =	vst v36  }
0xe1: {  	v35 =	vand.u32 $0xFF00, v60;
	v60 =	vmax.f32 v46, v34;
	v5 =	vld.idx.msk [tilespmem:v5+s2+$0x0], $0xffff;
	v48 =	vshll.u32 v48, $0x7;
	[tilespmem:s7+$0x1D0] =	vst v3  }
0xe2: {  	v6 =	vmin.f32 v58, v1;
	v1 =	vmax.f32 v58, v1;
	v58 =	vmin.f32 v46, v34;
	v46 =	vld.idx.msk [tilespmem:v63+s2+$0x0], $0xffff  }
0xe3: {  	v50 =	vand.u32 $0xFF00, v50;
	[tilespmem:s7+$0xC0] =	vst v47;
	v2 =	vand.u32 $0xFF00, v48;
	v48 =	vld.idx.msk [tilespmem:v53+s2+$0x0], $0xffff  }
0xe4: {  	v54 =	vor.u32 v9, v50;
	v7 =	vor.u32 v30, v50;
	v57 =	vadd.s32 s8, v31;
	[tilespmem:s5+$0xFFFFFF60] =	vst v56  }
0xe5: {  	v57 =	vshll.u32 v57, $0x7;
	v37 =	vld.idx.msk [tilespmem:v55+s2+$0x0], $0xffff;
	v34 =	vor.u32 v23, v2;
	[tilespmem:s7+$0xFFFFFE40] =	vst v6;
	v63 =	vadd.s32 s12, v31  }
0xe6: {  	s9 =	simm.s32 $0x16;
	v4 =	vld.idx.msk [tilespmem:v4+s2+$0x0], $0xffff;
	[tilespmem:s7+$0xFFFFFEC0] =	vst v1;
	v53 =	vmin.f32 v61, v5;
	v5 =	vmax.f32 v61, v5;
	s12 =	simm.s32 $0x12;
	v47 =	vshll.u32 v63, $0x7  }
0xe7: {  	v55 =	vld.idx.msk [tilespmem:v59+s2+$0x0], $0xffff;
	v63 =	vadd.s32 s9, v14;
	[tilespmem:s7+$0xFFFFFF50] =	vst v53;
	v59 =	vadd.s32 s12, v14;
	v6 =	vand.u32 $0xFF00, v47  }
0xe8: {  	v33 =	vld.idx.msk [tilespmem:v33+s2+$0x0], $0xffff;
	[tilespmem:s7+$0xFFFFFFD0] =	vst v5;
	v47 =	vshll.u32 v63, $0x7;
	v1 =	vor.u32 v23, v6;
	v53 =	vmin.f32 v46, v48  }
0xe9: {  	v61 =	vld.idx.msk [tilespmem:v62+s2+$0x0], $0xffff;
	v6 =	vor.u32 v15, v6;
	v47 =	vand.u32 $0xFF00, v47;
	v5 =	vmax.f32 v46, v48;
	[tilespmem:s7+$0x160] =	vst v53  }
0xea: {  	s10 =	simm.s32 $0x14;
	v32 =	vld.idx.msk [tilespmem:v32+s2+$0x0], $0xffff;
	v63 =	vor.u32 v12, v47;
	v48 =	vshll.u32 v59, $0x7;
	v59 =	vor.u32 v16, v47;
	[tilespmem:s7+$0x1E0] =	vst v5  }
0xeb: {  	v46 =	vmin.f32 v37, v4;
	v53 =	vadd.s32 s10, v14;
	v62 =	vand.u32 $0xFF00, v48;
	v48 =	vld.idx.msk [tilespmem:v7+s2+$0x0], $0xffff;
	[tilespmem:$0x1FEC0] =	vst v14  }
0xec: {  	s13 =	simm.s32 $0x10;
	v4 =	vmax.f32 v37, v4;
	v5 =	vshll.u32 v53, $0x7;
	v7 =	vor.u32 v16, v62;
	[tilespmem:s5+$0xFFFFFFE0] =	vst v8  }
0xed: {  	v53 =	vadd.s32 s13, v14;
	v56 =	vor.u32 v12, v62;
	v1 =	vld.idx.msk [tilespmem:v1+s2+$0x0], $0xffff;
	v5 =	vand.u32 $0xFF00, v5;
	[tilespmem:s7+$0x50] =	vst v46  }
0xee: {  	v8 =	vshll.u32 v53, $0x7;
	v47 =	vld.idx.msk [tilespmem:v6+s2+$0x0], $0xffff;
	v46 =	vmin.f32 v55, v61;
	[tilespmem:s7+$0xD0] =	vst v4;
	v6 =	vor.u32 v16, v5  }
0xef: {  	v55 =	vmax.f32 v55, v61;
	[tilespmem:s5+$0x60] =	vst v58;
	v8 =	vand.u32 $0xFF00, v8;
	v5 =	vor.u32 v12, v5;
	v61 =	vld.idx.msk [tilespmem:v63+s2+$0x0], $0xffff  }
0xf0: {  	v3 =	vmin.f32 v33, v32;
	[tilespmem:s5+$0xE0] =	vst v60;
	v63 =	vadd.s32 s9, v18;
	v59 =	vld.idx.msk [tilespmem:v59+s2+$0x0], $0xffff;
	v4 =	vor.u32 v16, v8  }
0xf1: {  	v37 =	vor.u32 v15, v2;
	[tilespmem:s7+$0xFFFFFE50] =	vst v46;
	v2 =	vor.u32 v12, v8;
	v8 =	vshll.u32 v63, $0x7;
	v7 =	vld.idx.msk [tilespmem:v7+s2+$0x0], $0xffff  }
0xf2: {  	v62 =	vadd.s32 s12, v18;
	v53 =	vmin.f32 v44, v45;
	[tilespmem:s7+$0xFFFFFED0] =	vst v55;
	v8 =	vand.u32 $0xFF00, v8;
	v45 =	vld.idx.msk [tilespmem:v56+s2+$0x0], $0xffff  }
0xf3: {  	v36 =	vand.u32 $0xFF00, v57;
	v44 =	vshll.u32 v62, $0x7;
	v55 =	vor.u32 v11, v8;
	v6 =	vld.idx.msk [tilespmem:v6+s2+$0x0], $0xffff;
	[tilespmem:$0x1FED0] =	vst v18  }
0xf4: {  	v57 =	vmax.f32 v33, v32;
	v60 =	vadd.s32 s10, v18;
	v44 =	vand.u32 $0xFF00, v44;
	v5 =	vld.idx.msk [tilespmem:v5+s2+$0x0], $0xffff;
	[tilespmem:s5+$0xFFFFFE60] =	vst v3  }
0xf5: {  	s8 =	simm.s32 $0x10A00;
	v63 =	vadd.s32 s13, v18;
	v8 =	vor.u32 v13, v8;
	v4 =	vld.idx.msk [tilespmem:v4+s2+$0x0], $0xffff;
	v62 =	vmin.f32 v59, v61;
	[tilespmem:s5+$0xFFFFFEE0] =	vst v57  }
0xf6: {  	v46 =	vor.u32 v11, v44;
	v56 =	vshll.u32 v60, $0x7;
	v2 =	vld.idx.msk [tilespmem:v2+s2+$0x0], $0xffff;
	v59 =	vmax.f32 v59, v61;
	[tilespmem:s8+$0x100] =	vst v62  }
0xf7: {  	v58 =	vor.u32 v13, v44;
	v44 =	vld.idx.msk [tilespmem:v54+s2+$0x0], $0xffff;
	v54 =	vand.u32 $0xFF00, v56;
	[tilespmem:s8+$0x180] =	vst v59;
	v59 =	vmin.f32 v7, v45  }
0xf8: {  	v3 =	vshll.u32 v63, $0x7;
	v60 =	vor.u32 v11, v54;
	v7 =	vmax.f32 v7, v45;
	v55 =	vld.idx.msk [tilespmem:v55+s2+$0x0], $0xffff;
	[tilespmem:s8+$0xFFFFFF00] =	vst v59  }
0xf9: {  	v3 =	vand.u32 $0xFF00, v3;
	v54 =	vor.u32 v13, v54;
	v45 =	vld.idx.msk [tilespmem:v52+s2+$0x0], $0xffff;
	[tilespmem:s8+$0xFFFFFF80] =	vst v7;
	v57 =	vmin.f32 v6, v5  }
0xfa: {  	v63 =	vor.u32 v11, v3;
	v7 =	vld.idx.msk [tilespmem:v8+s2+$0x0], $0xffff;
	v5 =	vmax.f32 v6, v5;
	[tilespmem:s8+$0x0] =	vst v57  }
0xfb: {  	v50 =	vor.u32 v30, v49;
	v3 =	vor.u32 v13, v3;
	v46 =	vld.idx.msk [tilespmem:v46+s2+$0x0], $0xffff;
	v6 =	vadd.s32 s9, v19;
	[tilespmem:s8+$0x80] =	vst v5  }
0xfc: {  	v49 =	vor.u32 v9, v49;
	v58 =	vld.idx.msk [tilespmem:v58+s2+$0x0], $0xffff;
	v61 =	vmin.f32 v4, v2;
	v5 =	vshll.u32 v6, $0x7;
	[tilespmem:$0x1FEE0] =	vst v19  }
0xfd: {  	v33 =	vor.u32 v23, v35;
	v2 =	vmax.f32 v4, v2;
	v5 =	vand.u32 $0xFF00, v5;
	[tilespmem:s8+$0xFFFFFE00] =	vst v61;
	v52 =	vld.idx.msk [tilespmem:v60+s2+$0x0], $0xffff  }
0xfe: {  	v32 =	vor.u32 v15, v35;
	v8 =	vadd.s32 s12, v19;
	[tilespmem:s8+$0xFFFFFE80] =	vst v2;
	v2 =	vld.idx.msk [tilespmem:v54+s2+$0x0], $0xffff;
	v62 =	vor.u32 v22, v5  }
0xff: {  	v8 =	vshll.u32 v8, $0x7;
	v4 =	vadd.s32 s10, v19;
	v57 =	vld.idx.msk [tilespmem:v63+s2+$0x0], $0xffff;
	v63 =	vmin.f32 v55, v7  }
0x100: {  	v8 =	vand.u32 $0xFF00, v8;
	v5 =	vor.u32 v0, v5;
	v7 =	vmax.f32 v55, v7;
	v3 =	vld.idx.msk [tilespmem:v3+s2+$0x0], $0xffff;
	[tilespmem:s8+$0x110] =	vst v63  }
0x101: {  	v4 =	vshll.u32 v4, $0x7;
	v61 =	vor.u32 v22, v8;
	v60 =	vmin.f32 v46, v58;
	[tilespmem:s8+$0x190] =	vst v7  }
0x102: {  	v4 =	vand.u32 $0xFF00, v4;
	v51 =	vld.idx.msk [tilespmem:v51+s2+$0x0], $0xffff;
	v8 =	vor.u32 v0, v8;
	v46 =	vmax.f32 v46, v58;
	[tilespmem:s8+$0xFFFFFF10] =	vst v60  }
0x103: {  	v6 =	vadd.s32 s13, v19;
	v7 =	vor.u32 v22, v4;
	[tilespmem:s8+$0xFFFFFF90] =	vst v46;
	v54 =	vld.idx.msk [tilespmem:v62+s2+$0x0], $0xffff;
	v62 =	vmin.f32 v52, v2  }
0x104: {  	v6 =	vshll.u32 v6, $0x7;
	v50 =	vld.idx.msk [tilespmem:v50+s2+$0x0], $0xffff;
	v4 =	vor.u32 v0, v4;
	v2 =	vmax.f32 v52, v2;
	[tilespmem:s8+$0x10] =	vst v62  }
0x105: {  	v6 =	vand.u32 $0xFF00, v6;
	v63 =	vadd.s32 s9, v20;
	v5 =	vld.idx.msk [tilespmem:v5+s2+$0x0], $0xffff;
	v60 =	vmin.f32 v57, v3;
	[tilespmem:s8+$0x90] =	vst v2  }
0x106: {  	v56 =	vmax.f32 v1, v47;
	v55 =	vor.u32 v22, v6;
	v46 =	vshll.u32 v63, $0x7;
	v52 =	vld.idx.msk [tilespmem:v61+s2+$0x0], $0xffff;
	[tilespmem:s8+$0xFFFFFE10] =	vst v60  }
0x107: {  	v6 =	vor.u32 v0, v6;
	v46 =	vand.u32 $0xFF00, v46;
	v61 =	vadd.s32 s12, v20;
	v8 =	vld.idx.msk [tilespmem:v8+s2+$0x0], $0xffff;
	[tilespmem:$0x1FEF0] =	vst v20  }
0x108: {  	v3 =	vmax.f32 v57, v3;
	v2 =	vadd.s32 s10, v20;
	v62 =	vadd.s32 s13, v20;
	v7 =	vld.idx.msk [tilespmem:v7+s2+$0x0], $0xffff  }
0x109: {  	v57 =	vshll.u32 v61, $0x7;
	v58 =	vshll.u32 v62, $0x7;
	[tilespmem:s8+$0xFFFFFE90] =	vst v3;
	v3 =	vld.idx.msk [tilespmem:v4+s2+$0x0], $0xffff;
	v4 =	vor.u32 v24, v46  }
0x10a: {  	v63 =	vand.u32 $0xFF00, v57;
	[tilespmem:s7+$0x1F0] =	vst v56;
	v46 =	vor.u32 v25, v46;
	v60 =	vmin.f32 v54, v5  }
0x10b: {  	v2 =	vshll.u32 v2, $0x7;
	v61 =	vor.u32 v24, v63;
	v55 =	vld.idx.msk [tilespmem:v55+s2+$0x0], $0xffff;
	v5 =	vmax.f32 v54, v5;
	[tilespmem:s8+$0x120] =	vst v60  }
0x10c: {  	v2 =	vand.u32 $0xFF00, v2;
	v56 =	vor.u32 v25, v63;
	v6 =	vld.idx.msk [tilespmem:v6+s2+$0x0], $0xffff;
	v62 =	vmin.f32 v52, v8;
	[tilespmem:s8+$0x1A0] =	vst v5  }
0x10d: {  	v49 =	vld.idx.msk [tilespmem:v49+s2+$0x0], $0xffff;
	v8 =	vmax.f32 v52, v8;
	v52 =	vor.u32 v24, v2;
	[tilespmem:s8+$0xFFFFFF20] =	vst v62  }
0x10e: {  	v2 =	vor.u32 v25, v2;
	[tilespmem:s8+$0xFFFFFFA0] =	vst v8;
	v4 =	vld.idx.msk [tilespmem:v4+s2+$0x0], $0xffff;
	v8 =	vmin.f32 v7, v3  }
0x10f: {  	v35 =	vor.u32 v23, v36;
	v58 =	vand.u32 $0xFF00, v58;
	v3 =	vmax.f32 v7, v3;
	v7 =	vld.idx.msk [tilespmem:v46+s2+$0x0], $0xffff;
	[tilespmem:s8+$0x20] =	vst v8  }
0x110: {  	v36 =	vor.u32 v15, v36;
	v63 =	vadd.s32 s9, v21;
	v5 =	vor.u32 v24, v58;
	v57 =	vld.idx.msk [tilespmem:v61+s2+$0x0], $0xffff;
	[tilespmem:s8+$0xA0] =	vst v3  }
0x111: {  	v58 =	vor.u32 v25, v58;
	v60 =	vadd.s32 s12, v21;
	v56 =	vld.idx.msk [tilespmem:v56+s2+$0x0], $0xffff;
	v8 =	vmin.f32 v55, v6;
	[tilespmem:$0x1FF00] =	vst v21  }
0x112: {  	v62 =	vadd.s32 s13, v21;
	v46 =	vshll.u32 v63, $0x7;
	v6 =	vmax.f32 v55, v6;
	[tilespmem:s8+$0xFFFFFE20] =	vst v8;
	v8 =	vld.idx.msk [tilespmem:v52+s2+$0x0], $0xffff  }
0x113: {  	v54 =	vshll.u32 v60, $0x7;
	v61 =	vadd.s32 s10, v21;
	v3 =	vand.u32 $0xFF00, v46;
	[tilespmem:s8+$0xFFFFFEA0] =	vst v6;
	v2 =	vld.idx.msk [tilespmem:v2+s2+$0x0], $0xffff  }
0x114: {  	v46 =	vshll.u32 v62, $0x7;
	v52 =	vor.u32 v26, v3;
	[tilespmem:s5+$0x170] =	vst v53;
	v60 =	vmin.f32 v4, v7  }
0x115: {  	v3 =	vor.u32 v27, v3;
	v6 =	vand.u32 $0xFF00, v54;
	v4 =	vmax.f32 v4, v7;
	[tilespmem:s8+$0x130] =	vst v60  }
0x116: {  	v55 =	vshll.u32 v61, $0x7;
	v5 =	vld.idx.msk [tilespmem:v5+s2+$0x0], $0xffff;
	v61 =	vor.u32 v26, v6;
	v62 =	vmin.f32 v57, v56;
	[tilespmem:s8+$0x1B0] =	vst v4  }
0x117: {  	v63 =	vand.u32 $0xFF00, v55;
	v58 =	vld.idx.msk [tilespmem:v58+s2+$0x0], $0xffff;
	v6 =	vor.u32 v27, v6;
	v56 =	vmax.f32 v57, v56;
	[tilespmem:s8+$0xFFFFFF30] =	vst v62  }
0x118: {  	v46 =	vand.u32 $0xFF00, v46;
	v59 =	vld.idx.msk [tilespmem:v43+s2+$0x0], $0xffff;
	v7 =	vor.u32 v26, v63;
	[tilespmem:s8+$0xFFFFFFB0] =	vst v56;
	v43 =	vmin.f32 v8, v2  }
0x119: {  	v4 =	vor.u32 v27, v63;
	v63 =	vadd.s32 s12, v10;
	v52 =	vld.idx.msk [tilespmem:v52+s2+$0x0], $0xffff;
	v2 =	vmax.f32 v8, v2;
	[tilespmem:s8+$0x30] =	vst v43  }
0x11a: {  	v54 =	vor.u32 v26, v46;
	v46 =	vor.u32 v27, v46;
	v57 =	vshll.u32 v63, $0x7;
	v3 =	vld.idx.msk [tilespmem:v3+s2+$0x0], $0xffff;
	[tilespmem:s8+$0xB0] =	vst v2  }
0x11b: {  	v53 =	vadd.s32 s12, v17;
	v8 =	vadd.s32 s10, v10;
	v57 =	vand.u32 $0xFF00, v57;
	v55 =	vld.idx.msk [tilespmem:v61+s2+$0x0], $0xffff;
	[tilespmem:$0x1FF10] =	vst v10  }
0x11c: {  	v60 =	vmin.f32 v5, v58;
	v5 =	vmax.f32 v5, v58;
	v61 =	vadd.s32 s9, v10;
	v6 =	vld.idx.msk [tilespmem:v6+s2+$0x0], $0xffff  }
0x11d: {  	v2 =	vadd.s32 s13, v10;
	v8 =	vshll.u32 v8, $0x7;
	v58 =	vshll.u32 v61, $0x7;
	[tilespmem:s8+$0xFFFFFE30] =	vst v60;
	v7 =	vld.idx.msk [tilespmem:v7+s2+$0x0], $0xffff  }
0x11e: {  	v43 =	vshll.u32 v53, $0x7;
	v2 =	vshll.u32 v2, $0x7;
	v62 =	vand.u32 $0xFF00, v58;
	[tilespmem:s8+$0xFFFFFEB0] =	vst v5;
	v4 =	vld.idx.msk [tilespmem:v4+s2+$0x0], $0xffff  }
0x11f: {  	v8 =	vand.u32 $0xFF00, v8;
	v2 =	vand.u32 $0xFF00, v2;
	v5 =	vor.u32 v28, v62;
	v54 =	vld.idx.msk [tilespmem:v54+s2+$0x0], $0xffff  }
0x120: {  	v60 =	vor.u32 v28, v57;
	v56 =	vor.u32 v29, v62;
	v46 =	vld.idx.msk [tilespmem:v46+s2+$0x0], $0xffff;
	v63 =	vmin.f32 v52, v3  }
0x121: {  	v42 =	vld.idx.msk [tilespmem:v42+s2+$0x0], $0xffff;
	v57 =	vor.u32 v29, v57;
	v3 =	vmax.f32 v52, v3;
	v52 =	vand.u32 $0xFF00, v43;
	[tilespmem:s8+$0x140] =	vst v63  }
0x122: {  	[tilespmem:s8+$0x1C0] =	vst v3;
	v3 =	vor.u32 v28, v2;
	v2 =	vor.u32 v29, v2;
	v61 =	vmin.f32 v55, v6  }
0x123: {  	v6 =	vmax.f32 v55, v6;
	v55 =	vor.u32 v28, v8;
	v8 =	vor.u32 v29, v8;
	[tilespmem:s8+$0xFFFFFF40] =	vst v61  }
0x124: {  	v63 =	vadd.s32 s13, v17;
	v62 =	vmin.f32 v7, v4;
	v4 =	vmax.f32 v7, v4;
	v5 =	vld.idx.msk [tilespmem:v5+s2+$0x0], $0xffff;
	[tilespmem:s8+$0xFFFFFFC0] =	vst v6  }
0x125: {  	v7 =	vadd.s32 s10, v17;
	v6 =	vmin.f32 v48, v44;
	v56 =	vld.idx.msk [tilespmem:v56+s2+$0x0], $0xffff;
	[tilespmem:s8+$0xC0] =	vst v4;
	v4 =	vmin.f32 v54, v46  }
0x126: {  	v44 =	vmax.f32 v48, v44;
	v7 =	vshll.u32 v7, $0x7;
	v46 =	vmax.f32 v54, v46;
	v53 =	vld.idx.msk [tilespmem:v60+s2+$0x0], $0xffff;
	[tilespmem:s8+$0xFFFFFE40] =	vst v4  }
0x127: {  	v48 =	vshll.u32 v63, $0x7;
	v61 =	vor.u32 v30, v52;
	v52 =	vor.u32 v9, v52;
	v57 =	vld.idx.msk [tilespmem:v57+s2+$0x0], $0xffff;
	[tilespmem:s8+$0xFFFFFEC0] =	vst v46  }
0x128: {  	[tilespmem:s8+$0x40] =	vst v62;
	v63 =	vmin.f32 v45, v51;
	v45 =	vmax.f32 v45, v51;
	v51 =	vadd.s32 s9, v17;
	v3 =	vld.idx.msk [tilespmem:v3+s2+$0x0], $0xffff  }
0x129: {  	v54 =	vmin.f32 v50, v49;
	v62 =	vmin.f32 v59, v42;
	v7 =	vand.u32 $0xFF00, v7;
	[tilespmem:s7+$0xFFFFFF60] =	vst v6;
	v2 =	vld.idx.msk [tilespmem:v2+s2+$0x0], $0xffff  }
0x12a: {  	v48 =	vand.u32 $0xFF00, v48;
	v46 =	vadd.s32 s12, v31;
	[tilespmem:s7+$0xFFFFFFE0] =	vst v44;
	v60 =	vmax.f32 v59, v42;
	v4 =	vld.idx.msk [tilespmem:v8+s2+$0x0], $0xffff  }
0x12b: {  	[tilespmem:s7+$0x60] =	vst v63;
	v43 =	vor.u32 v30, v48;
	v48 =	vor.u32 v9, v48;
	v8 =	vld.idx.msk [tilespmem:v41+s2+$0x0], $0xffff;
	v41 =	vshll.u32 v51, $0x7  }
0x12c: {  	[tilespmem:s7+$0xE0] =	vst v45;
	v58 =	vld.idx.msk [tilespmem:v55+s2+$0x0], $0xffff;
	v55 =	vmax.f32 v50, v49;
	v6 =	vmin.f32 v5, v56;
	v41 =	vand.u32 $0xFF00, v41  }
0x12d: {  	[tilespmem:s8+$0x150] =	vst v6;
	v6 =	vmin.f32 v53, v57;
	v49 =	vmax.f32 v53, v57;
	v57 =	vor.u32 v30, v41  }
0x12e: {  	v51 =	vld.idx.msk [tilespmem:v40+s2+$0x0], $0xffff;
	v5 =	vmax.f32 v5, v56;
	v56 =	vor.u32 v30, v7;
	v41 =	vor.u32 v9, v41  }
0x12f: {  	v50 =	vadd.s32 s9, v31;
	v7 =	vor.u32 v9, v7;
	[tilespmem:s8+$0xFFFFFF50] =	vst v6;
	v6 =	vld.idx.msk [tilespmem:v39+s2+$0x0], $0xffff;
	v39 =	vmin.f32 v3, v2  }
0x130: {  	v44 =	vld.idx.msk [tilespmem:v38+s2+$0x0], $0xffff;
	[tilespmem:s8+$0xFFFFFFD0] =	vst v49;
	v42 =	vmax.f32 v3, v2;
	v2 =	vadd.s32 s10, v31;
	v3 =	vshll.u32 v46, $0x7  }
0x131: {  	[tilespmem:s8+$0x1D0] =	vst v5;
	v38 =	vld.idx.msk [tilespmem:v61+s2+$0x0], $0xffff;
	v5 =	vmin.f32 v58, v4;
	v58 =	vmax.f32 v58, v4;
	v4 =	vadd.s32 s13, v31  }
0x132: {  	v2 =	vshll.u32 v2, $0x7;
	v3 =	vand.u32 $0xFF00, v3;
	[tilespmem:s8+$0x50] =	vst v5;
	v5 =	vshll.u32 v4, $0x7;
	v4 =	vld.idx.msk [tilespmem:v57+s2+$0x0], $0xffff  }
0x133: {  	[tilespmem:s8+$0xFFFFFE50] =	vst v39;
	v61 =	vmin.f32 v1, v47;
	v1 =	vshll.u32 v50, $0x7;
	v49 =	vand.u32 $0xFF00, v5;
	v5 =	vld.idx.msk [tilespmem:v41+s2+$0x0], $0xffff  }
0x134: {  	v40 =	vld.idx.msk [tilespmem:v52+s2+$0x0], $0xffff;
	v53 =	vand.u32 $0xFF00, v2;
	v59 =	vor.u32 v23, v3;
	v2 =	vmin.f32 v8, v51;
	[tilespmem:s8+$0xD0] =	vst v58  }
0x135: {  	[tilespmem:s8+$0xFFFFFED0] =	vst v42;
	v58 =	vor.u32 v15, v3;
	v3 =	vmax.f32 v8, v51;
	v8 =	vand.u32 $0xFF00, v1;
	v39 =	vld.idx.msk [tilespmem:v56+s2+$0x0], $0xffff  }
0x136: {  	v52 =	vor.u32 v15, v53;
	v57 =	vor.u32 v23, v53;
	v42 =	vld.idx.msk [tilespmem:v7+s2+$0x0], $0xffff;
	v46 =	vor.u32 v15, v8  }
0x137: {  	v41 =	vld.idx.msk [tilespmem:v43+s2+$0x0], $0xffff;
	v56 =	vor.u32 v23, v49;
	v53 =	vor.u32 v15, v49;
	v1 =	vmin.f32 v44, v6  }
0x138: {  	s9 =	simm.s32 $0x8;
	s10 =	simm.s32 $0x18;
	v43 =	vld.idx.msk [tilespmem:v48+s2+$0x0], $0xffff;
	v63 =	vmax.f32 v44, v6;
	v44 =	vor.u32 v23, v8;
	v45 =	vmin.f32 v4, v5  }
.LBB2_3:
0x139: {  	v0 =	vld [tilespmem:$0x1FEC0];
	_ =	sdelay $0x2  }
0x13a: {  	v9 =	vld [tilespmem:$0x1FED0]  }
0x13b: {  	s13 =	sadd.s32 $0x2, s10;
	s12 =	sadd.s32 $0x4, s10;
	s11 =	sadd.s32 $0x6, s10;
	[tilespmem:s8+$0x160] =	vst v45;
	v4 =	vmax.f32 v4, v5;
	v45 =	vld.idx.msk [tilespmem:v33+s2+$0x0], $0xffff  }
0x13c: {  	v50 =	vld.idx.msk [tilespmem:v32+s2+$0x0], $0xffff;
	v5 =	vadd.s32 s13, v0;
	v8 =	vadd.s32 s12, v0;
	v47 =	vadd.s32 s11, v0  }
0x13d: {  	v48 =	vld.idx.msk [tilespmem:v35+s2+$0x0], $0xffff;
	[tilespmem:s8+$0x1E0] =	vst v4;
	v4 =	vshll.u32 v5, $0x7;
	v5 =	vshll.u32 v8, $0x7;
	v8 =	vshll.u32 v47, $0x7  }
0x13e: {  	v49 =	vld.idx.msk [tilespmem:v36+s2+$0x0], $0xffff;
	v8 =	vand.u32 $0xFF00, v8  }
0x13f: {  	[tilespmem:s7+$0xFFFFFE60] =	vst v54;
	v10 =	vld [tilespmem:$0x1FEE0];
	v54 =	vor.u32 v16, v8  }
0x140: {  	v44 =	vld.idx.msk [tilespmem:v44+s2+$0x0], $0xffff;
	v6 =	vadd.s32 s10, v0;
	v4 =	vand.u32 $0xFF00, v4;
	v8 =	vor.u32 v12, v8  }
0x141: {  	[tilespmem:s7+$0xFFFFFEE0] =	vst v55;
	v46 =	vld.idx.msk [tilespmem:v46+s2+$0x0], $0xffff;
	v7 =	vadd.s32 s10, v9;
	v0 =	vadd.s32 s13, v9;
	v55 =	vor.u32 v16, v4  }
0x142: {  	[tilespmem:s5+$0xFFFFFF70] =	vst v62;
	v51 =	vadd.s32 s12, v9;
	v6 =	vshll.u32 v6, $0x7;
	v47 =	vld.idx.msk [tilespmem:v34+s2+$0x0], $0xffff;
	v4 =	vor.u32 v12, v4  }
0x143: {  	[tilespmem:s5+$0xFFFFFFF0] =	vst v60;
	v35 =	vmovc v57;
	v7 =	vshll.u32 v7, $0x7;
	v57 =	vshll.u32 v0, $0x7;
	v60 =	vshll.u32 v51, $0x7;
	v51 =	vld.idx.msk [tilespmem:v37+s2+$0x0], $0xffff  }
0x144: {  	v33 =	vmovc v59;
	v32 =	vmovc v58;
	[tilespmem:s5+$0xFFFFFE70] =	vst v1;
	v1 =	vadd.s32 s13, v10;
	v6 =	vand.u32 $0xFF00, v6;
	v5 =	vand.u32 $0xFF00, v5;
	v54 =	vld.idx.msk [tilespmem:v54+s2+$0x0], $0xffff  }
0x145: {  	v36 =	vmovc v52;
	v62 =	vand.u32 $0xFF00, v60;
	v59 =	vor.u32 v16, v5;
	v5 =	vor.u32 v12, v5;
	v8 =	vld.idx.msk [tilespmem:v8+s2+$0x0], $0xffff  }
0x146: {  	v37 =	vmovc v53;
	v52 =	vor.u32 v13, v62;
	v53 =	vld.idx.msk [tilespmem:v55+s2+$0x0], $0xffff;
	v55 =	vor.u32 v11, v62;
	v62 =	vadd.s32 s11, v9  }
0x147: {  	[tilespmem:s5+$0x70] =	vst v2;
	v34 =	vmovc v56;
	v2 =	vand.u32 $0xFF00, v57;
	v58 =	vor.u32 v16, v6;
	v4 =	vld.idx.msk [tilespmem:v4+s2+$0x0], $0xffff;
	v56 =	vshll.u32 v62, $0x7  }
0x148: {  	[tilespmem:s5+$0xF0] =	vst v3;
	v60 =	vmax.f32 v44, v46;
	v6 =	vor.u32 v12, v6;
	v9 =	vld [tilespmem:$0x1FFA0];
	v56 =	vand.u32 $0xFF00, v56  }
0x149: {  	v14 =	vld [tilespmem:$0x1FEF0];
	[tilespmem:s5+$0xFFFFFEF0] =	vst v63;
	v3 =	vand.u32 $0xFF00, v7;
	v1 =	vshll.u32 v1, $0x7;
	v62 =	vor.u32 v11, v56  }
0x14a: {  	v7 =	vor.u32 v11, v2;
	[tilespmem:s8+$0x1F0] =	vst v60;
	v59 =	vld.idx.msk [tilespmem:v59+s2+$0x0], $0xffff;
	v60 =	vadd.s32 s12, v10;
	v56 =	vor.u32 v13, v56  }
0x14b: {  	s5 =	smov.u32 s7;
	v2 =	vor.u32 v13, v2;
	[tilespmem:s7+$0x170] =	vst v61;
	s7 =	smov.u32 s8;
	v5 =	vld.idx.msk [tilespmem:v5+s2+$0x0], $0xffff;
	s8 =	sadd.s32 $0x400, s8;
	v60 =	vshll.u32 v60, $0x7;
	v63 =	vmin.f32 v54, v8  }
0x14c: {  	v57 =	vor.u32 v11, v3;
	v58 =	vld.idx.msk [tilespmem:v58+s2+$0x0], $0xffff;
	v60 =	vand.u32 $0xFF00, v60;
	v8 =	vmax.f32 v54, v8;
	[tilespmem:s8+$0x100] =	vst v63  }
0x14d: {  	v1 =	vand.u32 $0xFF00, v1;
	v6 =	vld.idx.msk [tilespmem:v6+s2+$0x0], $0xffff;
	v54 =	vor.u32 v9, v60;
	v63 =	vmin.f32 v53, v4;
	[tilespmem:s8+$0x180] =	vst v8  }
0x14e: {  	v61 =	vadd.s32 s10, v10;
	v4 =	vmax.f32 v53, v4;
	v53 =	vor.u32 v22, v60;
	[tilespmem:s8+$0xFFFFFF00] =	vst v63;
	v60 =	vld.idx.msk [tilespmem:v62+s2+$0x0], $0xffff  }
0x14f: {  	v3 =	vor.u32 v13, v3;
	v0 =	vor.u32 v22, v1;
	v61 =	vshll.u32 v61, $0x7;
	[tilespmem:s8+$0xFFFFFF80] =	vst v4;
	v56 =	vld.idx.msk [tilespmem:v56+s2+$0x0], $0xffff  }
0x150: {  	v61 =	vand.u32 $0xFF00, v61;
	v1 =	vor.u32 v9, v1;
	v8 =	vadd.s32 s13, v14;
	v7 =	vld.idx.msk [tilespmem:v7+s2+$0x0], $0xffff  }
0x151: {  	v4 =	vmin.f32 v59, v5;
	v5 =	vmax.f32 v59, v5;
	v59 =	vadd.s32 s12, v14;
	v2 =	vld.idx.msk [tilespmem:v2+s2+$0x0], $0xffff  }
0x152: {  	v63 =	vmin.f32 v58, v6;
	v6 =	vmax.f32 v58, v6;
	[tilespmem:s8+$0x0] =	vst v4;
	v4 =	vadd.s32 s11, v10  }
0x153: {  	v15 =	vld [tilespmem:$0x1FF00];
	v8 =	vshll.u32 v8, $0x7;
	v62 =	vor.u32 v22, v61;
	[tilespmem:s8+$0x80] =	vst v5;
	v4 =	vshll.u32 v4, $0x7  }
0x154: {  	v61 =	vor.u32 v9, v61;
	[tilespmem:s8+$0xFFFFFE00] =	vst v63;
	v63 =	vshll.u32 v59, $0x7;
	v55 =	vld.idx.msk [tilespmem:v55+s2+$0x0], $0xffff;
	v4 =	vand.u32 $0xFF00, v4  }
0x155: {  	v5 =	vadd.s32 s10, v14;
	[tilespmem:s8+$0xFFFFFE80] =	vst v6;
	v6 =	vld.idx.msk [tilespmem:v52+s2+$0x0], $0xffff;
	v52 =	vand.u32 $0xFF00, v63;
	v58 =	vor.u32 v22, v4  }
0x156: {  	v57 =	vld.idx.msk [tilespmem:v57+s2+$0x0], $0xffff;
	v63 =	vmin.f32 v60, v56;
	v56 =	vmax.f32 v60, v56;
	v60 =	vmin.f32 v7, v2  }
0x157: {  	v8 =	vand.u32 $0xFF00, v8;
	v3 =	vld.idx.msk [tilespmem:v3+s2+$0x0], $0xffff;
	v4 =	vor.u32 v9, v4;
	v2 =	vmax.f32 v7, v2;
	[tilespmem:s8+$0xFFFFFF10] =	vst v60  }
0x158: {  	v5 =	vshll.u32 v5, $0x7;
	v59 =	vor.u32 v24, v8;
	v8 =	vor.u32 v25, v8;
	[tilespmem:s8+$0xFFFFFF90] =	vst v2  }
0x159: {  	v5 =	vand.u32 $0xFF00, v5;
	v9 =	vor.u32 v24, v52;
	v7 =	vor.u32 v25, v52;
	[tilespmem:s8+$0x110] =	vst v63;
	v0 =	vld.idx.msk [tilespmem:v0+s2+$0x0], $0xffff  }
0x15a: {  	v52 =	vor.u32 v24, v5;
	v5 =	vor.u32 v25, v5;
	[tilespmem:s8+$0x190] =	vst v56;
	v1 =	vld.idx.msk [tilespmem:v1+s2+$0x0], $0xffff  }
0x15b: {  	v56 =	vadd.s32 s13, v15;
	v2 =	vmin.f32 v55, v6;
	v6 =	vmax.f32 v55, v6;
	v58 =	vld.idx.msk [tilespmem:v58+s2+$0x0], $0xffff  }
0x15c: {  	v55 =	vadd.s32 s12, v15;
	v60 =	vadd.s32 s10, v15;
	v63 =	vmin.f32 v57, v3;
	[tilespmem:s8+$0x10] =	vst v2;
	v4 =	vld.idx.msk [tilespmem:v4+s2+$0x0], $0xffff  }
0x15d: {  	v3 =	vmax.f32 v57, v3;
	v56 =	vshll.u32 v56, $0x7;
	v2 =	vadd.s32 s11, v14;
	[tilespmem:s8+$0x90] =	vst v6;
	v14 =	vld [tilespmem:$0x1FF10]  }
0x15e: {  	[tilespmem:s8+$0xFFFFFE10] =	vst v63;
	v6 =	vshll.u32 v60, $0x7;
	v55 =	vshll.u32 v55, $0x7;
	v2 =	vshll.u32 v2, $0x7;
	v53 =	vld.idx.msk [tilespmem:v53+s2+$0x0], $0xffff  }
0x15f: {  	[tilespmem:s8+$0xFFFFFE90] =	vst v3;
	v3 =	vand.u32 $0xFF00, v56;
	v54 =	vld.idx.msk [tilespmem:v54+s2+$0x0], $0xffff;
	v55 =	vand.u32 $0xFF00, v55;
	v2 =	vand.u32 $0xFF00, v2  }
0x160: {  	v57 =	vld.idx.msk [tilespmem:v62+s2+$0x0], $0xffff;
	v6 =	vand.u32 $0xFF00, v6;
	v60 =	vor.u32 v26, v3;
	v56 =	vor.u32 v24, v2  }
0x161: {  	v61 =	vld.idx.msk [tilespmem:v61+s2+$0x0], $0xffff;
	v3 =	vor.u32 v27, v3;
	v2 =	vor.u32 v25, v2;
	v63 =	vmin.f32 v58, v4  }
0x162: {  	v62 =	vor.u32 v26, v55;
	v10 =	vor.u32 v26, v6;
	v4 =	vmax.f32 v58, v4;
	[tilespmem:s8+$0x120] =	vst v63  }
0x163: {  	v55 =	vor.u32 v27, v55;
	v6 =	vor.u32 v27, v6;
	v63 =	vmin.f32 v0, v1;
	[tilespmem:s8+$0x1A0] =	vst v4  }
0x164: {  	v58 =	vadd.s32 s12, v14;
	v0 =	vmax.f32 v0, v1;
	v1 =	vadd.s32 s13, v14;
	[tilespmem:s8+$0xFFFFFF20] =	vst v63  }
0x165: {  	v4 =	vadd.s32 s13, v17;
	v56 =	vld.idx.msk [tilespmem:v56+s2+$0x0], $0xffff;
	v63 =	vadd.s32 s10, v14;
	[tilespmem:s8+$0xFFFFFFA0] =	vst v0;
	v0 =	vmin.f32 v53, v54  }
0x166: {  	v53 =	vmax.f32 v53, v54;
	v2 =	vld.idx.msk [tilespmem:v2+s2+$0x0], $0xffff;
	[tilespmem:s8+$0x20] =	vst v0;
	v0 =	vshll.u32 v58, $0x7;
	v58 =	vadd.s32 s11, v15  }
0x167: {  	v1 =	vshll.u32 v1, $0x7;
	v4 =	vshll.u32 v4, $0x7;
	v54 =	vld.idx.msk [tilespmem:v59+s2+$0x0], $0xffff;
	[tilespmem:s8+$0xA0] =	vst v53;
	v53 =	vshll.u32 v58, $0x7  }
0x168: {  	v59 =	vmin.f32 v57, v61;
	v57 =	vmax.f32 v57, v61;
	v8 =	vld.idx.msk [tilespmem:v8+s2+$0x0], $0xffff;
	v53 =	vand.u32 $0xFF00, v53  }
0x169: {  	v20 =	vmovc v11;
	v61 =	vshll.u32 v63, $0x7;
	v1 =	vand.u32 $0xFF00, v1;
	[tilespmem:s8+$0xFFFFFE20] =	vst v59;
	v9 =	vld.idx.msk [tilespmem:v9+s2+$0x0], $0xffff;
	v58 =	vor.u32 v26, v53  }
0x16a: {  	v15 =	vmin.f32 v39, v42;
	[tilespmem:s8+$0xFFFFFEA0] =	vst v57;
	v7 =	vld.idx.msk [tilespmem:v7+s2+$0x0], $0xffff;
	v0 =	vand.u32 $0xFF00, v0;
	v53 =	vor.u32 v27, v53  }
0x16b: {  	v59 =	vor.u32 v28, v1;
	v1 =	vor.u32 v29, v1;
	v52 =	vld.idx.msk [tilespmem:v52+s2+$0x0], $0xffff;
	v63 =	vmin.f32 v56, v2  }
0x16c: {  	v57 =	vand.u32 $0xFF00, v61;
	v5 =	vld.idx.msk [tilespmem:v5+s2+$0x0], $0xffff;
	v61 =	vor.u32 v28, v0;
	v2 =	vmax.f32 v56, v2;
	[tilespmem:s8+$0x130] =	vst v63  }
0x16d: {  	v18 =	vld [tilespmem:$0x1FFB0];
	v0 =	vor.u32 v29, v0;
	v11 =	vor.u32 v28, v57;
	v56 =	vmin.f32 v54, v8;
	[tilespmem:s8+$0x1B0] =	vst v2  }
0x16e: {  	v4 =	vand.u32 $0xFF00, v4;
	v57 =	vor.u32 v29, v57;
	v8 =	vmax.f32 v54, v8;
	[tilespmem:s8+$0xFFFFFF30] =	vst v56;
	v56 =	vld.idx.msk [tilespmem:v58+s2+$0x0], $0xffff  }
0x16f: {  	v63 =	vadd.s32 s12, v17;
	[tilespmem:s8+$0xFFFFFFB0] =	vst v8;
	v8 =	vmin.f32 v9, v7;
	v7 =	vmax.f32 v9, v7;
	v9 =	vld.idx.msk [tilespmem:v53+s2+$0x0], $0xffff  }
0x170: {  	v2 =	vadd.s32 s10, v17;
	v54 =	vshll.u32 v63, $0x7;
	v63 =	vadd.s32 s11, v14;
	[tilespmem:s8+$0x30] =	vst v8;
	v3 =	vld.idx.msk [tilespmem:v3+s2+$0x0], $0xffff  }
0x171: {  	v2 =	vshll.u32 v2, $0x7;
	v8 =	vand.u32 $0xFF00, v54;
	[tilespmem:s8+$0xB0] =	vst v7;
	v7 =	vshll.u32 v63, $0x7;
	v53 =	vld.idx.msk [tilespmem:v60+s2+$0x0], $0xffff  }
0x172: {  	v21 =	vmovc v13;
	v60 =	vmin.f32 v52, v5;
	v5 =	vmax.f32 v52, v5;
	v52 =	vld.idx.msk [tilespmem:v62+s2+$0x0], $0xffff;
	v7 =	vand.u32 $0xFF00, v7  }
0x173: {  	v2 =	vand.u32 $0xFF00, v2;
	v63 =	vor.u32 v18, v4;
	[tilespmem:s8+$0xFFFFFEB0] =	vst v5;
	v5 =	vld.idx.msk [tilespmem:v55+s2+$0x0], $0xffff;
	v54 =	vor.u32 v28, v7  }
0x174: {  	v13 =	vor.u32 v30, v2;
	v14 =	vor.u32 v18, v2;
	[tilespmem:s8+$0xFFFFFE30] =	vst v60;
	v2 =	vmin.f32 v56, v9  }
0x175: {  	v60 =	vor.u32 v30, v4;
	v10 =	vld.idx.msk [tilespmem:v10+s2+$0x0], $0xffff;
	[tilespmem:s8+$0x140] =	vst v2;
	v2 =	vmax.f32 v56, v9  }
0x176: {  	v4 =	vadd.s32 s13, v31;
	v7 =	vor.u32 v29, v7;
	v6 =	vld.idx.msk [tilespmem:v6+s2+$0x0], $0xffff;
	v9 =	vmin.f32 v53, v3;
	[tilespmem:s8+$0x1C0] =	vst v2  }
0x177: {  	v19 =	vmovc v12;
	v12 =	vor.u32 v30, v8;
	v4 =	vshll.u32 v4, $0x7;
	v3 =	vmax.f32 v53, v3;
	[tilespmem:s8+$0xFFFFFF40] =	vst v9  }
0x178: {  	v62 =	vadd.s32 s12, v31;
	[tilespmem:s8+$0xFFFFFFC0] =	vst v3;
	v3 =	vand.u32 $0xFF00, v4;
	v4 =	vmin.f32 v52, v5;
	v53 =	vld.idx.msk [tilespmem:v54+s2+$0x0], $0xffff  }
0x179: {  	v8 =	vor.u32 v18, v8;
	v9 =	vshll.u32 v62, $0x7;
	v62 =	vld.idx.msk [tilespmem:v59+s2+$0x0], $0xffff;
	[tilespmem:s8+$0x40] =	vst v4;
	v4 =	vadd.s32 s11, v17  }
0x17a: {  	v56 =	vmin.f32 v38, v40;
	v5 =	vmax.f32 v52, v5;
	v1 =	vld.idx.msk [tilespmem:v1+s2+$0x0], $0xffff;
	v4 =	vshll.u32 v4, $0x7  }
0x17b: {  	v38 =	vmax.f32 v38, v40;
	v7 =	vld.idx.msk [tilespmem:v7+s2+$0x0], $0xffff;
	v59 =	vmin.f32 v10, v6;
	[tilespmem:s8+$0xC0] =	vst v5;
	v4 =	vand.u32 $0xFF00, v4  }
0x17c: {  	v6 =	vmax.f32 v10, v6;
	v10 =	vmax.f32 v39, v42;
	[tilespmem:s7+$0xFFFFFF60] =	vst v56;
	v39 =	vor.u32 v18, v4;
	v18 =	vld [tilespmem:$0x1FFC0]  }
0x17d: {  	v55 =	vadd.s32 s10, v31;
	[tilespmem:s7+$0xFFFFFFE0] =	vst v38;
	v5 =	vld.idx.msk [tilespmem:v61+s2+$0x0], $0xffff  }
0x17e: {  	v2 =	vshll.u32 v55, $0x7;
	v55 =	vmax.f32 v41, v43;
	v54 =	vmin.f32 v41, v43;
	[tilespmem:s8+$0xFFFFFE40] =	vst v59;
	v0 =	vld.idx.msk [tilespmem:v0+s2+$0x0], $0xffff  }
0x17f: {  	[tilespmem:s8+$0xFFFFFEC0] =	vst v6;
	v6 =	vand.u32 $0xFF00, v9;
	v9 =	vor.u32 v30, v4;
	v4 =	vmin.f32 v62, v1  }
0x180: {  	v59 =	vor.u32 v23, v3;
	v11 =	vld.idx.msk [tilespmem:v11+s2+$0x0], $0xffff;
	v1 =	vmax.f32 v62, v1;
	[tilespmem:s8+$0xFFFFFF50] =	vst v4  }
0x181: {  	v2 =	vand.u32 $0xFF00, v2;
	v40 =	vld.idx.msk [tilespmem:v57+s2+$0x0], $0xffff;
	[tilespmem:s8+$0xFFFFFFD0] =	vst v1;
	v58 =	vor.u32 v18, v3;
	v3 =	vmin.f32 v53, v7  }
0x182: {  	v56 =	vor.u32 v23, v2;
	v61 =	vmin.f32 v44, v46;
	[tilespmem:s8+$0x150] =	vst v3;
	v3 =	vmax.f32 v53, v7  }
0x183: {  	v57 =	vor.u32 v23, v6;
	v1 =	vmin.f32 v5, v0;
	v38 =	vld.idx.msk [tilespmem:v60+s2+$0x0], $0xffff;
	[tilespmem:s8+$0x1D0] =	vst v3  }
0x184: {  	s9 =	sadd.s32 $0x4, s9;
	v62 =	vmin.f32 v45, v50;
	v0 =	vmax.f32 v5, v0;
	[tilespmem:s8+$0x50] =	vst v1;
	v4 =	vld.idx.msk [tilespmem:v9+s2+$0x0], $0xffff  }
0x185: {  	p1 =	slt.u32 s9, $0x1C;
	v1 =	vadd.s32 s11, v31;
	v60 =	vmax.f32 v45, v50;
	[tilespmem:s8+$0xD0] =	vst v0;
	v52 =	vor.u32 v18, v6;
	v5 =	vld.idx.msk [tilespmem:v39+s2+$0x0], $0xffff  }
.Ltmp0:
0x186: {  	v6 =	vmax.f32 v11, v40;
	v0 =	vshll.u32 v1, $0x7;
	v42 =	vld.idx.msk [tilespmem:v8+s2+$0x0], $0xffff;
	v1 =	vmin.f32 v47, v51;
	(pc) =	sbr.rel @p1 .LBB2_3-.Ltmp0, $4  }
0x187: {  	v53 =	vor.u32 v18, v2;
	v0 =	vand.u32 $0xFF00, v0;
	[tilespmem:s8+$0xFFFFFED0] =	vst v6;
	v3 =	vmin.f32 v11, v40;
	v40 =	vld.idx.msk [tilespmem:v63+s2+$0x0], $0xffff  }
0x188: {  	v2 =	vmin.f32 v48, v49;
	v11 =	vmov v20;
	v44 =	vor.u32 v23, v0;
	[tilespmem:s8+$0xFFFFFE50] =	vst v3;
	v39 =	vld.idx.msk [tilespmem:v12+s2+$0x0], $0xffff  }
0x189: {  	v46 =	vor.u32 v18, v0;
	v63 =	vmax.f32 v47, v51;
	v12 =	vmov v19;
	[tilespmem:s7+$0x60] =	vst v15;
	v41 =	vld.idx.msk [tilespmem:v13+s2+$0x0], $0xffff  }
0x18a: {  	s10 =	sadd.s32 $0x8, s10;
	v3 =	vmax.f32 v48, v49;
	[tilespmem:s7+$0xE0] =	vst v10;
	v13 =	vmov v21;
	v43 =	vld.idx.msk [tilespmem:v14+s2+$0x0], $0xffff;
	v45 =	vmin.f32 v4, v5  }
0x18b: {  	[tilespmem:s8+$0x160] =	vst v45  }
0x18c: {  	[tilespmem:s7+$0xFFFFFE60] =	vst v54  }
0x18d: {  	[tilespmem:s7+$0xFFFFFEE0] =	vst v55  }
0x18e: {  	[tilespmem:s5+$0xFFFFFF70] =	vst v62  }
0x18f: {  	[tilespmem:s5+$0xFFFFFFF0] =	vst v60  }
0x190: {  	[tilespmem:s5+$0x70] =	vst v2  }
0x191: {  	v0 =	vmax.f32 v4, v5;
	[tilespmem:s5+$0xF0] =	vst v3  }
0x192: {  	[tilespmem:s8+$0x1E0] =	vst v0  }
0x193: {  	[tilespmem:s7+$0x170] =	vst v61;
	v0 =	vld.idx.msk [tilespmem:v44+s2+$0x0], $0xffff  }
0x194: {  	[tilespmem:s5+$0xFFFFFE70] =	vst v1;
	v4 =	vld.idx.msk [tilespmem:v46+s2+$0x0], $0xffff  }
0x195: {  	[tilespmem:s5+$0xFFFFFEF0] =	vst v63;
	v5 =	vmax.f32 v38, v40  }
0x196: {  	v1 =	vld.idx.msk [tilespmem:v33+s2+$0x0], $0xffff;
	v6 =	vmin.f32 v39, v42;
	[tilespmem:s8+$0xFFFFFFE0] =	vst v5  }
0x197: {  	v3 =	vld.idx.msk [tilespmem:v32+s2+$0x0], $0xffff;
	v7 =	vmax.f32 v39, v42;
	[tilespmem:s8+$0x60] =	vst v6  }
0x198: {  	v5 =	vld.idx.msk [tilespmem:v36+s2+$0x0], $0xffff;
	[tilespmem:s8+$0xE0] =	vst v7;
	v6 =	vmin.f32 v41, v43  }
0x199: {  	v7 =	vld.idx.msk [tilespmem:v34+s2+$0x0], $0xffff;
	[tilespmem:s8+$0xFFFFFE60] =	vst v6;
	v2 =	vmax.f32 v0, v4  }
0x19a: {  	v6 =	vld.idx.msk [tilespmem:v37+s2+$0x0], $0xffff;
	[tilespmem:s8+$0x1F0] =	vst v2;
	v2 =	vmin.f32 v38, v40  }
0x19b: {  	v8 =	vmax.f32 v41, v43;
	[tilespmem:s8+$0xFFFFFF60] =	vst v2;
	v2 =	vld.idx.msk [tilespmem:v35+s2+$0x0], $0xffff  }
0x19c: {  	v9 =	vmin.f32 v1, v3;
	[tilespmem:s8+$0xFFFFFEE0] =	vst v8  }
0x19d: {  	v1 =	vmax.f32 v1, v3;
	[tilespmem:s7+$0xFFFFFF70] =	vst v9;
	v3 =	vld.idx.msk [tilespmem:v59+s2+$0x0], $0xffff  }
0x19e: {  	[tilespmem:s7+$0xFFFFFFF0] =	vst v1;
	v0 =	vmin.f32 v0, v4;
	v47 =	vld.idx.msk [tilespmem:v58+s2+$0x0], $0xffff  }
0x19f: {  	v4 =	vld.idx.msk [tilespmem:v52+s2+$0x0], $0xffff;
	[tilespmem:s8+$0x170] =	vst v0;
	v0 =	vmax.f32 v7, v6  }
0x1a0: {  	[tilespmem:s7+$0xFFFFFEF0] =	vst v0;
	v46 =	vmin.f32 v2, v5;
	v1 =	vmax.f32 v2, v5;
	v2 =	vld.idx.msk [tilespmem:v57+s2+$0x0], $0xffff  }
0x1a1: {  	v5 =	vld.idx.msk [tilespmem:v56+s2+$0x0], $0xffff;
	[tilespmem:s7+$0x70] =	vst v46  }
0x1a2: {  	[tilespmem:s7+$0xF0] =	vst v1;
	v1 =	vmin.f32 v7, v6;
	v6 =	vld.idx.msk [tilespmem:v53+s2+$0x0], $0xffff  }
0x1a3: {  	v0 =	vmin.f32 v3, v47;
	[tilespmem:s7+$0xFFFFFE70] =	vst v1  }
0x1a4: {  	v1 =	vmax.f32 v3, v47;
	[tilespmem:s8+$0xFFFFFF70] =	vst v0  }
0x1a5: {  	[tilespmem:s8+$0xFFFFFFF0] =	vst v1;
	v0 =	vmin.f32 v2, v4  }
0x1a6: {  	v1 =	vmax.f32 v2, v4;
	[tilespmem:s8+$0x70] =	vst v0  }
0x1a7: {  	v0 =	vmin.f32 v5, v6;
	[tilespmem:s8+$0xF0] =	vst v1  }
0x1a8: {  	v1 =	vmax.f32 v5, v6;
	[tilespmem:s8+$0xFFFFFE70] =	vst v0  }
0x1a9: {  	[tilespmem:s8+$0xFFFFFEF0] =	vst v1  }
0x1aa: {  	v0 =	vld [tilespmem:$0x1FF80];
	_ =	sdelay $0x1  }
0x1ab: {  	s0 =	sor.u32 $0x1, s0  }
0x1ac: {  	s12 =	sshll.u32 s0, $0x6  }
0x1ad: {  	s5 =	sadd.s32 @!p0 s0, s20;
	s0 =	sadd.s32 s3, s12  }
0x1ae: {  	v61 =	vsub.s32 s0, v0;
	v0 =	vld [tilespmem:$0x1FF90];
	_ =	sdelay $0x4  }
0x1af: {  	v62 =	vsub.s32 s0, v0;
	v0 =	vld [tilespmem:$0x1FF20];
	_ =	sdelay $0x4  }
0x1b0: {  	v63 =	vsub.s32 s0, v0;
	v0 =	vld [tilespmem:$0x1FF30];
	_ =	sdelay $0x3  }
0x1b1: {  	s1 =	sshll.u32 s1, $0xA  }
0x1b2: {  	s1 =	sadd.s32 s4, s1;
	v38 =	vsub.s32 s0, v0;
	v0 =	vld [tilespmem:$0x1FF40]  }
0x1b3: {  	s1 =	sshrl.u32 s1, $0x3  }
0x1b4: {  	s1 =	sadd.s32 s1, s21  }
0x1b5: {  	[hbm4b:s1+s23] =	stream.strided.scatter [tilespmem:s26], [sflag:$0x2], $0x2000, s24, s23, $0x38;
	[tilespmem:$0x14000] =	vst v63  }
0x1b6: {  	s1 =	sshll.u32 @!p0 s5, $0x10  }
0x1b7: {  	s1 =	sand.u32 @!p0 $0x7E0000, s1;
	v21 =	vsub.s32 s0, v0;
	v0 =	vld [tilespmem:$0x1FF50]  }
0x1b8: {  	s13 =	simm.s32 $0x6;
	s1 =	sor.u32 @!p0 s4, s1  }
0x1b9: {  	s11 =	simm.s32 @!p0 $0x400;
	s5 =	sshll.u32 @!p0 s5, $0xD;
	s1 =	sshrl.u32 @!p0 s1, $0x3  }
0x1ba: {  	s12 =	simm.s32 @!p0 $0x2000;
	s10 =	sand.u32 @!p0 $0xC000, s5;
	s1 =	sadd.s32 @!p0 s1, s6;
	v4 =	vadd.s32 s13, v61  }
0x1bb: {  	[tilespmem:s10], [sflag:$0x1] =	stream.strided.gather @!p0 [hbm4b:s1+s11], $0x2000, s12, s11, $0x38;
	v4 =	vshll.u32 v4, $0x7;
	[tilespmem:$0x14000] =	vst v63  }
0x1bc: {  	s9 =	simm.s32 $0x2;
	s8 =	simm.s32 $0x4;
	v4 =	vand.u32 $0xFF00, v4;
	v20 =	vsub.s32 s0, v0;
	v0 =	vld [tilespmem:$0x1FF60];
	_ =	swait.ge [sflag:s25], $0x2000  }
0x1bd: {  	p0 =	seq.s32 s31, $0x0;
	v2 =	vadd.s32 s9, v61;
	v3 =	vadd.s32 s8, v61;
	v5 =	vor.u32 v16, v4;
	[sflag:s25] =	ssyncset.done $0x0  }
0x1be: {  	s1 =	simm.s32 @!p0 $0x2;
	v2 =	vshll.u32 v2, $0x7;
	v3 =	vshll.u32 v3, $0x7;
	v4 =	vor.u32 v12, v4;
	[sflag:s25] =	ssyncadd.s32 $0xFFFFE000  }
0x1bf: {  	v2 =	vand.u32 $0xFF00, v2;
	v3 =	vand.u32 $0xFF00, v3;
	_ =	swait.ge @!p0 [sflag:s1], $0x2000  }
0x1c0: {  	v6 =	vor.u32 v16, v2;
	v2 =	vor.u32 v12, v2;
	v48 =	vor.u32 v16, v3;
	[sflag:s1] =	ssyncset.done @!p0 $0x0  }
0x1c1: {  	s7 =	simm.s32 $0x0;
	v3 =	vor.u32 v12, v3;
	v49 =	vadd.s32 s9, v62;
	v10 =	vadd.s32 s8, v62;
	[sflag:s1] =	ssyncadd.s32 @!p0 $0xFFFFE000  }
0x1c2: {  	v9 =	vshll.u32 v49, $0x7;
	v19 =	vsub.s32 s0, v0;
	v0 =	vadd.s32 s7, v61;
	v5 =	vld.idx.msk [tilespmem:v5+s2+$0x0], $0xffff  }
0x1c3: {  	v10 =	vshll.u32 v10, $0x7;
	v9 =	vand.u32 $0xFF00, v9;
	v0 =	vshll.u32 v0, $0x7;
	v4 =	vld.idx.msk [tilespmem:v4+s2+$0x0], $0xffff  }
0x1c4: {  	v60 =	vmovc v13;
	v10 =	vand.u32 $0xFF00, v10;
	v50 =	vor.u32 v11, v9;
	v0 =	vand.u32 $0xFF00, v0  }
0x1c5: {  	v58 =	vmovc v11;
	v9 =	vor.u32 v13, v9;
	v7 =	vor.u32 v16, v0;
	v0 =	vor.u32 v12, v0  }
0x1c6: {  	v59 =	vmovc v12;
	v6 =	vld.idx.msk [tilespmem:v6+s2+$0x0], $0xffff;
	v12 =	vor.u32 v58, v10;
	v10 =	vor.u32 v13, v10;
	v13 =	vadd.s32 s13, v62  }
0x1c7: {  	v2 =	vld.idx.msk [tilespmem:v2+s2+$0x0], $0xffff;
	v13 =	vshll.u32 v13, $0x7  }
0x1c8: {  	s1 =	simm.s32 $0x12200;
	v8 =	vld.idx.msk [tilespmem:v48+s2+$0x0], $0xffff;
	v13 =	vand.u32 $0xFF00, v13;
	v53 =	vmin.f32 v5, v4  }
0x1c9: {  	v1 =	vadd.s32 s7, v62;
	v3 =	vld.idx.msk [tilespmem:v3+s2+$0x0], $0xffff;
	v52 =	vor.u32 v58, v13;
	v13 =	vor.u32 v60, v13;
	[tilespmem:s1+$0x100] =	vst v53  }
0x1ca: {  	v1 =	vshll.u32 v1, $0x7;
	v15 =	vadd.s32 s9, v63;
	v17 =	vld [tilespmem:$0x1FFA0]  }
0x1cb: {  	v31 =	vadd.s32 s8, v63;
	v15 =	vshll.u32 v15, $0x7;
	v4 =	vmax.f32 v5, v4  }
0x1cc: {  	v31 =	vshll.u32 v31, $0x7;
	v15 =	vand.u32 $0xFF00, v15;
	v5 =	vmin.f32 v6, v2;
	v7 =	vld.idx.msk [tilespmem:v7+s2+$0x0], $0xffff;
	[tilespmem:s1+$0x180] =	vst v4  }
0x1cd: {  	v31 =	vand.u32 $0xFF00, v31;
	v54 =	vor.u32 v22, v15;
	v2 =	vmax.f32 v6, v2;
	v0 =	vld.idx.msk [tilespmem:v0+s2+$0x0], $0xffff;
	[tilespmem:s1+$0xFFFFFF00] =	vst v5  }
0x1ce: {  	v1 =	vand.u32 $0xFF00, v1;
	v5 =	vor.u32 v22, v31;
	[tilespmem:s1+$0xFFFFFF80] =	vst v2;
	v2 =	vmin.f32 v8, v3;
	v55 =	vld.idx.msk [tilespmem:v13+s2+$0x0], $0xffff  }
0x1cf: {  	v13 =	vadd.s32 s13, v63;
	v6 =	vor.u32 v17, v15;
	v15 =	vor.u32 v17, v31;
	v31 =	vld.idx.msk [tilespmem:v52+s2+$0x0], $0xffff  }
0x1d0: {  	v14 =	vor.u32 v58, v1;
	v3 =	vmax.f32 v8, v3;
	v11 =	vld.idx.msk [tilespmem:v50+s2+$0x0], $0xffff;
	[tilespmem:s1+$0x0] =	vst v2;
	v2 =	vshll.u32 v13, $0x7  }
0x1d1: {  	v1 =	vor.u32 v60, v1;
	v9 =	vld.idx.msk [tilespmem:v9+s2+$0x0], $0xffff;
	[tilespmem:s1+$0x80] =	vst v3;
	v2 =	vand.u32 $0xFF00, v2  }
0x1d2: {  	v40 =	vmin.f32 v7, v0;
	v0 =	vmax.f32 v7, v0;
	v7 =	vld.idx.msk [tilespmem:v12+s2+$0x0], $0xffff;
	v12 =	vor.u32 v22, v2  }
0x1d3: {  	v3 =	vadd.s32 s7, v38;
	[tilespmem:s1+$0xFFFFFE00] =	vst v40;
	v2 =	vor.u32 v17, v2  }
0x1d4: {  	[tilespmem:s1+$0xFFFFFE80] =	vst v0;
	v0 =	vshll.u32 v3, $0x7;
	v3 =	vld.idx.msk [tilespmem:v10+s2+$0x0], $0xffff;
	v42 =	vmin.f32 v31, v55  }
0x1d5: {  	v51 =	vadd.s32 s7, v63;
	v14 =	vld.idx.msk [tilespmem:v14+s2+$0x0], $0xffff;
	v8 =	vmax.f32 v31, v55;
	[tilespmem:s1+$0x110] =	vst v42  }
0x1d6: {  	v32 =	vshll.u32 v51, $0x7;
	v1 =	vld.idx.msk [tilespmem:v1+s2+$0x0], $0xffff;
	[tilespmem:s1+$0x190] =	vst v8  }
0x1d7: {  	v32 =	vand.u32 $0xFF00, v32;
	v44 =	vmin.f32 v11, v9;
	v45 =	vld.idx.msk [tilespmem:v12+s2+$0x0], $0xffff  }
0x1d8: {  	v57 =	vor.u32 v22, v32;
	v46 =	vadd.s32 s13, v38;
	v9 =	vmax.f32 v11, v9;
	[tilespmem:s1+$0xFFFFFF10] =	vst v44;
	v2 =	vld.idx.msk [tilespmem:v2+s2+$0x0], $0xffff  }
0x1d9: {  	v4 =	vadd.s32 s9, v38;
	[tilespmem:s1+$0xFFFFFF90] =	vst v9;
	v48 =	vmin.f32 v7, v3;
	v8 =	vshll.u32 v46, $0x7  }
0x1da: {  	v13 =	vor.u32 v17, v32;
	v35 =	vld.idx.msk [tilespmem:v54+s2+$0x0], $0xffff;
	v3 =	vmax.f32 v7, v3;
	[tilespmem:s1+$0x10] =	vst v48;
	v8 =	vand.u32 $0xFF00, v8  }
0x1db: {  	v4 =	vshll.u32 v4, $0x7;
	v6 =	vld.idx.msk [tilespmem:v6+s2+$0x0], $0xffff;
	v50 =	vmin.f32 v14, v1;
	[tilespmem:s1+$0x90] =	vst v3;
	v3 =	vor.u32 v24, v8  }
0x1dc: {  	v4 =	vand.u32 $0xFF00, v4;
	v1 =	vmax.f32 v14, v1;
	[tilespmem:s1+$0xFFFFFE10] =	vst v50;
	v5 =	vld.idx.msk [tilespmem:v5+s2+$0x0], $0xffff;
	v8 =	vor.u32 v25, v8  }
0x1dd: {  	v56 =	vadd.s32 s8, v38;
	v31 =	vor.u32 v24, v4;
	[tilespmem:s1+$0xFFFFFE90] =	vst v1;
	v1 =	vld.idx.msk [tilespmem:v15+s2+$0x0], $0xffff;
	v14 =	vmin.f32 v45, v2  }
0x1de: {  	v41 =	vshll.u32 v56, $0x7;
	v4 =	vor.u32 v25, v4;
	v51 =	vld.idx.msk [tilespmem:v57+s2+$0x0], $0xffff;
	v2 =	vmax.f32 v45, v2;
	[tilespmem:s1+$0x120] =	vst v14  }
0x1df: {  	v10 =	vand.u32 $0xFF00, v41;
	v13 =	vld.idx.msk [tilespmem:v13+s2+$0x0], $0xffff;
	[tilespmem:s1+$0x1A0] =	vst v2  }
0x1e0: {  	v0 =	vand.u32 $0xFF00, v0;
	v43 =	vor.u32 v24, v10;
	v53 =	vmin.f32 v35, v6;
	v3 =	vld.idx.msk [tilespmem:v3+s2+$0x0], $0xffff  }
0x1e1: {  	v10 =	vor.u32 v25, v10;
	v54 =	vadd.s32 s13, v21;
	v6 =	vmax.f32 v35, v6;
	[tilespmem:s1+$0xFFFFFF20] =	vst v53;
	v8 =	vld.idx.msk [tilespmem:v8+s2+$0x0], $0xffff  }
0x1e2: {  	v34 =	vshll.u32 v54, $0x7;
	v12 =	vor.u32 v24, v0;
	[tilespmem:s1+$0xFFFFFFA0] =	vst v6;
	v6 =	vmin.f32 v5, v1  }
0x1e3: {  	v0 =	vor.u32 v25, v0;
	v4 =	vld.idx.msk [tilespmem:v4+s2+$0x0], $0xffff;
	v1 =	vmax.f32 v5, v1;
	[tilespmem:s1+$0x20] =	vst v6;
	v6 =	vand.u32 $0xFF00, v34  }
0x1e4: {  	v47 =	vadd.s32 s9, v21;
	v5 =	vld.idx.msk [tilespmem:v31+s2+$0x0], $0xffff;
	v56 =	vmin.f32 v51, v13;
	[tilespmem:s1+$0xA0] =	vst v1;
	v1 =	vor.u32 v26, v6  }
0x1e5: {  	v49 =	vadd.s32 s7, v21;
	v13 =	vmax.f32 v51, v13;
	[tilespmem:s1+$0xFFFFFE20] =	vst v56;
	v32 =	vld.idx.msk [tilespmem:v43+s2+$0x0], $0xffff;
	v6 =	vor.u32 v27, v6  }
0x1e6: {  	v33 =	vshll.u32 v47, $0x7;
	v7 =	vadd.s32 s8, v21;
	[tilespmem:s1+$0xFFFFFEA0] =	vst v13;
	v10 =	vld.idx.msk [tilespmem:v10+s2+$0x0], $0xffff;
	v13 =	vmin.f32 v3, v8  }
0x1e7: {  	v9 =	vshll.u32 v49, $0x7;
	v7 =	vshll.u32 v7, $0x7;
	v12 =	vld.idx.msk [tilespmem:v12+s2+$0x0], $0xffff;
	v3 =	vmax.f32 v3, v8;
	[tilespmem:s1+$0x130] =	vst v13  }
0x1e8: {  	v9 =	vand.u32 $0xFF00, v9;
	v15 =	vand.u32 $0xFF00, v33;
	v7 =	vand.u32 $0xFF00, v7;
	v0 =	vld.idx.msk [tilespmem:v0+s2+$0x0], $0xffff;
	[tilespmem:s1+$0x1B0] =	vst v3  }
0x1e9: {  	v52 =	vor.u32 v26, v15;
	v2 =	vor.u32 v26, v7;
	v48 =	vmin.f32 v5, v4;
	v1 =	vld.idx.msk [tilespmem:v1+s2+$0x0], $0xffff  }
0x1ea: {  	v55 =	vadd.s32 s9, v20;
	v7 =	vor.u32 v27, v7;
	v4 =	vmax.f32 v5, v4;
	[tilespmem:s1+$0xFFFFFF30] =	vst v48;
	v5 =	vld.idx.msk [tilespmem:v6+s2+$0x0], $0xffff  }
0x1eb: {  	v40 =	vshll.u32 v55, $0x7;
	v14 =	vor.u32 v27, v15;
	[tilespmem:s1+$0xFFFFFFB0] =	vst v4;
	v4 =	vmin.f32 v32, v10  }
0x1ec: {  	v33 =	vand.u32 $0xFF00, v40;
	v57 =	vadd.s32 s7, v20;
	v10 =	vmax.f32 v32, v10;
	[tilespmem:s1+$0x30] =	vst v4  }
0x1ed: {  	v41 =	vshll.u32 v57, $0x7;
	v15 =	vor.u32 v26, v9;
	v50 =	vmin.f32 v12, v0;
	[tilespmem:s1+$0xB0] =	vst v10  }
0x1ee: {  	v9 =	vor.u32 v27, v9;
	v11 =	vld.idx.msk [tilespmem:v52+s2+$0x0], $0xffff;
	v6 =	vadd.s32 s13, v20;
	v0 =	vmax.f32 v12, v0;
	[tilespmem:s1+$0xFFFFFE30] =	vst v50  }
0x1ef: {  	v31 =	vadd.s32 s8, v20;
	v6 =	vshll.u32 v6, $0x7;
	[tilespmem:s1+$0xFFFFFEB0] =	vst v0;
	v0 =	vld.idx.msk [tilespmem:v7+s2+$0x0], $0xffff;
	v7 =	vmin.f32 v1, v5  }
0x1f0: {  	v31 =	vshll.u32 v31, $0x7;
	v14 =	vld.idx.msk [tilespmem:v14+s2+$0x0], $0xffff;
	v4 =	vand.u32 $0xFF00, v6;
	v1 =	vmax.f32 v1, v5;
	[tilespmem:s1+$0x140] =	vst v7  }
0x1f1: {  	v13 =	vand.u32 $0xFF00, v31;
	v31 =	vor.u32 v28, v33;
	v2 =	vld.idx.msk [tilespmem:v2+s2+$0x0], $0xffff;
	v51 =	vor.u32 v28, v4;
	[tilespmem:s1+$0x1C0] =	vst v1  }
0x1f2: {  	v3 =	vor.u32 v29, v33;
	v6 =	vadd.s32 s9, v19;
	v4 =	vor.u32 v29, v4;
	v57 =	vld [tilespmem:$0x1FFB0]  }
0x1f3: {  	v52 =	vadd.s32 s8, v19;
	v12 =	vadd.s32 s7, v19;
	v6 =	vshll.u32 v6, $0x7  }
0x1f4: {  	v53 =	vshll.u32 v52, $0x7;
	v12 =	vshll.u32 v12, $0x7;
	v15 =	vld.idx.msk [tilespmem:v15+s2+$0x0], $0xffff;
	v5 =	vand.u32 $0xFF00, v6  }
0x1f5: {  	v9 =	vld.idx.msk [tilespmem:v9+s2+$0x0], $0xffff;
	v6 =	vand.u32 $0xFF00, v53;
	v7 =	vand.u32 $0xFF00, v12;
	v12 =	vmin.f32 v11, v14  }
0x1f6: {  	v46 =	vor.u32 v30, v6;
	v11 =	vmax.f32 v11, v14;
	[tilespmem:s1+$0xFFFFFF40] =	vst v12;
	v10 =	vld.idx.msk [tilespmem:v51+s2+$0x0], $0xffff  }
0x1f7: {  	v42 =	vand.u32 $0xFF00, v41;
	[tilespmem:s1+$0xFFFFFFC0] =	vst v11;
	v4 =	vld.idx.msk [tilespmem:v4+s2+$0x0], $0xffff;
	v34 =	vor.u32 v57, v6;
	v6 =	vmin.f32 v2, v0  }
0x1f8: {  	v49 =	vor.u32 v28, v42;
	v3 =	vld.idx.msk [tilespmem:v3+s2+$0x0], $0xffff;
	v0 =	vmax.f32 v2, v0;
	[tilespmem:s1+$0x40] =	vst v6  }
0x1f9: {  	v8 =	vor.u32 v29, v42;
	v12 =	vadd.s32 s13, v19;
	v2 =	vld.idx.msk [tilespmem:v31+s2+$0x0], $0xffff;
	[tilespmem:s1+$0xC0] =	vst v0  }
0x1fa: {  	v55 =	vmin.f32 v15, v9;
	v54 =	vshll.u32 v12, $0x7;
	v12 =	vld [tilespmem:$0x1FF70]  }
0x1fb: {  	v43 =	vor.u32 v28, v13;
	v13 =	vor.u32 v29, v13;
	v9 =	vmax.f32 v15, v9;
	[tilespmem:s1+$0xFFFFFE40] =	vst v55  }
0x1fc: {  	v1 =	vor.u32 v30, v5;
	v33 =	vor.u32 v30, v7;
	v44 =	vmin.f32 v10, v4;
	[tilespmem:s1+$0xFFFFFEC0] =	vst v9  }
0x1fd: {  	s12 =	simm.s32 $0xC;
	v5 =	vor.u32 v57, v5;
	v6 =	vand.u32 $0xFF00, v54;
	v4 =	vmax.f32 v10, v4;
	[tilespmem:s1+$0x150] =	vst v44;
	v15 =	vld.idx.msk [tilespmem:v49+s2+$0x0], $0xffff  }
0x1fe: {  	v52 =	vadd.s32 s12, v61;
	v32 =	vor.u32 v57, v7;
	v0 =	vor.u32 v30, v6;
	[tilespmem:s1+$0x1D0] =	vst v4;
	v8 =	vld.idx.msk [tilespmem:v8+s2+$0x0], $0xffff  }
0x1ff: {  	v6 =	vor.u32 v57, v6;
	v18 =	vld [tilespmem:$0x1FFC0];
	v49 =	vmin.f32 v2, v3;
	v31 =	vsub.s32 s0, v12  }
0x200: {  	v7 =	vld.idx.msk [tilespmem:v13+s2+$0x0], $0xffff;
	v2 =	vmax.f32 v2, v3;
	v12 =	vadd.s32 s9, v31;
	v13 =	vadd.s32 s7, v31  }
0x201: {  	v14 =	vadd.s32 s8, v31;
	s8 =	simm.s32 $0x8;
	v45 =	vshll.u32 v12, $0x7;
	v47 =	vshll.u32 v13, $0x7  }
0x202: {  	v12 =	vshll.u32 v14, $0x7;
	v13 =	vadd.s32 s8, v62;
	v4 =	vand.u32 $0xFF00, v45  }
0x203: {  	v56 =	vld.idx.msk [tilespmem:v43+s2+$0x0], $0xffff;
	v48 =	vand.u32 $0xFF00, v12;
	v10 =	vand.u32 $0xFF00, v47;
	v47 =	vmax.f32 v15, v8  }
0x204: {  	v12 =	vadd.s32 s8, v61;
	v43 =	vor.u32 v23, v4;
	v42 =	vor.u32 v18, v4  }
0x205: {  	v41 =	vor.u32 v23, v48;
	v4 =	vld.idx.msk [tilespmem:v6+s2+$0x0], $0xffff;
	v40 =	vor.u32 v18, v48;
	v6 =	vor.u32 v23, v10  }
0x206: {  	v0 =	vld.idx.msk [tilespmem:v0+s2+$0x0], $0xffff;
	v39 =	vor.u32 v18, v10;
	v10 =	vmin.f32 v15, v8;
	[tilespmem:$0x1FEB0] =	vst v6;
	v6 =	vadd.s32 s13, v31  }
0x207: {  	v54 =	vshll.u32 v12, $0x7;
	v15 =	vadd.s32 s12, v62;
	s13 =	simm.s32 $0xE;
	v3 =	vshll.u32 v6, $0x7  }
0x208: {  	v6 =	vmin.f32 v56, v7;
	v7 =	vmax.f32 v56, v7;
	v14 =	vadd.s32 s13, v61  }
0x209: {  	v48 =	vadd.s32 s13, v62;
	v3 =	vand.u32 $0xFF00, v3;
	v53 =	vshll.u32 v14, $0x7  }
0x20a: {  	s11 =	simm.s32 $0xA;
	[tilespmem:s1+$0xFFFFFF50] =	vst v49;
	v50 =	vor.u32 v23, v3;
	v3 =	vor.u32 v18, v3;
	v8 =	vand.u32 $0xFF00, v53  }
0x20b: {  	[tilespmem:s1+$0xFFFFFFD0] =	vst v2;
	v51 =	vmin.f32 v0, v4;
	v0 =	vmax.f32 v0, v4;
	v4 =	vadd.s32 s11, v61  }
0x20c: {  	v56 =	vadd.s32 s8, v63;
	v55 =	vor.u32 v16, v8;
	[tilespmem:s1+$0x1E0] =	vst v0;
	v0 =	vshll.u32 v4, $0x7  }
0x20d: {  	v35 =	vld.idx.msk [tilespmem:v1+s2+$0x0], $0xffff;
	v1 =	vshll.u32 v13, $0x7;
	v8 =	vor.u32 v59, v8;
	v0 =	vand.u32 $0xFF00, v0  }
0x20e: {  	v13 =	vshll.u32 v15, $0x7;
	v36 =	vld.idx.msk [tilespmem:v5+s2+$0x0], $0xffff;
	[tilespmem:s1+$0x160] =	vst v51;
	v4 =	vshll.u32 v52, $0x7;
	v12 =	vor.u32 v16, v0  }
0x20f: {  	v48 =	vshll.u32 v48, $0x7;
	v4 =	vand.u32 $0xFF00, v4;
	v0 =	vor.u32 v59, v0;
	v44 =	vld.idx.msk [tilespmem:v50+s2+$0x0], $0xffff  }
0x210: {  	v5 =	vand.u32 $0xFF00, v13;
	v1 =	vand.u32 $0xFF00, v1;
	v14 =	vor.u32 v16, v4;
	v45 =	vld.idx.msk [tilespmem:v3+s2+$0x0], $0xffff  }
0x211: {  	v48 =	vand.u32 $0xFF00, v48;
	v4 =	vor.u32 v59, v4;
	v3 =	vand.u32 $0xFF00, v54;
	v11 =	vld.idx.msk [tilespmem:v55+s2+$0x0], $0xffff  }
0x212: {  	v15 =	vor.u32 v58, v5;
	v5 =	vor.u32 v60, v5;
	v9 =	vor.u32 v16, v3;
	v8 =	vld.idx.msk [tilespmem:v8+s2+$0x0], $0xffff  }
0x213: {  	v49 =	vor.u32 v58, v1;
	v1 =	vor.u32 v60, v1;
	v2 =	vor.u32 v59, v3;
	v12 =	vld.idx.msk [tilespmem:v12+s2+$0x0], $0xffff  }
0x214: {  	v53 =	vor.u32 v58, v48;
	v48 =	vor.u32 v60, v48;
	v3 =	vadd.s32 s11, v62;
	v0 =	vld.idx.msk [tilespmem:v0+s2+$0x0], $0xffff  }
0x215: {  	v51 =	vadd.s32 s12, v63;
	v50 =	vadd.s32 s11, v63;
	v3 =	vshll.u32 v3, $0x7;
	v14 =	vld.idx.msk [tilespmem:v14+s2+$0x0], $0xffff  }
0x216: {  	v51 =	vshll.u32 v51, $0x7;
	v50 =	vshll.u32 v50, $0x7;
	v3 =	vand.u32 $0xFF00, v3;
	v4 =	vld.idx.msk [tilespmem:v4+s2+$0x0], $0xffff  }
0x217: {  	s5 =	simm.s32 $0x12600;
	[tilespmem:s1+$0x50] =	vst v6;
	v6 =	vld.idx.msk [tilespmem:v9+s2+$0x0], $0xffff;
	v9 =	vand.u32 $0xFF00, v50;
	v50 =	vand.u32 $0xFF00, v51;
	v51 =	vmin.f32 v11, v8  }
0x218: {  	v52 =	vshll.u32 v56, $0x7;
	v13 =	vor.u32 v58, v3;
	v2 =	vld.idx.msk [tilespmem:v2+s2+$0x0], $0xffff;
	v8 =	vmax.f32 v11, v8;
	[tilespmem:s5+$0x100] =	vst v51  }
0x219: {  	v3 =	vor.u32 v60, v3;
	v37 =	vmax.f32 v44, v45;
	[tilespmem:s5+$0x180] =	vst v8;
	v55 =	vmin.f32 v12, v0  }
0x21a: {  	v54 =	vor.u32 v22, v9;
	v9 =	vor.u32 v17, v9;
	v0 =	vmax.f32 v12, v0;
	[tilespmem:s5+$0xFFFFFF00] =	vst v55  }
0x21b: {  	v52 =	vand.u32 $0xFF00, v52;
	v11 =	vor.u32 v22, v50;
	v48 =	vld.idx.msk [tilespmem:v48+s2+$0x0], $0xffff;
	[tilespmem:s5+$0xFFFFFF80] =	vst v0;
	v0 =	vmin.f32 v14, v4  }
0x21c: {  	v12 =	vor.u32 v17, v50;
	v50 =	vld.idx.msk [tilespmem:v53+s2+$0x0], $0xffff;
	v4 =	vmax.f32 v14, v4;
	[tilespmem:s5+$0x0] =	vst v0;
	v0 =	vadd.s32 s13, v63  }
0x21d: {  	[tilespmem:s1+$0xFFFFFE50] =	vst v10;
	v14 =	vadd.s32 s12, v38;
	v13 =	vld.idx.msk [tilespmem:v13+s2+$0x0], $0xffff;
	v56 =	vmin.f32 v6, v2;
	v0 =	vshll.u32 v0, $0x7  }
0x21e: {  	v2 =	vmax.f32 v6, v2;
	v3 =	vld.idx.msk [tilespmem:v3+s2+$0x0], $0xffff;
	[tilespmem:s5+$0x80] =	vst v4;
	v4 =	vadd.s32 s8, v38;
	v0 =	vand.u32 $0xFF00, v0  }
0x21f: {  	[tilespmem:s5+$0xFFFFFE80] =	vst v2;
	v2 =	vshll.u32 v4, $0x7;
	v4 =	vld.idx.msk [tilespmem:v5+s2+$0x0], $0xffff;
	v5 =	vshll.u32 v14, $0x7;
	v14 =	vor.u32 v22, v0  }
0x220: {  	v8 =	vadd.s32 s11, v38;
	v51 =	vor.u32 v22, v52;
	[tilespmem:s5+$0xFFFFFE00] =	vst v56;
	v53 =	vld.idx.msk [tilespmem:v15+s2+$0x0], $0xffff;
	v0 =	vor.u32 v17, v0  }
0x221: {  	[tilespmem:s1+$0xD0] =	vst v7;
	v52 =	vor.u32 v17, v52;
	v6 =	vshll.u32 v8, $0x7;
	v7 =	vld.idx.msk [tilespmem:v49+s2+$0x0], $0xffff;
	v15 =	vmin.f32 v50, v48  }
0x222: {  	v6 =	vand.u32 $0xFF00, v6;
	v5 =	vand.u32 $0xFF00, v5;
	v1 =	vld.idx.msk [tilespmem:v1+s2+$0x0], $0xffff;
	[tilespmem:s5+$0x110] =	vst v15;
	v15 =	vmax.f32 v50, v48  }
0x223: {  	v10 =	vor.u32 v24, v6;
	v6 =	vor.u32 v25, v6;
	v55 =	vmin.f32 v13, v3;
	[tilespmem:s5+$0x190] =	vst v15  }
0x224: {  	v56 =	vadd.s32 s13, v38;
	v49 =	vor.u32 v24, v5;
	v3 =	vmax.f32 v13, v3;
	[tilespmem:s5+$0xFFFFFF10] =	vst v55;
	v14 =	vld.idx.msk [tilespmem:v14+s2+$0x0], $0xffff  }
0x225: {  	v2 =	vand.u32 $0xFF00, v2;
	v5 =	vor.u32 v25, v5;
	[tilespmem:s5+$0xFFFFFF90] =	vst v3;
	v3 =	vmin.f32 v53, v4;
	v0 =	vld.idx.msk [tilespmem:v0+s2+$0x0], $0xffff  }
0x226: {  	v48 =	vadd.s32 s12, v21;
	v13 =	vor.u32 v24, v2;
	[tilespmem:s5+$0x10] =	vst v3;
	v3 =	vshll.u32 v56, $0x7  }
0x227: {  	[tilespmem:s1+$0xFFFFFED0] =	vst v47;
	v15 =	vadd.s32 s11, v21;
	v4 =	vmax.f32 v53, v4;
	v53 =	vld.idx.msk [tilespmem:v54+s2+$0x0], $0xffff;
	v3 =	vand.u32 $0xFF00, v3  }
0x228: {  	v56 =	vshll.u32 v15, $0x7;
	v15 =	vmin.f32 v7, v1;
	v9 =	vld.idx.msk [tilespmem:v9+s2+$0x0], $0xffff;
	[tilespmem:s5+$0x90] =	vst v4;
	v54 =	vor.u32 v24, v3  }
0x229: {  	v50 =	vadd.s32 s8, v21;
	v1 =	vmax.f32 v7, v1;
	[tilespmem:s5+$0xFFFFFE10] =	vst v15;
	v7 =	vld.idx.msk [tilespmem:v11+s2+$0x0], $0xffff;
	v3 =	vor.u32 v25, v3  }
0x22a: {  	v4 =	vshll.u32 v50, $0x7;
	v15 =	vshll.u32 v48, $0x7;
	[tilespmem:s5+$0xFFFFFE90] =	vst v1;
	v8 =	vld.idx.msk [tilespmem:v12+s2+$0x0], $0xffff;
	v55 =	vmin.f32 v14, v0  }
0x22b: {  	v1 =	vand.u32 $0xFF00, v56;
	v12 =	vand.u32 $0xFF00, v15;
	v15 =	vld.idx.msk [tilespmem:v51+s2+$0x0], $0xffff;
	v0 =	vmax.f32 v14, v0;
	[tilespmem:s5+$0x120] =	vst v55  }
0x22c: {  	v2 =	vor.u32 v25, v2;
	v4 =	vand.u32 $0xFF00, v4;
	v47 =	vor.u32 v26, v1;
	v50 =	vld.idx.msk [tilespmem:v52+s2+$0x0], $0xffff;
	[tilespmem:s5+$0x1A0] =	vst v0  }
0x22d: {  	v48 =	vor.u32 v26, v4;
	v0 =	vor.u32 v27, v4;
	v4 =	vmin.f32 v53, v9;
	v11 =	vld.idx.msk [tilespmem:v54+s2+$0x0], $0xffff  }
0x22e: {  	v56 =	vadd.s32 s13, v21;
	v1 =	vor.u32 v27, v1;
	v9 =	vmax.f32 v53, v9;
	[tilespmem:s5+$0xFFFFFF20] =	vst v4;
	v3 =	vld.idx.msk [tilespmem:v3+s2+$0x0], $0xffff  }
0x22f: {  	v52 =	vshll.u32 v56, $0x7;
	v14 =	vor.u32 v26, v12;
	[tilespmem:s5+$0xFFFFFFA0] =	vst v9;
	v9 =	vmin.f32 v7, v8  }
0x230: {  	v12 =	vor.u32 v27, v12;
	v7 =	vmax.f32 v7, v8;
	v8 =	vld.idx.msk [tilespmem:v10+s2+$0x0], $0xffff;
	[tilespmem:s5+$0x20] =	vst v9;
	v9 =	vand.u32 $0xFF00, v52  }
0x231: {  	v51 =	vadd.s32 s11, v19;
	v10 =	vmin.f32 v15, v50;
	v6 =	vld.idx.msk [tilespmem:v6+s2+$0x0], $0xffff;
	[tilespmem:s5+$0xA0] =	vst v7;
	v7 =	vor.u32 v26, v9  }
0x232: {  	v53 =	vadd.s32 s12, v20;
	v15 =	vmax.f32 v15, v50;
	[tilespmem:s5+$0xFFFFFE20] =	vst v10;
	v10 =	vld.idx.msk [tilespmem:v49+s2+$0x0], $0xffff;
	v9 =	vor.u32 v27, v9  }
0x233: {  	v4 =	vadd.s32 s11, v20;
	v54 =	vadd.s32 s8, v20;
	[tilespmem:s5+$0xFFFFFEA0] =	vst v15;
	v5 =	vld.idx.msk [tilespmem:v5+s2+$0x0], $0xffff;
	v15 =	vmin.f32 v11, v3  }
0x234: {  	v56 =	vshll.u32 v53, $0x7;
	v4 =	vshll.u32 v4, $0x7;
	v13 =	vld.idx.msk [tilespmem:v13+s2+$0x0], $0xffff;
	v3 =	vmax.f32 v11, v3;
	[tilespmem:s5+$0x130] =	vst v15  }
0x235: {  	v56 =	vand.u32 $0xFF00, v56;
	v52 =	vadd.s32 s8, v19;
	v49 =	vshll.u32 v54, $0x7;
	v2 =	vld.idx.msk [tilespmem:v2+s2+$0x0], $0xffff;
	[tilespmem:s5+$0x1B0] =	vst v3  }
0x236: {  	v4 =	vand.u32 $0xFF00, v4;
	v15 =	vor.u32 v28, v56;
	v54 =	vmin.f32 v8, v6;
	v7 =	vld.idx.msk [tilespmem:v7+s2+$0x0], $0xffff  }
0x237: {  	v3 =	vor.u32 v29, v56;
	v6 =	vmax.f32 v8, v6;
	v56 =	vadd.s32 s13, v20;
	[tilespmem:s5+$0xFFFFFF30] =	vst v54;
	v8 =	vld.idx.msk [tilespmem:v9+s2+$0x0], $0xffff  }
0x238: {  	v53 =	vor.u32 v28, v4;
	[tilespmem:s5+$0xFFFFFFB0] =	vst v6;
	v6 =	vmin.f32 v10, v5;
	v9 =	vshll.u32 v56, $0x7  }
0x239: {  	v46 =	vld.idx.msk [tilespmem:v46+s2+$0x0], $0xffff;
	v11 =	vand.u32 $0xFF00, v49;
	v5 =	vmax.f32 v10, v5;
	[tilespmem:s5+$0x30] =	vst v6;
	v6 =	vand.u32 $0xFF00, v9  }
0x23a: {  	v4 =	vor.u32 v29, v4;
	v55 =	vor.u32 v28, v11;
	[tilespmem:s5+$0xB0] =	vst v5;
	v5 =	vor.u32 v28, v6  }
0x23b: {  	v10 =	vld.idx.msk [tilespmem:v47+s2+$0x0], $0xffff;
	v56 =	vmin.f32 v13, v2;
	v2 =	vmax.f32 v13, v2;
	v6 =	vor.u32 v29, v6  }
0x23c: {  	v49 =	vadd.s32 s12, v19;
	v11 =	vor.u32 v29, v11;
	v1 =	vld.idx.msk [tilespmem:v1+s2+$0x0], $0xffff;
	[tilespmem:s5+$0xFFFFFEB0] =	vst v2;
	v2 =	vmin.f32 v7, v8  }
0x23d: {  	v49 =	vshll.u32 v49, $0x7;
	v54 =	vshll.u32 v51, $0x7;
	v14 =	vld.idx.msk [tilespmem:v14+s2+$0x0], $0xffff;
	[tilespmem:s5+$0x140] =	vst v2;
	v2 =	vmax.f32 v7, v8  }
0x23e: {  	v50 =	vand.u32 $0xFF00, v49;
	v13 =	vshll.u32 v52, $0x7;
	v9 =	vand.u32 $0xFF00, v54;
	v12 =	vld.idx.msk [tilespmem:v12+s2+$0x0], $0xffff;
	[tilespmem:s5+$0x1C0] =	vst v2  }
0x23f: {  	v52 =	vor.u32 v30, v50;
	v51 =	vor.u32 v57, v50;
	v13 =	vand.u32 $0xFF00, v13;
	v2 =	vld.idx.msk [tilespmem:v5+s2+$0x0], $0xffff  }
0x240: {  	[tilespmem:s5+$0xFFFFFE30] =	vst v56;
	v50 =	vor.u32 v30, v13;
	v49 =	vor.u32 v57, v13;
	v13 =	vadd.s32 s13, v19;
	v6 =	vld.idx.msk [tilespmem:v6+s2+$0x0], $0xffff  }
0x241: {  	v54 =	vor.u32 v57, v9;
	v0 =	vld.idx.msk [tilespmem:v0+s2+$0x0], $0xffff;
	v56 =	vshll.u32 v13, $0x7;
	v7 =	vor.u32 v30, v9  }
0x242: {  	[tilespmem:s1+$0x1F0] =	vst v37;
	v9 =	vld.idx.msk [tilespmem:v48+s2+$0x0], $0xffff;
	v47 =	vmin.f32 v10, v1;
	v1 =	vmax.f32 v10, v1;
	v10 =	vand.u32 $0xFF00, v56  }
0x243: {  	v34 =	vld.idx.msk [tilespmem:v34+s2+$0x0], $0xffff;
	v8 =	vadd.s32 s11, v31;
	v48 =	vadd.s32 s12, v31;
	[tilespmem:s5+$0xFFFFFF40] =	vst v47;
	v47 =	vor.u32 v30, v10  }
0x244: {  	v33 =	vld.idx.msk [tilespmem:v33+s2+$0x0], $0xffff;
	v8 =	vshll.u32 v8, $0x7;
	[tilespmem:s5+$0xFFFFFFC0] =	vst v1;
	v1 =	vmin.f32 v14, v12;
	v10 =	vor.u32 v57, v10  }
0x245: {  	v13 =	vld.idx.msk [tilespmem:v32+s2+$0x0], $0xffff;
	v32 =	vshll.u32 v48, $0x7;
	v12 =	vmax.f32 v14, v12;
	[tilespmem:s5+$0x40] =	vst v1;
	v56 =	vmin.f32 v2, v6  }
0x246: {  	v14 =	vmin.f32 v35, v36;
	v5 =	vadd.s32 s8, v31;
	v48 =	vld.idx.msk [tilespmem:v53+s2+$0x0], $0xffff;
	v2 =	vmax.f32 v2, v6;
	[tilespmem:s5+$0x150] =	vst v56  }
0x247: {  	v53 =	vmax.f32 v35, v36;
	v4 =	vld.idx.msk [tilespmem:v4+s2+$0x0], $0xffff;
	v5 =	vshll.u32 v5, $0x7;
	v6 =	vmin.f32 v9, v0;
	[tilespmem:s5+$0x1D0] =	vst v2  }
0x248: {  	v0 =	vmax.f32 v9, v0;
	v9 =	vmin.f32 v46, v34;
	v56 =	vmax.f32 v46, v34;
	v46 =	vld.idx.msk [tilespmem:v47+s2+$0x0], $0xffff  }
0x249: {  	v8 =	vand.u32 $0xFF00, v8;
	v36 =	vand.u32 $0xFF00, v32;
	[tilespmem:s5+$0xC0] =	vst v12;
	v1 =	vand.u32 $0xFF00, v5;
	v5 =	vld.idx.msk [tilespmem:v10+s2+$0x0], $0xffff  }
0x24a: {  	[tilespmem:s1+$0xFFFFFF60] =	vst v14;
	v32 =	vor.u32 v18, v8;
	v2 =	vmin.f32 v33, v13;
	v47 =	vadd.s32 s13, v31  }
0x24b: {  	s8 =	simm.s32 $0x16;
	v3 =	vld.idx.msk [tilespmem:v3+s2+$0x0], $0xffff;
	v13 =	vmax.f32 v33, v13;
	v33 =	vor.u32 v23, v8;
	[tilespmem:s5+$0xFFFFFE40] =	vst v6;
	v8 =	vshll.u32 v47, $0x7  }
0x24c: {  	v12 =	vmin.f32 v48, v4;
	[tilespmem:s5+$0xFFFFFEC0] =	vst v0;
	v10 =	vld.idx.msk [tilespmem:v15+s2+$0x0], $0xffff;
	v47 =	vadd.s32 s8, v61;
	v6 =	vand.u32 $0xFF00, v8  }
0x24d: {  	v4 =	vmax.f32 v48, v4;
	[tilespmem:s5+$0xFFFFFF50] =	vst v12;
	v8 =	vshll.u32 v47, $0x7;
	v0 =	vor.u32 v23, v6  }
0x24e: {  	s10 =	simm.s32 $0x12;
	[tilespmem:s5+$0xFFFFFFD0] =	vst v4;
	v6 =	vor.u32 v18, v6;
	v8 =	vand.u32 $0xFF00, v8;
	v12 =	vmin.f32 v46, v5  }
0x24f: {  	v48 =	vadd.s32 s10, v61;
	v15 =	vld.idx.msk [tilespmem:v55+s2+$0x0], $0xffff;
	v37 =	vor.u32 v16, v8;
	v4 =	vmax.f32 v46, v5;
	[tilespmem:s5+$0x160] =	vst v12  }
0x250: {  	s12 =	simm.s32 $0x14;
	v11 =	vld.idx.msk [tilespmem:v11+s2+$0x0], $0xffff;
	v8 =	vor.u32 v59, v8;
	v5 =	vshll.u32 v48, $0x7;
	[tilespmem:s5+$0x1E0] =	vst v4  }
0x251: {  	v55 =	vmin.f32 v10, v3;
	v48 =	vld.idx.msk [tilespmem:v7+s2+$0x0], $0xffff;
	v12 =	vadd.s32 s12, v61;
	v5 =	vand.u32 $0xFF00, v5;
	[tilespmem:$0x1FE70] =	vst v61  }
0x252: {  	s13 =	simm.s32 $0x10;
	v3 =	vmax.f32 v10, v3;
	v4 =	vshll.u32 v12, $0x7;
	v7 =	vor.u32 v16, v5;
	v46 =	vld.idx.msk [tilespmem:v0+s2+$0x0], $0xffff;
	[tilespmem:s1+$0xFFFFFFE0] =	vst v53  }
0x253: {  	v12 =	vadd.s32 s13, v61;
	v0 =	vand.u32 $0xFF00, v4;
	v4 =	vor.u32 v59, v5;
	v47 =	vld.idx.msk [tilespmem:v6+s2+$0x0], $0xffff;
	[tilespmem:s5+$0x50] =	vst v55  }
0x254: {  	v5 =	vshll.u32 v12, $0x7;
	[tilespmem:s5+$0xD0] =	vst v3;
	v6 =	vor.u32 v16, v0;
	v12 =	vld.idx.msk [tilespmem:v37+s2+$0x0], $0xffff  }
0x255: {  	v34 =	vor.u32 v23, v1;
	[tilespmem:s1+$0x60] =	vst v9;
	v5 =	vand.u32 $0xFF00, v5;
	v0 =	vor.u32 v59, v0;
	v8 =	vld.idx.msk [tilespmem:v8+s2+$0x0], $0xffff  }
0x256: {  	v53 =	vmin.f32 v15, v11;
	v11 =	vmax.f32 v15, v11;
	[tilespmem:s1+$0xE0] =	vst v56;
	v3 =	vor.u32 v16, v5  }
0x257: {  	v14 =	vadd.s32 s8, v62;
	v37 =	vor.u32 v18, v1;
	[tilespmem:s5+$0xFFFFFE50] =	vst v53;
	v1 =	vor.u32 v59, v5;
	v5 =	vld.idx.msk [tilespmem:v7+s2+$0x0], $0xffff  }
0x258: {  	v55 =	vadd.s32 s10, v62;
	[tilespmem:s5+$0xFFFFFED0] =	vst v11;
	v7 =	vshll.u32 v14, $0x7;
	v4 =	vld.idx.msk [tilespmem:v4+s2+$0x0], $0xffff  }
0x259: {  	v53 =	vmin.f32 v44, v45;
	v10 =	vshll.u32 v55, $0x7;
	v7 =	vand.u32 $0xFF00, v7;
	v6 =	vld.idx.msk [tilespmem:v6+s2+$0x0], $0xffff;
	[tilespmem:$0x1FE80] =	vst v62  }
0x25a: {  	s7 =	simm.s32 $0x12A00;
	v10 =	vand.u32 $0xFF00, v10;
	v61 =	vor.u32 v58, v7;
	v15 =	vmin.f32 v12, v8;
	v0 =	vld.idx.msk [tilespmem:v0+s2+$0x0], $0xffff;
	[tilespmem:s1+$0xFFFFFE60] =	vst v2  }
0x25b: {  	v14 =	vadd.s32 s12, v62;
	v7 =	vor.u32 v60, v7;
	v8 =	vmax.f32 v12, v8;
	v3 =	vld.idx.msk [tilespmem:v3+s2+$0x0], $0xffff;
	[tilespmem:s7+$0x100] =	vst v15  }
0x25c: {  	v59 =	vadd.s32 s13, v62;
	v55 =	vor.u32 v58, v10;
	v14 =	vshll.u32 v14, $0x7;
	v1 =	vld.idx.msk [tilespmem:v1+s2+$0x0], $0xffff;
	[tilespmem:s7+$0x180] =	vst v8  }
0x25d: {  	v10 =	vor.u32 v60, v10;
	v12 =	vand.u32 $0xFF00, v14;
	v44 =	vld.idx.msk [tilespmem:v54+s2+$0x0], $0xffff;
	[tilespmem:s1+$0xFFFFFEE0] =	vst v13;
	v56 =	vmin.f32 v5, v4  }
0x25e: {  	v2 =	vshll.u32 v59, $0x7;
	v45 =	vld.idx.msk [tilespmem:v52+s2+$0x0], $0xffff;
	v4 =	vmax.f32 v5, v4;
	v5 =	vor.u32 v58, v12;
	[tilespmem:s7+$0xFFFFFF00] =	vst v56  }
0x25f: {  	v2 =	vand.u32 $0xFF00, v2;
	v59 =	vld.idx.msk [tilespmem:v61+s2+$0x0], $0xffff;
	v61 =	vor.u32 v60, v12;
	[tilespmem:s7+$0xFFFFFF80] =	vst v4;
	v13 =	vmin.f32 v6, v0  }
0x260: {  	v12 =	vor.u32 v58, v2;
	v4 =	vld.idx.msk [tilespmem:v7+s2+$0x0], $0xffff;
	v0 =	vmax.f32 v6, v0;
	[tilespmem:s7+$0x0] =	vst v13  }
0x261: {  	v14 =	vmax.f32 v46, v47;
	v2 =	vor.u32 v60, v2;
	v9 =	vld.idx.msk [tilespmem:v55+s2+$0x0], $0xffff;
	v6 =	vadd.s32 s8, v63;
	[tilespmem:s7+$0x80] =	vst v0  }
0x262: {  	v7 =	vadd.s32 s10, v63;
	v10 =	vld.idx.msk [tilespmem:v10+s2+$0x0], $0xffff;
	v13 =	vmin.f32 v3, v1;
	v0 =	vshll.u32 v6, $0x7;
	[tilespmem:$0x1FE90] =	vst v63  }
0x263: {  	v7 =	vshll.u32 v7, $0x7;
	v1 =	vmax.f32 v3, v1;
	v0 =	vand.u32 $0xFF00, v0;
	[tilespmem:s7+$0xFFFFFE00] =	vst v13;
	v5 =	vld.idx.msk [tilespmem:v5+s2+$0x0], $0xffff  }
0x264: {  	v3 =	vadd.s32 s12, v63;
	v6 =	vadd.s32 s13, v63;
	[tilespmem:s7+$0xFFFFFE80] =	vst v1;
	v62 =	vor.u32 v22, v0;
	v1 =	vld.idx.msk [tilespmem:v61+s2+$0x0], $0xffff  }
0x265: {  	v7 =	vand.u32 $0xFF00, v7;
	v0 =	vor.u32 v17, v0;
	v12 =	vld.idx.msk [tilespmem:v12+s2+$0x0], $0xffff;
	v13 =	vmin.f32 v59, v4  }
0x266: {  	v3 =	vshll.u32 v3, $0x7;
	v54 =	vor.u32 v22, v7;
	v4 =	vmax.f32 v59, v4;
	v2 =	vld.idx.msk [tilespmem:v2+s2+$0x0], $0xffff;
	[tilespmem:s7+$0x110] =	vst v13  }
0x267: {  	v7 =	vor.u32 v17, v7;
	v3 =	vand.u32 $0xFF00, v3;
	v63 =	vmin.f32 v9, v10;
	[tilespmem:s7+$0x190] =	vst v4  }
0x268: {  	v51 =	vld.idx.msk [tilespmem:v51+s2+$0x0], $0xffff;
	v9 =	vmax.f32 v9, v10;
	v4 =	vor.u32 v22, v3;
	[tilespmem:s7+$0xFFFFFF10] =	vst v63  }
0x269: {  	v6 =	vshll.u32 v6, $0x7;
	v3 =	vor.u32 v17, v3;
	[tilespmem:s7+$0xFFFFFF90] =	vst v9;
	v11 =	vld.idx.msk [tilespmem:v62+s2+$0x0], $0xffff;
	v56 =	vmin.f32 v5, v1  }
0x26a: {  	v58 =	vadd.s32 s8, v38;
	v6 =	vand.u32 $0xFF00, v6;
	v0 =	vld.idx.msk [tilespmem:v0+s2+$0x0], $0xffff;
	v1 =	vmax.f32 v5, v1;
	[tilespmem:s7+$0x10] =	vst v56  }
0x26b: {  	v60 =	vadd.s32 s13, v38;
	v50 =	vld.idx.msk [tilespmem:v50+s2+$0x0], $0xffff;
	v55 =	vor.u32 v22, v6;
	v59 =	vmin.f32 v12, v2;
	[tilespmem:s7+$0x90] =	vst v1  }
0x26c: {  	v6 =	vor.u32 v17, v6;
	v10 =	vshll.u32 v60, $0x7;
	v9 =	vshll.u32 v58, $0x7;
	v7 =	vld.idx.msk [tilespmem:v7+s2+$0x0], $0xffff;
	[tilespmem:s7+$0xFFFFFE10] =	vst v59  }
0x26d: {  	v9 =	vand.u32 $0xFF00, v9;
	v5 =	vld.idx.msk [tilespmem:v54+s2+$0x0], $0xffff;
	v2 =	vmax.f32 v12, v2;
	v12 =	vadd.s32 s10, v38;
	[tilespmem:$0x1FEA0] =	vst v38  }
0x26e: {  	v1 =	vadd.s32 s12, v38;
	v12 =	vshll.u32 v12, $0x7;
	[tilespmem:s7+$0xFFFFFE90] =	vst v2;
	v2 =	vld.idx.msk [tilespmem:v3+s2+$0x0], $0xffff;
	v3 =	vor.u32 v24, v9  }
0x26f: {  	v12 =	vand.u32 $0xFF00, v12;
	v4 =	vld.idx.msk [tilespmem:v4+s2+$0x0], $0xffff;
	v9 =	vor.u32 v25, v9;
	v13 =	vmin.f32 v11, v0  }
0x270: {  	v10 =	vand.u32 $0xFF00, v10;
	v1 =	vshll.u32 v1, $0x7;
	v8 =	vld.idx.msk [tilespmem:v55+s2+$0x0], $0xffff;
	[tilespmem:s7+$0x120] =	vst v13;
	v13 =	vor.u32 v24, v12  }
0x271: {  	[tilespmem:s5+$0x1F0] =	vst v14;
	v1 =	vand.u32 $0xFF00, v1;
	v6 =	vld.idx.msk [tilespmem:v6+s2+$0x0], $0xffff;
	v0 =	vmax.f32 v11, v0;
	v12 =	vor.u32 v25, v12  }
0x272: {  	v61 =	vmin.f32 v5, v7;
	v5 =	vmax.f32 v5, v7;
	v7 =	vor.u32 v24, v1;
	[tilespmem:s7+$0x1A0] =	vst v0  }
0x273: {  	v1 =	vor.u32 v25, v1;
	v0 =	vor.u32 v24, v10;
	[tilespmem:s7+$0xFFFFFF20] =	vst v61;
	v3 =	vld.idx.msk [tilespmem:v3+s2+$0x0], $0xffff  }
0x274: {  	v62 =	vadd.s32 s8, v21;
	[tilespmem:s7+$0xFFFFFFA0] =	vst v5;
	v5 =	vmin.f32 v4, v2;
	v2 =	vmax.f32 v4, v2;
	v4 =	vld.idx.msk [tilespmem:v9+s2+$0x0], $0xffff  }
0x275: {  	v10 =	vor.u32 v25, v10;
	v9 =	vshll.u32 v62, $0x7;
	[tilespmem:s7+$0x20] =	vst v5;
	v13 =	vld.idx.msk [tilespmem:v13+s2+$0x0], $0xffff  }
0x276: {  	v63 =	vadd.s32 s10, v21;
	v5 =	vmin.f32 v8, v6;
	[tilespmem:s7+$0xA0] =	vst v2;
	v2 =	vand.u32 $0xFF00, v9;
	v12 =	vld.idx.msk [tilespmem:v12+s2+$0x0], $0xffff  }
0x277: {  	v11 =	vshll.u32 v63, $0x7;
	v6 =	vmax.f32 v8, v6;
	[tilespmem:s7+$0xFFFFFE20] =	vst v5;
	v5 =	vld.idx.msk [tilespmem:v7+s2+$0x0], $0xffff;
	v7 =	vor.u32 v26, v2  }
0x278: {  	v38 =	vadd.s32 s12, v21;
	[tilespmem:s7+$0xFFFFFEA0] =	vst v6;
	v1 =	vld.idx.msk [tilespmem:v1+s2+$0x0], $0xffff;
	v2 =	vor.u32 v27, v2;
	v6 =	vand.u32 $0xFF00, v11  }
0x279: {  	[tilespmem:s1+$0x170] =	vst v53;
	v8 =	vshll.u32 v38, $0x7;
	v0 =	vld.idx.msk [tilespmem:v0+s2+$0x0], $0xffff;
	v14 =	vor.u32 v26, v6;
	v53 =	vmin.f32 v3, v4  }
0x27a: {  	v8 =	vand.u32 $0xFF00, v8;
	v10 =	vld.idx.msk [tilespmem:v10+s2+$0x0], $0xffff;
	v3 =	vmax.f32 v3, v4;
	v4 =	vor.u32 v27, v6;
	[tilespmem:s7+$0x130] =	vst v53  }
0x27b: {  	v52 =	vadd.s32 s13, v21;
	v15 =	vld.idx.msk [tilespmem:v43+s2+$0x0], $0xffff;
	v6 =	vor.u32 v26, v8;
	[tilespmem:s7+$0x1B0] =	vst v3;
	v56 =	vmin.f32 v13, v12  }
0x27c: {  	v9 =	vshll.u32 v52, $0x7;
	v3 =	vor.u32 v27, v8;
	v7 =	vld.idx.msk [tilespmem:v7+s2+$0x0], $0xffff;
	v12 =	vmax.f32 v13, v12;
	[tilespmem:s7+$0xFFFFFF30] =	vst v56  }
0x27d: {  	v60 =	vmax.f32 v48, v44;
	v9 =	vand.u32 $0xFF00, v9;
	v2 =	vld.idx.msk [tilespmem:v2+s2+$0x0], $0xffff;
	[tilespmem:s7+$0xFFFFFFB0] =	vst v12;
	v12 =	vmin.f32 v5, v1  }
0x27e: {  	v59 =	vadd.s32 s8, v20;
	v54 =	vor.u32 v26, v9;
	v1 =	vmax.f32 v5, v1;
	v14 =	vld.idx.msk [tilespmem:v14+s2+$0x0], $0xffff;
	[tilespmem:s7+$0x30] =	vst v12  }
0x27f: {  	v12 =	vmin.f32 v0, v10;
	v0 =	vmax.f32 v0, v10;
	[tilespmem:s7+$0xB0] =	vst v1;
	v10 =	vshll.u32 v59, $0x7;
	v4 =	vld.idx.msk [tilespmem:v4+s2+$0x0], $0xffff  }
0x280: {  	v55 =	vor.u32 v27, v9;
	v13 =	vadd.s32 s10, v20;
	v6 =	vld.idx.msk [tilespmem:v6+s2+$0x0], $0xffff;
	v10 =	vand.u32 $0xFF00, v10  }
0x281: {  	v5 =	vadd.s32 s12, v20;
	v13 =	vshll.u32 v13, $0x7;
	[tilespmem:s7+$0xFFFFFEB0] =	vst v0;
	v0 =	vld.idx.msk [tilespmem:v3+s2+$0x0], $0xffff;
	v3 =	vor.u32 v28, v10  }
0x282: {  	v42 =	vld.idx.msk [tilespmem:v42+s2+$0x0], $0xffff;
	v5 =	vshll.u32 v5, $0x7;
	[tilespmem:s7+$0xFFFFFE30] =	vst v12;
	v12 =	vand.u32 $0xFF00, v13;
	v10 =	vor.u32 v29, v10  }
0x283: {  	[tilespmem:s5+$0xFFFFFFE0] =	vst v60;
	v5 =	vand.u32 $0xFF00, v5;
	v11 =	vld.idx.msk [tilespmem:v54+s2+$0x0], $0xffff;
	v13 =	vmin.f32 v7, v2;
	v2 =	vmax.f32 v7, v2  }
0x284: {  	[tilespmem:s7+$0x140] =	vst v13;
	v7 =	vmin.f32 v14, v4;
	v4 =	vmax.f32 v14, v4;
	v14 =	vor.u32 v28, v5  }
0x285: {  	v35 =	vor.u32 v23, v36;
	v8 =	vld.idx.msk [tilespmem:v55+s2+$0x0], $0xffff;
	[tilespmem:s7+$0x1C0] =	vst v2;
	v5 =	vor.u32 v29, v5  }
0x286: {  	v36 =	vor.u32 v18, v36;
	[tilespmem:s7+$0xFFFFFF40] =	vst v7;
	v7 =	vmin.f32 v6, v0;
	v3 =	vld.idx.msk [tilespmem:v3+s2+$0x0], $0xffff  }
0x287: {  	v13 =	vor.u32 v28, v12;
	v0 =	vmax.f32 v6, v0;
	v10 =	vld.idx.msk [tilespmem:v10+s2+$0x0], $0xffff;
	[tilespmem:s7+$0x40] =	vst v7  }
0x288: {  	v58 =	vadd.s32 s10, v19;
	v61 =	vadd.s32 s13, v19;
	v12 =	vor.u32 v29, v12;
	[tilespmem:s7+$0xC0] =	vst v0  }
0x289: {  	v62 =	vshll.u32 v61, $0x7;
	v1 =	vadd.s32 s13, v20;
	[tilespmem:s7+$0xFFFFFFC0] =	vst v4;
	v4 =	vmin.f32 v48, v44;
	v14 =	vld.idx.msk [tilespmem:v14+s2+$0x0], $0xffff  }
0x28a: {  	v60 =	vmax.f32 v15, v42;
	v1 =	vshll.u32 v1, $0x7;
	v0 =	vmin.f32 v11, v8;
	[tilespmem:s5+$0xFFFFFF60] =	vst v4;
	v5 =	vld.idx.msk [tilespmem:v5+s2+$0x0], $0xffff  }
0x28b: {  	v49 =	vld.idx.msk [tilespmem:v49+s2+$0x0], $0xffff;
	v61 =	vmin.f32 v46, v47;
	v1 =	vand.u32 $0xFF00, v1;
	v8 =	vmax.f32 v11, v8;
	[tilespmem:s7+$0xFFFFFE40] =	vst v0  }
0x28c: {  	v63 =	vadd.s32 s8, v19;
	v2 =	vor.u32 v28, v1;
	v13 =	vld.idx.msk [tilespmem:v13+s2+$0x0], $0xffff;
	[tilespmem:s7+$0xFFFFFEC0] =	vst v8;
	v4 =	vmin.f32 v3, v10  }
0x28d: {  	v38 =	vadd.s32 s10, v31;
	v1 =	vor.u32 v29, v1;
	v12 =	vld.idx.msk [tilespmem:v12+s2+$0x0], $0xffff;
	v3 =	vmax.f32 v3, v10;
	[tilespmem:s7+$0x150] =	vst v4  }
0x28e: {  	v9 =	vand.u32 $0xFF00, v62;
	v62 =	vmin.f32 v15, v42;
	v7 =	vshll.u32 v58, $0x7;
	[tilespmem:s7+$0x1D0] =	vst v3  }
0x28f: {  	v7 =	vand.u32 $0xFF00, v7;
	v3 =	vmin.f32 v14, v5;
	v14 =	vmax.f32 v14, v5;
	v5 =	vld [tilespmem:$0x1FEB0]  }
0x290: {  	v41 =	vld.idx.msk [tilespmem:v41+s2+$0x0], $0xffff;
	v54 =	vmin.f32 v50, v49;
	v6 =	vadd.s32 s12, v19;
	v11 =	vor.u32 v30, v7  }
0x291: {  	v44 =	vshll.u32 v63, $0x7;
	v0 =	vmin.f32 v45, v51;
	v7 =	vor.u32 v57, v7;
	v2 =	vld.idx.msk [tilespmem:v2+s2+$0x0], $0xffff  }
0x292: {  	v45 =	vmax.f32 v45, v51;
	v51 =	vand.u32 $0xFF00, v44;
	v1 =	vld.idx.msk [tilespmem:v1+s2+$0x0], $0xffff;
	v4 =	vmin.f32 v13, v12  }
0x293: {  	v52 =	vld.idx.msk [tilespmem:v40+s2+$0x0], $0xffff;
	v6 =	vshll.u32 v6, $0x7;
	v12 =	vmax.f32 v13, v12;
	v13 =	vor.u32 v30, v51;
	[tilespmem:s7+$0xFFFFFF50] =	vst v4  }
0x294: {  	v15 =	vld.idx.msk [tilespmem:v39+s2+$0x0], $0xffff;
	v55 =	vmax.f32 v50, v49;
	v6 =	vand.u32 $0xFF00, v6;
	v43 =	vor.u32 v57, v51;
	[tilespmem:s7+$0xFFFFFFD0] =	vst v12  }
0x295: {  	v50 =	vadd.s32 s8, v31;
	v10 =	vor.u32 v30, v6;
	[tilespmem:s7+$0x50] =	vst v3;
	v3 =	vshll.u32 v38, $0x7;
	v38 =	vld.idx.msk [tilespmem:v11+s2+$0x0], $0xffff  }
0x296: {  	v48 =	vor.u32 v30, v9;
	v6 =	vor.u32 v57, v6;
	v4 =	vadd.s32 s13, v31;
	[tilespmem:s5+$0x60] =	vst v0;
	v40 =	vld.idx.msk [tilespmem:v7+s2+$0x0], $0xffff  }
0x297: {  	v12 =	vmin.f32 v2, v1;
	v1 =	vmax.f32 v2, v1;
	v2 =	vadd.s32 s12, v31;
	[tilespmem:s5+$0xE0] =	vst v45;
	v49 =	vld.idx.msk [tilespmem:v5+s2+$0x0], $0xffff  }
0x298: {  	v9 =	vor.u32 v57, v9;
	v2 =	vshll.u32 v2, $0x7;
	[tilespmem:s7+$0xD0] =	vst v14;
	v5 =	vshll.u32 v4, $0x7;
	v4 =	vld.idx.msk [tilespmem:v13+s2+$0x0], $0xffff  }
0x299: {  	[tilespmem:s7+$0xFFFFFE50] =	vst v12;
	v7 =	vshll.u32 v50, $0x7;
	v3 =	vand.u32 $0xFF00, v3;
	v13 =	vand.u32 $0xFF00, v5;
	v5 =	vld.idx.msk [tilespmem:v43+s2+$0x0], $0xffff  }
0x29a: {  	[tilespmem:s7+$0xFFFFFED0] =	vst v1;
	v53 =	vand.u32 $0xFF00, v2;
	v2 =	vmin.f32 v41, v52;
	v39 =	vld.idx.msk [tilespmem:v10+s2+$0x0], $0xffff;
	v7 =	vand.u32 $0xFF00, v7  }
0x29b: {  	v42 =	vld.idx.msk [tilespmem:v6+s2+$0x0], $0xffff;
	v59 =	vor.u32 v23, v3;
	v58 =	vor.u32 v18, v3;
	v3 =	vmax.f32 v41, v52  }
0x29c: {  	v57 =	vor.u32 v23, v53;
	v52 =	vor.u32 v18, v53;
	v44 =	vor.u32 v23, v7;
	v41 =	vld.idx.msk [tilespmem:v48+s2+$0x0], $0xffff  }
0x29d: {  	v46 =	vor.u32 v18, v7;
	v43 =	vld.idx.msk [tilespmem:v9+s2+$0x0], $0xffff;
	v56 =	vor.u32 v23, v13;
	v53 =	vor.u32 v18, v13  }
0x29e: {  	s9 =	simm.s32 $0x18;
	s8 =	simm.s32 $0x8;
	v1 =	vmin.f32 v49, v15;
	v63 =	vmax.f32 v49, v15;
	v15 =	vmovc v18;
	v45 =	vmin.f32 v4, v5  }
.LBB2_5:
0x29f: {  	v8 =	vld [tilespmem:$0x1FE70]  }
0x2a0: {  	v14 =	vld [tilespmem:$0x1FE80]  }
0x2a1: {  	[tilespmem:s7+$0x160] =	vst v45;
	v45 =	vld.idx.msk [tilespmem:v33+s2+$0x0], $0xffff  }
0x2a2: {  	v50 =	vld.idx.msk [tilespmem:v32+s2+$0x0], $0xffff  }
0x2a3: {  	v12 =	vld [tilespmem:$0x1FFE0]  }
0x2a4: {  	s12 =	sadd.s32 $0x2, s9;
	s11 =	sadd.s32 $0x4, s9;
	s10 =	sadd.s32 $0x6, s9;
	v4 =	vmax.f32 v4, v5;
	[tilespmem:s5+$0xFFFFFE60] =	vst v54;
	v48 =	vld.idx.msk [tilespmem:v35+s2+$0x0], $0xffff;
	v0 =	vadd.s32 s9, v8  }
0x2a5: {  	v49 =	vld.idx.msk [tilespmem:v36+s2+$0x0], $0xffff;
	v5 =	vadd.s32 s12, v8;
	v7 =	vadd.s32 s11, v8;
	v8 =	vadd.s32 s10, v8  }
0x2a6: {  	v17 =	vld [tilespmem:$0x1FFF0];
	[tilespmem:s7+$0x1E0] =	vst v4;
	v4 =	vshll.u32 v5, $0x7;
	v5 =	vshll.u32 v7, $0x7;
	v7 =	vshll.u32 v8, $0x7  }
0x2a7: {  	[tilespmem:s5+$0xFFFFFEE0] =	vst v55;
	v18 =	vld [tilespmem:$0x1FE90];
	v7 =	vand.u32 $0xFF00, v7  }
0x2a8: {  	v47 =	vld.idx.msk [tilespmem:v34+s2+$0x0], $0xffff;
	v55 =	vor.u32 v16, v7  }
0x2a9: {  	v51 =	vld.idx.msk [tilespmem:v37+s2+$0x0], $0xffff;
	v6 =	vadd.s32 s9, v14;
	v4 =	vand.u32 $0xFF00, v4;
	v7 =	vor.u32 v12, v7  }
0x2aa: {  	v44 =	vld.idx.msk [tilespmem:v44+s2+$0x0], $0xffff;
	v13 =	vadd.s32 s11, v14;
	v0 =	vshll.u32 v0, $0x7;
	v9 =	vor.u32 v16, v4  }
0x2ab: {  	v46 =	vld.idx.msk [tilespmem:v46+s2+$0x0], $0xffff;
	v0 =	vand.u32 $0xFF00, v0;
	v5 =	vand.u32 $0xFF00, v5;
	v4 =	vor.u32 v12, v4  }
0x2ac: {  	[tilespmem:s1+$0xFFFFFE70] =	vst v1;
	v1 =	vadd.s32 s12, v18;
	v10 =	vor.u32 v16, v0;
	v11 =	vor.u32 v16, v5;
	v16 =	vld [tilespmem:$0x1FFD0]  }
0x2ad: {  	v33 =	vmovc v59;
	[tilespmem:s1+$0xFFFFFF70] =	vst v62;
	v59 =	vadd.s32 s11, v18;
	v6 =	vshll.u32 v6, $0x7;
	v13 =	vshll.u32 v13, $0x7;
	v8 =	vld.idx.msk [tilespmem:v55+s2+$0x0], $0xffff  }
0x2ae: {  	[tilespmem:s1+$0xFFFFFFF0] =	vst v60;
	v5 =	vor.u32 v12, v5;
	v0 =	vor.u32 v12, v0;
	v12 =	vadd.s32 s12, v14;
	v7 =	vld.idx.msk [tilespmem:v7+s2+$0x0], $0xffff  }
0x2af: {  	v32 =	vmovc v58;
	[tilespmem:s1+$0xF0] =	vst v3;
	v3 =	vand.u32 $0xFF00, v6;
	v14 =	vadd.s32 s10, v14;
	v12 =	vshll.u32 v12, $0x7;
	v9 =	vld.idx.msk [tilespmem:v9+s2+$0x0], $0xffff  }
0x2b0: {  	[tilespmem:s1+$0x70] =	vst v2;
	v36 =	vmovc v52;
	v60 =	vmovc v15;
	v14 =	vshll.u32 v14, $0x7;
	v2 =	vand.u32 $0xFF00, v12;
	v12 =	vand.u32 $0xFF00, v13;
	v4 =	vld.idx.msk [tilespmem:v4+s2+$0x0], $0xffff  }
0x2b1: {  	v34 =	vmovc v56;
	v13 =	vmax.f32 v44, v46;
	v14 =	vand.u32 $0xFF00, v14;
	v6 =	vor.u32 v16, v2;
	v11 =	vld.idx.msk [tilespmem:v11+s2+$0x0], $0xffff  }
0x2b2: {  	[tilespmem:s7+$0x1F0] =	vst v13;
	v13 =	vor.u32 v16, v12;
	v15 =	vor.u32 v16, v3;
	v62 =	vor.u32 v16, v14;
	v16 =	vld [tilespmem:$0x1FFA0]  }
0x2b3: {  	v37 =	vmovc v53;
	[tilespmem:s1+$0xFFFFFEF0] =	vst v63;
	v1 =	vshll.u32 v1, $0x7;
	v52 =	vshll.u32 v59, $0x7;
	v5 =	vld.idx.msk [tilespmem:v5+s2+$0x0], $0xffff;
	v14 =	vor.u32 v17, v14  }
0x2b4: {  	s1 =	smov.u32 s5;
	v1 =	vand.u32 $0xFF00, v1;
	v2 =	vor.u32 v17, v2;
	[tilespmem:s5+$0x170] =	vst v61;
	s5 =	smov.u32 s7;
	v10 =	vld.idx.msk [tilespmem:v10+s2+$0x0], $0xffff;
	s7 =	sadd.s32 $0x400, s7;
	v63 =	vmin.f32 v8, v7  }
0x2b5: {  	v52 =	vand.u32 $0xFF00, v52;
	v12 =	vor.u32 v17, v12;
	v0 =	vld.idx.msk [tilespmem:v0+s2+$0x0], $0xffff;
	v7 =	vmax.f32 v8, v7;
	[tilespmem:s7+$0x100] =	vst v63  }
0x2b6: {  	v3 =	vor.u32 v17, v3;
	v17 =	vld [tilespmem:$0x1FEA0];
	v58 =	vmin.f32 v9, v4;
	v4 =	vmax.f32 v9, v4;
	[tilespmem:s7+$0x180] =	vst v7  }
0x2b7: {  	v61 =	vadd.s32 s9, v18;
	v8 =	vor.u32 v22, v52;
	v9 =	vor.u32 v16, v52;
	[tilespmem:s7+$0xFFFFFF00] =	vst v58;
	v52 =	vld.idx.msk [tilespmem:v62+s2+$0x0], $0xffff  }
0x2b8: {  	v56 =	vor.u32 v22, v1;
	v53 =	vshll.u32 v61, $0x7;
	[tilespmem:s7+$0xFFFFFF80] =	vst v4;
	v4 =	vmin.f32 v11, v5;
	v14 =	vld.idx.msk [tilespmem:v14+s2+$0x0], $0xffff  }
0x2b9: {  	v53 =	vand.u32 $0xFF00, v53;
	v5 =	vmax.f32 v11, v5;
	v6 =	vld.idx.msk [tilespmem:v6+s2+$0x0], $0xffff;
	[tilespmem:s7+$0x0] =	vst v4;
	v4 =	vadd.s32 s10, v18  }
0x2ba: {  	v54 =	vor.u32 v22, v53;
	v61 =	vmin.f32 v10, v0;
	v2 =	vld.idx.msk [tilespmem:v2+s2+$0x0], $0xffff;
	[tilespmem:s7+$0x80] =	vst v5;
	v4 =	vshll.u32 v4, $0x7  }
0x2bb: {  	v0 =	vmax.f32 v10, v0;
	v5 =	vadd.s32 s9, v17;
	v62 =	vld.idx.msk [tilespmem:v13+s2+$0x0], $0xffff;
	v4 =	vand.u32 $0xFF00, v4  }
0x2bc: {  	v1 =	vor.u32 v16, v1;
	[tilespmem:s7+$0xFFFFFE80] =	vst v0;
	v0 =	vshll.u32 v5, $0x7;
	v5 =	vld.idx.msk [tilespmem:v12+s2+$0x0], $0xffff;
	v12 =	vor.u32 v22, v4  }
0x2bd: {  	v59 =	vadd.s32 s11, v17;
	[tilespmem:s7+$0xFFFFFE00] =	vst v61;
	v4 =	vor.u32 v16, v4;
	v63 =	vmin.f32 v52, v14  }
0x2be: {  	v53 =	vor.u32 v16, v53;
	v10 =	vadd.s32 s11, v21;
	v14 =	vmax.f32 v52, v14;
	[tilespmem:s7+$0x110] =	vst v63  }
0x2bf: {  	v7 =	vadd.s32 s12, v17;
	v11 =	vshll.u32 v59, $0x7;
	v3 =	vld.idx.msk [tilespmem:v3+s2+$0x0], $0xffff;
	v59 =	vmin.f32 v6, v2;
	[tilespmem:s7+$0x190] =	vst v14  }
0x2c0: {  	v61 =	vadd.s32 s9, v21;
	v10 =	vshll.u32 v10, $0x7;
	v13 =	vld.idx.msk [tilespmem:v15+s2+$0x0], $0xffff;
	v2 =	vmax.f32 v6, v2;
	[tilespmem:s7+$0xFFFFFF10] =	vst v59  }
0x2c1: {  	v7 =	vshll.u32 v7, $0x7;
	v11 =	vand.u32 $0xFF00, v11;
	[tilespmem:s7+$0xFFFFFF90] =	vst v2;
	v2 =	vmin.f32 v62, v5;
	v12 =	vld.idx.msk [tilespmem:v12+s2+$0x0], $0xffff  }
0x2c2: {  	v18 =	vmax.f32 v39, v42;
	v7 =	vand.u32 $0xFF00, v7;
	[tilespmem:s7+$0x10] =	vst v2;
	v2 =	vadd.s32 s10, v17;
	v4 =	vld.idx.msk [tilespmem:v4+s2+$0x0], $0xffff  }
0x2c3: {  	v35 =	vmovc v57;
	v57 =	vor.u32 v24, v11;
	v5 =	vmax.f32 v62, v5;
	v62 =	vld.idx.msk [tilespmem:v56+s2+$0x0], $0xffff;
	v2 =	vshll.u32 v2, $0x7  }
0x2c4: {  	v0 =	vand.u32 $0xFF00, v0;
	v15 =	vor.u32 v24, v7;
	v1 =	vld.idx.msk [tilespmem:v1+s2+$0x0], $0xffff;
	v2 =	vand.u32 $0xFF00, v2  }
0x2c5: {  	v63 =	vmin.f32 v13, v3;
	v3 =	vmax.f32 v13, v3;
	[tilespmem:s7+$0x90] =	vst v5;
	v13 =	vor.u32 v24, v2  }
0x2c6: {  	v7 =	vor.u32 v25, v7;
	v14 =	vadd.s32 s12, v21;
	[tilespmem:s7+$0xFFFFFE10] =	vst v63;
	v8 =	vld.idx.msk [tilespmem:v8+s2+$0x0], $0xffff;
	v2 =	vor.u32 v25, v2  }
0x2c7: {  	v14 =	vshll.u32 v14, $0x7;
	v5 =	vshll.u32 v61, $0x7;
	[tilespmem:s7+$0xFFFFFE90] =	vst v3;
	v9 =	vld.idx.msk [tilespmem:v9+s2+$0x0], $0xffff;
	v61 =	vmin.f32 v12, v4  }
0x2c8: {  	v6 =	vor.u32 v25, v11;
	v3 =	vand.u32 $0xFF00, v14;
	v14 =	vld.idx.msk [tilespmem:v54+s2+$0x0], $0xffff;
	v4 =	vmax.f32 v12, v4;
	[tilespmem:s7+$0x120] =	vst v61  }
0x2c9: {  	v10 =	vand.u32 $0xFF00, v10;
	v11 =	vor.u32 v24, v0;
	v53 =	vld.idx.msk [tilespmem:v53+s2+$0x0], $0xffff;
	v12 =	vmin.f32 v62, v1;
	[tilespmem:s7+$0x1A0] =	vst v4  }
0x2ca: {  	v0 =	vor.u32 v25, v0;
	v63 =	vadd.s32 s9, v20;
	v1 =	vmax.f32 v62, v1;
	[tilespmem:s7+$0xFFFFFF20] =	vst v12;
	v13 =	vld.idx.msk [tilespmem:v13+s2+$0x0], $0xffff  }
0x2cb: {  	v17 =	vmin.f32 v39, v42;
	v5 =	vand.u32 $0xFF00, v5;
	v54 =	vor.u32 v26, v10;
	[tilespmem:s7+$0xFFFFFFA0] =	vst v1;
	v2 =	vld.idx.msk [tilespmem:v2+s2+$0x0], $0xffff  }
0x2cc: {  	v10 =	vor.u32 v27, v10;
	v1 =	vmin.f32 v8, v9;
	v8 =	vmax.f32 v8, v9;
	v9 =	vld.idx.msk [tilespmem:v15+s2+$0x0], $0xffff  }
0x2cd: {  	v52 =	vor.u32 v26, v3;
	v3 =	vor.u32 v27, v3;
	v62 =	vadd.s32 s11, v20;
	[tilespmem:s7+$0x20] =	vst v1;
	v7 =	vld.idx.msk [tilespmem:v7+s2+$0x0], $0xffff  }
0x2ce: {  	v61 =	vmin.f32 v14, v53;
	v14 =	vmax.f32 v14, v53;
	v15 =	vadd.s32 s10, v21;
	[tilespmem:s7+$0xA0] =	vst v8  }
0x2cf: {  	v1 =	vshll.u32 v62, $0x7;
	[tilespmem:s7+$0xFFFFFE20] =	vst v61;
	v62 =	vshll.u32 v15, $0x7;
	v15 =	vshll.u32 v63, $0x7;
	v63 =	vld.idx.msk [tilespmem:v57+s2+$0x0], $0xffff  }
0x2d0: {  	v58 =	vor.u32 v26, v5;
	v5 =	vor.u32 v27, v5;
	[tilespmem:s7+$0xFFFFFEA0] =	vst v14;
	v6 =	vld.idx.msk [tilespmem:v6+s2+$0x0], $0xffff;
	v8 =	vand.u32 $0xFF00, v62  }
0x2d1: {  	v11 =	vld.idx.msk [tilespmem:v11+s2+$0x0], $0xffff;
	v14 =	vand.u32 $0xFF00, v15;
	v15 =	vor.u32 v26, v8;
	v61 =	vmin.f32 v13, v2  }
0x2d2: {  	v8 =	vor.u32 v27, v8;
	v2 =	vmax.f32 v13, v2;
	v13 =	vmin.f32 v9, v7;
	[tilespmem:s7+$0x130] =	vst v61  }
0x2d3: {  	v4 =	vadd.s32 s12, v20;
	v0 =	vld.idx.msk [tilespmem:v0+s2+$0x0], $0xffff;
	v62 =	vadd.s32 s11, v19;
	v7 =	vmax.f32 v9, v7;
	[tilespmem:s7+$0xFFFFFF30] =	vst v13  }
0x2d4: {  	v12 =	vadd.s32 s12, v19;
	v4 =	vshll.u32 v4, $0x7;
	v9 =	vshll.u32 v62, $0x7;
	v62 =	vld [tilespmem:$0x1FFB0];
	[tilespmem:s7+$0xFFFFFFB0] =	vst v7  }
0x2d5: {  	v12 =	vshll.u32 v12, $0x7;
	v4 =	vand.u32 $0xFF00, v4;
	v1 =	vand.u32 $0xFF00, v1;
	[tilespmem:s7+$0x1B0] =	vst v2;
	v3 =	vld.idx.msk [tilespmem:v3+s2+$0x0], $0xffff  }
0x2d6: {  	v12 =	vand.u32 $0xFF00, v12;
	v55 =	vor.u32 v28, v4;
	v7 =	vmin.f32 v63, v6;
	v13 =	vld.idx.msk [tilespmem:v15+s2+$0x0], $0xffff  }
0x2d7: {  	v56 =	vor.u32 v28, v1;
	v2 =	vadd.s32 s9, v19;
	v6 =	vmax.f32 v63, v6;
	[tilespmem:s7+$0x30] =	vst v7;
	v8 =	vld.idx.msk [tilespmem:v8+s2+$0x0], $0xffff  }
0x2d8: {  	v63 =	vadd.s32 s10, v20;
	v57 =	vmin.f32 v11, v0;
	v0 =	vmax.f32 v11, v0;
	[tilespmem:s7+$0xB0] =	vst v6;
	v15 =	vld.idx.msk [tilespmem:v52+s2+$0x0], $0xffff  }
0x2d9: {  	v2 =	vshll.u32 v2, $0x7;
	v7 =	vand.u32 $0xFF00, v9;
	v6 =	vshll.u32 v63, $0x7;
	v11 =	vld.idx.msk [tilespmem:v54+s2+$0x0], $0xffff  }
0x2da: {  	v9 =	vor.u32 v30, v12;
	v2 =	vand.u32 $0xFF00, v2;
	v6 =	vand.u32 $0xFF00, v6;
	v10 =	vld.idx.msk [tilespmem:v10+s2+$0x0], $0xffff  }
0x2db: {  	[tilespmem:s7+$0xFFFFFE30] =	vst v57;
	v52 =	vor.u32 v28, v6;
	v6 =	vor.u32 v29, v6;
	v63 =	vor.u32 v30, v2  }
0x2dc: {  	[tilespmem:s7+$0xFFFFFEB0] =	vst v0;
	v0 =	vor.u32 v62, v12;
	v16 =	vor.u32 v62, v2;
	v2 =	vmin.f32 v13, v8  }
0x2dd: {  	v53 =	vld.idx.msk [tilespmem:v58+s2+$0x0], $0xffff;
	v12 =	vadd.s32 s12, v31;
	v58 =	vmin.f32 v15, v3;
	v3 =	vmax.f32 v15, v3;
	[tilespmem:s7+$0x140] =	vst v2  }
0x2de: {  	v1 =	vor.u32 v29, v1;
	v5 =	vld.idx.msk [tilespmem:v5+s2+$0x0], $0xffff;
	v12 =	vshll.u32 v12, $0x7;
	v2 =	vmax.f32 v13, v8;
	[tilespmem:s7+$0xFFFFFFC0] =	vst v3  }
0x2df: {  	v4 =	vor.u32 v29, v4;
	v3 =	vand.u32 $0xFF00, v12;
	v12 =	vmin.f32 v11, v10;
	[tilespmem:s7+$0x1C0] =	vst v2  }
0x2e0: {  	v59 =	vor.u32 v28, v14;
	v10 =	vmax.f32 v11, v10;
	[tilespmem:s7+$0x40] =	vst v12;
	v13 =	vld.idx.msk [tilespmem:v52+s2+$0x0], $0xffff  }
0x2e1: {  	v14 =	vor.u32 v29, v14;
	v57 =	vadd.s32 s11, v31;
	v12 =	vadd.s32 s10, v19;
	[tilespmem:s7+$0xC0] =	vst v10;
	v6 =	vld.idx.msk [tilespmem:v6+s2+$0x0], $0xffff  }
0x2e2: {  	v61 =	vor.u32 v30, v7;
	v54 =	vadd.s32 s9, v31;
	[tilespmem:s7+$0xFFFFFF40] =	vst v58;
	v58 =	vshll.u32 v12, $0x7;
	v12 =	vld.idx.msk [tilespmem:v56+s2+$0x0], $0xffff  }
0x2e3: {  	v15 =	vmin.f32 v38, v40;
	v8 =	vshll.u32 v57, $0x7;
	v57 =	vmin.f32 v53, v5;
	v1 =	vld.idx.msk [tilespmem:v1+s2+$0x0], $0xffff  }
0x2e4: {  	v38 =	vmax.f32 v38, v40;
	v5 =	vmax.f32 v53, v5;
	v2 =	vshll.u32 v54, $0x7;
	v11 =	vld.idx.msk [tilespmem:v55+s2+$0x0], $0xffff;
	[tilespmem:s7+$0xFFFFFE40] =	vst v57  }
0x2e5: {  	v4 =	vld.idx.msk [tilespmem:v4+s2+$0x0], $0xffff;
	v54 =	vmin.f32 v41, v43;
	[tilespmem:s7+$0xFFFFFEC0] =	vst v5;
	v55 =	vmax.f32 v41, v43;
	v2 =	vand.u32 $0xFF00, v2  }
0x2e6: {  	[tilespmem:s5+$0xFFFFFF60] =	vst v15;
	v43 =	vld.idx.msk [tilespmem:v59+s2+$0x0], $0xffff;
	v59 =	vor.u32 v23, v3;
	v10 =	vand.u32 $0xFF00, v58;
	v58 =	vor.u32 v60, v3  }
0x2e7: {  	[tilespmem:s5+$0xFFFFFFE0] =	vst v38;
	v56 =	vor.u32 v23, v2;
	v42 =	vor.u32 v30, v10;
	v3 =	vmin.f32 v13, v6  }
0x2e8: {  	v53 =	vor.u32 v60, v2;
	v10 =	vor.u32 v62, v10;
	v2 =	vmin.f32 v12, v1;
	[tilespmem:s7+$0x150] =	vst v3  }
0x2e9: {  	v5 =	vand.u32 $0xFF00, v8;
	v14 =	vld.idx.msk [tilespmem:v14+s2+$0x0], $0xffff;
	v1 =	vmax.f32 v12, v1;
	[tilespmem:s7+$0x50] =	vst v2  }
0x2ea: {  	v7 =	vor.u32 v62, v7;
	v57 =	vor.u32 v23, v5;
	v3 =	vmax.f32 v13, v6;
	[tilespmem:s7+$0xD0] =	vst v1  }
0x2eb: {  	v52 =	vor.u32 v60, v5;
	v5 =	vmin.f32 v11, v4;
	[tilespmem:s7+$0x1D0] =	vst v3;
	v39 =	vld.idx.msk [tilespmem:v61+s2+$0x0], $0xffff  }
0x2ec: {  	[tilespmem:s7+$0xFFFFFF50] =	vst v5;
	v6 =	vmax.f32 v11, v4;
	v4 =	vld.idx.msk [tilespmem:v42+s2+$0x0], $0xffff  }
0x2ed: {  	s8 =	sadd.s32 $0x4, s8;
	v15 =	vmov v60;
	[tilespmem:s7+$0xFFFFFFD0] =	vst v6;
	v5 =	vld.idx.msk [tilespmem:v10+s2+$0x0], $0xffff  }
0x2ee: {  	p0 =	slt.u32 s8, $0x1C;
	v60 =	vmax.f32 v45, v50;
	v62 =	vmin.f32 v45, v50;
	v50 =	vmax.f32 v43, v14;
	v38 =	vld.idx.msk [tilespmem:v9+s2+$0x0], $0xffff  }
.Ltmp1:
0x2ef: {  	[tilespmem:s7+$0xFFFFFED0] =	vst v50;
	v6 =	vmin.f32 v43, v14;
	v40 =	vld.idx.msk [tilespmem:v0+s2+$0x0], $0xffff;
	(pc) =	sbr.rel @p0 .LBB2_5-.Ltmp1, $4  }
0x2f0: {  	v2 =	vmin.f32 v48, v49;
	v1 =	vmin.f32 v47, v51;
	v3 =	vadd.s32 s10, v31;
	[tilespmem:s7+$0xFFFFFE50] =	vst v6;
	v42 =	vld.idx.msk [tilespmem:v7+s2+$0x0], $0xffff  }
0x2f1: {  	v61 =	vmin.f32 v44, v46;
	v0 =	vshll.u32 v3, $0x7;
	v3 =	vmax.f32 v48, v49;
	v41 =	vld.idx.msk [tilespmem:v63+s2+$0x0], $0xffff  }
0x2f2: {  	[tilespmem:s5+$0x60] =	vst v17;
	v0 =	vand.u32 $0xFF00, v0;
	v63 =	vmax.f32 v47, v51;
	v43 =	vld.idx.msk [tilespmem:v16+s2+$0x0], $0xffff;
	v16 =	vlaneseq.u32  }
0x2f3: {  	s9 =	sadd.s32 $0x8, s9;
	[tilespmem:s5+$0xE0] =	vst v18;
	v44 =	vor.u32 v23, v0;
	v46 =	vor.u32 v15, v0;
	v45 =	vmin.f32 v4, v5  }
0x2f4: {  	[tilespmem:s7+$0x160] =	vst v45  }
0x2f5: {  	[tilespmem:s5+$0xFFFFFE60] =	vst v54  }
0x2f6: {  	[tilespmem:s5+$0xFFFFFEE0] =	vst v55  }
0x2f7: {  	[tilespmem:s1+$0xFFFFFF70] =	vst v62  }
0x2f8: {  	[tilespmem:s1+$0xFFFFFFF0] =	vst v60  }
0x2f9: {  	[tilespmem:s1+$0x70] =	vst v2  }
0x2fa: {  	[tilespmem:s1+$0xF0] =	vst v3  }
0x2fb: {  	[tilespmem:s5+$0x170] =	vst v61  }
0x2fc: {  	[tilespmem:s1+$0xFFFFFE70] =	vst v1  }
0x2fd: {  	v0 =	vmax.f32 v4, v5;
	[tilespmem:s1+$0xFFFFFEF0] =	vst v63  }
0x2fe: {  	v48 =	vld.idx.msk [tilespmem:v33+s2+$0x0], $0xffff;
	v49 =	vmin.f32 v38, v40;
	[tilespmem:s7+$0x1E0] =	vst v0  }
0x2ff: {  	v3 =	vld.idx.msk [tilespmem:v32+s2+$0x0], $0xffff;
	v5 =	vmax.f32 v38, v40;
	[tilespmem:s7+$0xFFFFFF60] =	vst v49  }
0x300: {  	v50 =	vld.idx.msk [tilespmem:v35+s2+$0x0], $0xffff;
	v6 =	vmin.f32 v39, v42;
	[tilespmem:s7+$0xFFFFFFE0] =	vst v5  }
0x301: {  	v5 =	vld.idx.msk [tilespmem:v36+s2+$0x0], $0xffff;
	v7 =	vmax.f32 v39, v42;
	[tilespmem:s7+$0x60] =	vst v6  }
0x302: {  	v0 =	vld.idx.msk [tilespmem:v44+s2+$0x0], $0xffff;
	[tilespmem:s7+$0xE0] =	vst v7;
	v6 =	vmin.f32 v41, v43  }
0x303: {  	v4 =	vld.idx.msk [tilespmem:v46+s2+$0x0], $0xffff;
	v8 =	vmax.f32 v41, v43;
	[tilespmem:s7+$0xFFFFFE60] =	vst v6  }
0x304: {  	v7 =	vld.idx.msk [tilespmem:v34+s2+$0x0], $0xffff;
	[tilespmem:s7+$0xFFFFFEE0] =	vst v8;
	v9 =	vmin.f32 v48, v3  }
0x305: {  	v6 =	vld.idx.msk [tilespmem:v37+s2+$0x0], $0xffff;
	v1 =	vmax.f32 v48, v3;
	[tilespmem:s5+$0xFFFFFF70] =	vst v9  }
0x306: {  	v3 =	vld.idx.msk [tilespmem:v59+s2+$0x0], $0xffff;
	v8 =	vmin.f32 v50, v5;
	[tilespmem:s5+$0xFFFFFFF0] =	vst v1  }
0x307: {  	v9 =	vld.idx.msk [tilespmem:v58+s2+$0x0], $0xffff;
	v51 =	vmax.f32 v50, v5;
	[tilespmem:s5+$0x70] =	vst v8  }
0x308: {  	v54 =	vld.idx.msk [tilespmem:v57+s2+$0x0], $0xffff;
	v47 =	vmax.f32 v0, v4;
	[tilespmem:s5+$0xF0] =	vst v51  }
0x309: {  	v0 =	vmin.f32 v0, v4;
	v4 =	vld.idx.msk [tilespmem:v52+s2+$0x0], $0xffff;
	[tilespmem:s7+$0x1F0] =	vst v47  }
0x30a: {  	v5 =	vld.idx.msk [tilespmem:v56+s2+$0x0], $0xffff;
	[tilespmem:s7+$0x170] =	vst v0;
	v55 =	vmin.f32 v7, v6  }
0x30b: {  	v57 =	vmax.f32 v7, v6;
	v6 =	vld.idx.msk [tilespmem:v53+s2+$0x0], $0xffff;
	[tilespmem:s5+$0xFFFFFE70] =	vst v55  }
0x30c: {  	[tilespmem:s5+$0xFFFFFEF0] =	vst v57;
	v58 =	vmin.f32 v3, v9  }
0x30d: {  	v59 =	vmax.f32 v3, v9;
	[tilespmem:s7+$0xFFFFFF70] =	vst v58  }
0x30e: {  	v60 =	vmin.f32 v54, v4;
	[tilespmem:s7+$0xFFFFFFF0] =	vst v59  }
0x30f: {  	v61 =	vmax.f32 v54, v4;
	[tilespmem:s7+$0x70] =	vst v60  }
0x310: {  	[tilespmem:s7+$0xF0] =	vst v61;
	v62 =	vmin.f32 v5, v6  }
0x311: {  	v63 =	vmax.f32 v5, v6;
	[tilespmem:s7+$0xFFFFFE70] =	vst v62  }
0x312: {  	[tilespmem:s7+$0xFFFFFEF0] =	vst v63  }
0x313: {  	s31 =	sadd.s32 $0x1, s31;
	v5 =	vld [tilespmem:$0x1FF80]  }
0x314: {  	p0 =	sne.s32 s31, $0x20;
	v6 =	vld [tilespmem:$0x1FF90]  }
.Ltmp2:
0x315: {  	s0 =	sshll.u32 s0, $0xA;
	v12 =	vld [tilespmem:$0x1FFE0];
	(pc) =	sbr.rel @p0 .LBB2_2-.Ltmp2, $4  }
0x316: {  	s0 =	sadd.s32 s4, s0;
	v11 =	vld [tilespmem:$0x1FFD0]  }
0x317: {  	s0 =	sshrl.u32 s0, $0x3;
	v13 =	vld [tilespmem:$0x1FFF0]  }
0x318: {  	s0 =	sadd.s32 s0, s21;
	v7 =	vld [tilespmem:$0x1FFA0]  }
0x319: {  	[hbm4b:s0+s23] =	stream.strided.scatter [tilespmem:s28], [sflag:$0x2], $0x2000, s24, s23, $0x38;
	v9 =	vld [tilespmem:$0x1FFB0]  }
0x31a: {  	s30 =	sadd.s32 $0x1, s30  }
0x31b: {  	_ =	swait.ge [sflag:s29], $0x2000;
	p0 =	sne.s32 s30, s22  }
.Ltmp3:
0x31c: {  	[sflag:s29] =	ssyncset.done $0x0;
	(pc) =	sbr.rel @p0 .LBB2_1-.Ltmp3, $4  }
0x31d: {  	[sflag:s29] =	ssyncadd.s32 $0xFFFFE000  }
0x31e: {  	_ =	swait.ge [sflag:s29], $0x2000  }
0x31f: {  	[sflag:s29] =	ssyncset.done $0x0  }
0x320: {  	[sflag:s29] =	ssyncadd.s32 $0xFFFFE000  }
0x321: {  	_ =	sfence.sel $0x180000  }
0x322: {  	[bflag:$0x0] =	sbarrier.arrive $0xFFFF  }
0x323: {  	_ =	strace $0x90000047  }
0x324: {  	s0 =	stileid.u32;
	[bflag:$0x2] =	sbarrier.arrive $0xFFFF  }
0x325: {  	p0 =	sne.s32 s0, $0x0;
	s0 =	rddreg [dreg:$0x2]  }
0x326: {  	s0 =	sadd.s32 @!p0 $0x100000, s0  }
0x327: {  	[sflag:s0] =	ssyncadd.tile.s32 @!p0 $0x1;
	_ =	shalt  }
.Lfunc_end2:
_tile_overlayer_lowered:
.L_overlay_start_2:
0x328: {  	(tag) =	ssettag $0x2  }
0x329: {  	s0 =	rddreg [dreg:$0x0];
	s2 =	stileid.u32  }
0x32a: {  	s1 =	rddreg [dreg:$0x1];
	p0 =	sne.s32 s2, $0x0  }
0x32b: {  	s3 =	rddreg [dreg:$0x2];
	[bflag:$0x3] =	sbarrier.arrive $0xFFFF;
	s2 =	simm.s32 @!p0 $0x1C03  }
0x32c: {  	[timem:s3], [sflag:s2] =	dma.local @!p0 [hbm:s0], s1  }
0x32d: {  	s0 =	simm.s32 @!p0 $0x3  }
0x32e: {  	_ =	swait.ge @!p0 [sflag:s0], s1  }
0x32f: {  	s1 =	ssub.s32 @!p0 $0x0, s1;
	[sflag:s0] =	ssyncset.done @!p0 $0x0  }
0x330: {  	[sflag:s0] =	ssyncadd.s32 @!p0 s1  }
0x331: {  	[bflag:$0x3] =	sbarrier.arrive $0xFFFF  }
0x332: {  	_ =	shalt  }

</sc_bundles>
